<compile_context>
chip_gen: v7x
topology: tpu7x:2x2x1
jax: 0.10.2.dev20260603
libtpu: 0.0.44.dev20260713+nightly
codegen_flags: <defaults>
</compile_context>

<pallas_src>
import functools

import jax
import jax.numpy as jnp
from jax import lax
from jax.experimental import pallas as pl
from jax.experimental.pallas import tpu as pltpu
from jax.experimental.pallas import tpu_sc as plsc

BATCH = 16384
FIELDS = 26
DIM = 32
B = BATCH * FIELDS

_info = plsc.get_sparse_core_info()
NC = _info.num_cores
NS = _info.num_subcores
NW = NC * NS

CHUNK = 832
N_CHUNKS = 16
NBUF = 4
B_PER_W = CHUNK * N_CHUNKS
ROWS = B // CHUNK


def _embed_body(table_hbm, idx_hbm, out_hbm, idx_v, rows_v, g_sem, s_sem):
    wid = lax.axis_index("s") * NC + lax.axis_index("c")
    row0 = wid * N_CHUNKS
    pltpu.sync_copy(idx_hbm.at[pl.ds(row0, N_CHUNKS)], idx_v)

    hg = [None] * NBUF
    hs = [None] * NBUF
    for b in range(NBUF):
        hg[b] = pltpu.async_copy(
            table_hbm.at[idx_v.at[b]], rows_v.at[b], g_sem.at[b]
        )
    for i in range(N_CHUNKS):
        b = i % NBUF
        hg[b].wait()
        hs[b] = pltpu.async_copy(rows_v.at[b], out_hbm.at[row0 + i], s_sem.at[b])
        nxt = i + NBUF
        if nxt < N_CHUNKS:
            hs[b].wait()
            hg[b] = pltpu.async_copy(
                table_hbm.at[idx_v.at[nxt]], rows_v.at[b], g_sem.at[b]
            )
    for b in range(NBUF):
        hs[b].wait()


_embed = functools.partial(
    pl.kernel,
    mesh=plsc.VectorSubcoreMesh(core_axis_name="c", subcore_axis_name="s"),
    compiler_params=pltpu.CompilerParams(use_tc_tiling_on_sc=False),
    out_type=jax.ShapeDtypeStruct((ROWS, CHUNK, DIM), jnp.float32),
    scratch_types=[
        pltpu.VMEM((N_CHUNKS, CHUNK), jnp.int32),
        pltpu.VMEM((NBUF, CHUNK, DIM), jnp.float32),
        pltpu.SemaphoreType.DMA((NBUF,)),
        pltpu.SemaphoreType.DMA((NBUF,)),
    ],
)(_embed_body)


def kernel(inputs, embeddings):
    idx2 = inputs.reshape(ROWS, CHUNK).astype(jnp.int32)
    out = _embed(embeddings, idx2)
    return out.reshape(BATCH, FIELDS, DIM)

# --- scband reference (transcript-rebuilt; emitter-appended) ---
"""Pipeline reference for scband-embedding-layer-80238579023922 (READ-ONLY COPY).

The authoritative reference and input builder live on the scoring server;
editing this copy changes nothing except your own understanding.
"""

import jax, jax.numpy as jnp
import numpy as np

NUM_EMBEDDINGS = 1000000
EMBEDDING_DIM = 32
BATCH = 16384
FIELDS = 26

def setup_inputs(seed: int = 0) -> dict:
    key = jax.random.key(seed)
    k_idx, k_tab = jax.random.split(key)
    inputs = jax.random.randint(k_idx, (BATCH, FIELDS), 0, NUM_EMBEDDINGS, dtype=jnp.int64 if jax.config.jax_enable_x64 else jnp.int32)
    embeddings = jax.random.normal(k_tab, (NUM_EMBEDDINGS, EMBEDDING_DIM), dtype=jnp.float32) * 0.05
    return {"inputs": inputs, "embeddings": embeddings}

def reference(inputs, embeddings):
    # tf.nn.embedding_lookup(self.embeddings, inputs) -> gather along axis 0
    return jnp.take(embeddings, inputs, axis=0)

if __name__ == "__main__":
    import jax
    _d = setup_inputs()
    print(jax.jit(kernel)(*tuple(_d.values())))

</pallas_src>

<mosaic_0001>
#map = affine_map<(d0, d1) -> (0, 0)>
#map1 = affine_map<(d0, d1) -> (0, 0, 0)>
module attributes {stable_mosaic.version = 14 : i64} {
  func.func @_embed_body(%arg0: i32, %arg1: i32, %arg2: memref<1000000x32xf32, #tpu.memory_space<hbm>>, %arg3: memref<512x832xi32, #tpu.memory_space<hbm>>, %arg4: memref<512x832x32xf32, #tpu.memory_space<hbm>>, %arg5: memref<16x832xi32, #tpu.memory_space<vmem>>, %arg6: memref<4x832x32xf32, #tpu.memory_space<vmem>>, %arg7: memref<4x!tpu.dma_semaphore, #tpu.memory_space<semaphore_mem>>, %arg8: memref<4x!tpu.dma_semaphore, #tpu.memory_space<semaphore_mem>>) attributes {dimension_semantics = [#tpu.dimension_semantics<core_parallel>, #tpu.dimension_semantics<subcore_parallel>], iteration_bounds = array<i64: 2, 16>, scalar_prefetch = 0 : i64, scratch_operands = 4 : i64, tpu.core_type = #tpu.core_type<sc_vector_subcore>, window_params = [{transform_indices = #map}, {transform_indices = #map}, {transform_indices = #map1}]} {
    %mul3A = arith.constant 2 : i32
    %mul3A_0 = arith.muli %arg1, %mul3A : i32
    %add3A = arith.addi %mul3A_0, %arg0 : i32
    %mul3A_1 = arith.constant 16 : i32
    %mul3A_2 = arith.muli %add3A, %mul3A_1 : i32
    "tpu.region"() ({
      %run_scoped3A = tpu.sem_alloc : memref<!tpu.dma_semaphore, #tpu.memory_space<semaphore_mem>>
      %dma_start3A_1153 = arith.constant 0 : i32
      %dma_start3A_1154 = tpu.memref_slice %arg3[%mul3A_2, %dma_start3A_1153] : memref<512x832xi32, #tpu.memory_space<hbm>> -> memref<16x832xi32, #tpu.memory_space<hbm>>
      %dma_start3A_1155 = arith.constant 0 : i32
      %dma_start3A_1156 = tpu.memref_slice %arg3[%mul3A_2, %dma_start3A_1155] : memref<512x832xi32, #tpu.memory_space<hbm>> -> memref<16x832xi32, #tpu.memory_space<hbm>>
      tpu.enqueue_dma source(%dma_start3A_1156 : memref<16x832xi32, #tpu.memory_space<hbm>>) target(%arg5 : memref<16x832xi32, #tpu.memory_space<vmem>>) target_semaphore(%run_scoped3A : memref<!tpu.dma_semaphore, #tpu.memory_space<semaphore_mem>>)
      %dma_wait3A_1157 = arith.constant 0 : i32
      %dma_wait3A_1158 = tpu.memref_slice %arg3[%mul3A_2, %dma_wait3A_1157] : memref<512x832xi32, #tpu.memory_space<hbm>> -> memref<16x832xi32, #tpu.memory_space<hbm>>
      %dma_wait3A_1159 = arith.constant 0 : i32
      %dma_wait3A_1160 = tpu.memref_slice %arg3[%mul3A_2, %dma_wait3A_1159] : memref<512x832xi32, #tpu.memory_space<hbm>> -> memref<16x832xi32, #tpu.memory_space<hbm>>
      tpu.wait_dma2 semaphore(%run_scoped3A : memref<!tpu.dma_semaphore, #tpu.memory_space<semaphore_mem>>) src(%dma_wait3A_1160 : memref<16x832xi32, #tpu.memory_space<hbm>>) dst(%arg5 : memref<16x832xi32, #tpu.memory_space<vmem>>)
      tpu.yield
    }) : () -> ()
    %dma_start3A = arith.constant 0 : i32
    %dma_start3A_3 = arith.constant 0 : i32
    %dma_start3A_4 = arith.constant 0 : i32
    %dma_start3A_5 = arith.constant 0 : i32
    %dma_start3A_6 = arith.constant 0 : i32
    %dma_start3A_7 = tpu.memref_slice %arg6[%dma_start3A_3, %dma_start3A_5, %dma_start3A_6] : memref<4x832x32xf32, #tpu.memory_space<vmem>> -> memref<1x832x32xf32, #tpu.memory_space<vmem>>
    %dma_start3A_8 = tpu.memref_squeeze %dma_start3A_7 : memref<1x832x32xf32, #tpu.memory_space<vmem>> -> memref<832x32xf32, #tpu.memory_space<vmem>>
    %dma_start3A_9 = arith.constant 0 : i32
    %dma_start3A_10 = tpu.memref_slice %arg5[%dma_start3A, %dma_start3A_9] : memref<16x832xi32, #tpu.memory_space<vmem>> -> memref<1x832xi32, #tpu.memory_space<vmem>>
    %dma_start3A_11 = tpu.memref_squeeze %dma_start3A_10 : memref<1x832xi32, #tpu.memory_space<vmem>> -> memref<832xi32, #tpu.memory_space<vmem>>
    %dma_start3A_12 = arith.constant 0 : i32
    %dma_start3A_13 = arith.constant 0 : i32
    %dma_start3A_14 = tpu.memref_slice %arg2[%dma_start3A_12, %dma_start3A_13] : memref<1000000x32xf32, #tpu.memory_space<hbm>> -> memref<1000000x32xf32, #tpu.memory_space<hbm>>
    %dma_start3A_15 = tpu.memref_slice %arg7[%dma_start3A_4] : memref<4x!tpu.dma_semaphore, #tpu.memory_space<semaphore_mem>> -> memref<1x!tpu.dma_semaphore, #tpu.memory_space<semaphore_mem>>
    %dma_start3A_16 = tpu.memref_squeeze %dma_start3A_15 : memref<1x!tpu.dma_semaphore, #tpu.memory_space<semaphore_mem>> -> memref<!tpu.dma_semaphore, #tpu.memory_space<semaphore_mem>>
    tpu.enqueue_indirect_dma source(%dma_start3A_14 : memref<1000000x32xf32, #tpu.memory_space<hbm>>) target(%dma_start3A_8 : memref<832x32xf32, #tpu.memory_space<vmem>>) offsets(%dma_start3A_11 : memref<832xi32, #tpu.memory_space<vmem>>) semaphore(%dma_start3A_16 : memref<!tpu.dma_semaphore, #tpu.memory_space<semaphore_mem>>)
    %dma_start3A_17 = arith.constant 1 : i32
    %dma_start3A_18 = arith.constant 1 : i32
    %dma_start3A_19 = arith.constant 1 : i32
    %dma_start3A_20 = arith.constant 0 : i32
    %dma_start3A_21 = arith.constant 0 : i32
    %dma_start3A_22 = tpu.memref_slice %arg6[%dma_start3A_18, %dma_start3A_20, %dma_start3A_21] : memref<4x832x32xf32, #tpu.memory_space<vmem>> -> memref<1x832x32xf32, #tpu.memory_space<vmem>>
    %dma_start3A_23 = tpu.memref_squeeze %dma_start3A_22 : memref<1x832x32xf32, #tpu.memory_space<vmem>> -> memref<832x32xf32, #tpu.memory_space<vmem>>
    %dma_start3A_24 = arith.constant 0 : i32
    %dma_start3A_25 = tpu.memref_slice %arg5[%dma_start3A_17, %dma_start3A_24] : memref<16x832xi32, #tpu.memory_space<vmem>> -> memref<1x832xi32, #tpu.memory_space<vmem>>
    %dma_start3A_26 = tpu.memref_squeeze %dma_start3A_25 : memref<1x832xi32, #tpu.memory_space<vmem>> -> memref<832xi32, #tpu.memory_space<vmem>>
    %dma_start3A_27 = arith.constant 0 : i32
    %dma_start3A_28 = arith.constant 0 : i32
    %dma_start3A_29 = tpu.memref_slice %arg2[%dma_start3A_27, %dma_start3A_28] : memref<1000000x32xf32, #tpu.memory_space<hbm>> -> memref<1000000x32xf32, #tpu.memory_space<hbm>>
    %dma_start3A_30 = tpu.memref_slice %arg7[%dma_start3A_19] : memref<4x!tpu.dma_semaphore, #tpu.memory_space<semaphore_mem>> -> memref<1x!tpu.dma_semaphore, #tpu.memory_space<semaphore_mem>>
    %dma_start3A_31 = tpu.memref_squeeze %dma_start3A_30 : memref<1x!tpu.dma_semaphore, #tpu.memory_space<semaphore_mem>> -> memref<!tpu.dma_semaphore, #tpu.memory_space<semaphore_mem>>
    tpu.enqueue_indirect_dma source(%dma_start3A_29 : memref<1000000x32xf32, #tpu.memory_space<hbm>>) target(%dma_start3A_23 : memref<832x32xf32, #tpu.memory_space<vmem>>) offsets(%dma_start3A_26 : memref<832xi32, #tpu.memory_space<vmem>>) semaphore(%dma_start3A_31 : memref<!tpu.dma_semaphore, #tpu.memory_space<semaphore_mem>>)
    %dma_start3A_32 = arith.constant 2 : i32
    %dma_start3A_33 = arith.constant 2 : i32
    %dma_start3A_34 = arith.constant 2 : i32
    %dma_start3A_35 = arith.constant 0 : i32
    %dma_start3A_36 = arith.constant 0 : i32
    %dma_start3A_37 = tpu.memref_slice %arg6[%dma_start3A_33, %dma_start3A_35, %dma_start3A_36] : memref<4x832x32xf32, #tpu.memory_space<vmem>> -> memref<1x832x32xf32, #tpu.memory_space<vmem>>
    %dma_start3A_38 = tpu.memref_squeeze %dma_start3A_37 : memref<1x832x32xf32, #tpu.memory_space<vmem>> -> memref<832x32xf32, #tpu.memory_space<vmem>>
    %dma_start3A_39 = arith.constant 0 : i32
    %dma_start3A_40 = tpu.memref_slice %arg5[%dma_start3A_32, %dma_start3A_39] : memref<16x832xi32, #tpu.memory_space<vmem>> -> memref<1x832xi32, #tpu.memory_space<vmem>>
    %dma_start3A_41 = tpu.memref_squeeze %dma_start3A_40 : memref<1x832xi32, #tpu.memory_space<vmem>> -> memref<832xi32, #tpu.memory_space<vmem>>
    %dma_start3A_42 = arith.constant 0 : i32
    %dma_start3A_43 = arith.constant 0 : i32
    %dma_start3A_44 = tpu.memref_slice %arg2[%dma_start3A_42, %dma_start3A_43] : memref<1000000x32xf32, #tpu.memory_space<hbm>> -> memref<1000000x32xf32, #tpu.memory_space<hbm>>
    %dma_start3A_45 = tpu.memref_slice %arg7[%dma_start3A_34] : memref<4x!tpu.dma_semaphore, #tpu.memory_space<semaphore_mem>> -> memref<1x!tpu.dma_semaphore, #tpu.memory_space<semaphore_mem>>
    %dma_start3A_46 = tpu.memref_squeeze %dma_start3A_45 : memref<1x!tpu.dma_semaphore, #tpu.memory_space<semaphore_mem>> -> memref<!tpu.dma_semaphore, #tpu.memory_space<semaphore_mem>>
    tpu.enqueue_indirect_dma source(%dma_start3A_44 : memref<1000000x32xf32, #tpu.memory_space<hbm>>) target(%dma_start3A_38 : memref<832x32xf32, #tpu.memory_space<vmem>>) offsets(%dma_start3A_41 : memref<832xi32, #tpu.memory_space<vmem>>) semaphore(%dma_start3A_46 : memref<!tpu.dma_semaphore, #tpu.memory_space<semaphore_mem>>)
    %dma_start3A_47 = arith.constant 3 : i32
    %dma_start3A_48 = arith.constant 3 : i32
    %dma_start3A_49 = arith.constant 3 : i32
    %dma_start3A_50 = arith.constant 0 : i32
    %dma_start3A_51 = arith.constant 0 : i32
    %dma_start3A_52 = tpu.memref_slice %arg6[%dma_start3A_48, %dma_start3A_50, %dma_start3A_51] : memref<4x832x32xf32, #tpu.memory_space<vmem>> -> memref<1x832x32xf32, #tpu.memory_space<vmem>>
    %dma_start3A_53 = tpu.memref_squeeze %dma_start3A_52 : memref<1x832x32xf32, #tpu.memory_space<vmem>> -> memref<832x32xf32, #tpu.memory_space<vmem>>
    %dma_start3A_54 = arith.constant 0 : i32
    %dma_start3A_55 = tpu.memref_slice %arg5[%dma_start3A_47, %dma_start3A_54] : memref<16x832xi32, #tpu.memory_space<vmem>> -> memref<1x832xi32, #tpu.memory_space<vmem>>
    %dma_start3A_56 = tpu.memref_squeeze %dma_start3A_55 : memref<1x832xi32, #tpu.memory_space<vmem>> -> memref<832xi32, #tpu.memory_space<vmem>>
    %dma_start3A_57 = arith.constant 0 : i32
    %dma_start3A_58 = arith.constant 0 : i32
    %dma_start3A_59 = tpu.memref_slice %arg2[%dma_start3A_57, %dma_start3A_58] : memref<1000000x32xf32, #tpu.memory_space<hbm>> -> memref<1000000x32xf32, #tpu.memory_space<hbm>>
    %dma_start3A_60 = tpu.memref_slice %arg7[%dma_start3A_49] : memref<4x!tpu.dma_semaphore, #tpu.memory_space<semaphore_mem>> -> memref<1x!tpu.dma_semaphore, #tpu.memory_space<semaphore_mem>>
    %dma_start3A_61 = tpu.memref_squeeze %dma_start3A_60 : memref<1x!tpu.dma_semaphore, #tpu.memory_space<semaphore_mem>> -> memref<!tpu.dma_semaphore, #tpu.memory_space<semaphore_mem>>
    tpu.enqueue_indirect_dma source(%dma_start3A_59 : memref<1000000x32xf32, #tpu.memory_space<hbm>>) target(%dma_start3A_53 : memref<832x32xf32, #tpu.memory_space<vmem>>) offsets(%dma_start3A_56 : memref<832xi32, #tpu.memory_space<vmem>>) semaphore(%dma_start3A_61 : memref<!tpu.dma_semaphore, #tpu.memory_space<semaphore_mem>>)
    %dma_wait3A = arith.constant 0 : i32
    %dma_wait3A_62 = arith.constant 0 : i32
    %dma_wait3A_63 = arith.constant 0 : i32
    %dma_wait3A_64 = arith.constant 0 : i32
    %dma_wait3A_65 = arith.constant 0 : i32
    %dma_wait3A_66 = tpu.memref_slice %arg6[%dma_wait3A_62, %dma_wait3A_64, %dma_wait3A_65] : memref<4x832x32xf32, #tpu.memory_space<vmem>> -> memref<1x832x32xf32, #tpu.memory_space<vmem>>
    %dma_wait3A_67 = tpu.memref_squeeze %dma_wait3A_66 : memref<1x832x32xf32, #tpu.memory_space<vmem>> -> memref<832x32xf32, #tpu.memory_space<vmem>>
    %dma_wait3A_68 = arith.constant 0 : i32
    %dma_wait3A_69 = tpu.memref_slice %arg5[%dma_wait3A, %dma_wait3A_68] : memref<16x832xi32, #tpu.memory_space<vmem>> -> memref<1x832xi32, #tpu.memory_space<vmem>>
    %dma_wait3A_70 = tpu.memref_squeeze %dma_wait3A_69 : memref<1x832xi32, #tpu.memory_space<vmem>> -> memref<832xi32, #tpu.memory_space<vmem>>
    %dma_wait3A_71 = arith.constant 0 : i32
    %dma_wait3A_72 = arith.constant 0 : i32
    %dma_wait3A_73 = tpu.memref_slice %arg2[%dma_wait3A_71, %dma_wait3A_72] : memref<1000000x32xf32, #tpu.memory_space<hbm>> -> memref<1000000x32xf32, #tpu.memory_space<hbm>>
    %dma_wait3A_74 = tpu.memref_slice %arg7[%dma_wait3A_63] : memref<4x!tpu.dma_semaphore, #tpu.memory_space<semaphore_mem>> -> memref<1x!tpu.dma_semaphore, #tpu.memory_space<semaphore_mem>>
    %dma_wait3A_75 = tpu.memref_squeeze %dma_wait3A_74 : memref<1x!tpu.dma_semaphore, #tpu.memory_space<semaphore_mem>> -> memref<!tpu.dma_semaphore, #tpu.memory_space<semaphore_mem>>
    tpu.wait_indirect_dma semaphore(%dma_wait3A_75 : memref<!tpu.dma_semaphore, #tpu.memory_space<semaphore_mem>>) src(%dma_wait3A_73 : memref<1000000x32xf32, #tpu.memory_space<hbm>>) dst(%dma_wait3A_67 : memref<832x32xf32, #tpu.memory_space<vmem>>)
    %add3A_76 = arith.constant 0 : i32
    %add3A_77 = arith.addi %mul3A_2, %add3A_76 : i32
    %dma_start3A_78 = arith.constant 0 : i32
    %dma_start3A_79 = arith.constant 0 : i32
    %dma_start3A_80 = arith.constant 0 : i32
    %dma_start3A_81 = arith.constant 0 : i32
    %dma_start3A_82 = tpu.memref_slice %arg6[%dma_start3A_78, %dma_start3A_80, %dma_start3A_81] : memref<4x832x32xf32, #tpu.memory_space<vmem>> -> memref<1x832x32xf32, #tpu.memory_space<vmem>>
    %dma_start3A_83 = tpu.memref_squeeze %dma_start3A_82 : memref<1x832x32xf32, #tpu.memory_space<vmem>> -> memref<832x32xf32, #tpu.memory_space<vmem>>
    %dma_start3A_84 = arith.constant 0 : i32
    %dma_start3A_85 = arith.constant 0 : i32
    %dma_start3A_86 = tpu.memref_slice %arg4[%add3A_77, %dma_start3A_84, %dma_start3A_85] : memref<512x832x32xf32, #tpu.memory_space<hbm>> -> memref<1x832x32xf32, #tpu.memory_space<hbm>>
    %dma_start3A_87 = tpu.memref_squeeze %dma_start3A_86 : memref<1x832x32xf32, #tpu.memory_space<hbm>> -> memref<832x32xf32, #tpu.memory_space<hbm>>
    %dma_start3A_88 = tpu.memref_slice %arg8[%dma_start3A_79] : memref<4x!tpu.dma_semaphore, #tpu.memory_space<semaphore_mem>> -> memref<1x!tpu.dma_semaphore, #tpu.memory_space<semaphore_mem>>
    %dma_start3A_89 = tpu.memref_squeeze %dma_start3A_88 : memref<1x!tpu.dma_semaphore, #tpu.memory_space<semaphore_mem>> -> memref<!tpu.dma_semaphore, #tpu.memory_space<semaphore_mem>>
    %dma_start3A_90 = arith.constant 0 : i32
    %dma_start3A_91 = arith.constant 0 : i32
    %dma_start3A_92 = tpu.memref_slice %arg4[%add3A_77, %dma_start3A_90, %dma_start3A_91] : memref<512x832x32xf32, #tpu.memory_space<hbm>> -> memref<1x832x32xf32, #tpu.memory_space<hbm>>
    %dma_start3A_93 = tpu.memref_squeeze %dma_start3A_92 : memref<1x832x32xf32, #tpu.memory_space<hbm>> -> memref<832x32xf32, #tpu.memory_space<hbm>>
    %dma_start3A_94 = arith.constant 0 : i32
    %dma_start3A_95 = arith.constant 0 : i32
    %dma_start3A_96 = tpu.memref_slice %arg6[%dma_start3A_78, %dma_start3A_94, %dma_start3A_95] : memref<4x832x32xf32, #tpu.memory_space<vmem>> -> memref<1x832x32xf32, #tpu.memory_space<vmem>>
    %dma_start3A_97 = tpu.memref_squeeze %dma_start3A_96 : memref<1x832x32xf32, #tpu.memory_space<vmem>> -> memref<832x32xf32, #tpu.memory_space<vmem>>
    tpu.enqueue_dma source(%dma_start3A_97 : memref<832x32xf32, #tpu.memory_space<vmem>>) target(%dma_start3A_93 : memref<832x32xf32, #tpu.memory_space<hbm>>) target_semaphore(%dma_start3A_89 : memref<!tpu.dma_semaphore, #tpu.memory_space<semaphore_mem>>)
    %dma_wait3A_98 = arith.constant 0 : i32
    %dma_wait3A_99 = arith.constant 0 : i32
    %dma_wait3A_100 = arith.constant 0 : i32
    %dma_wait3A_101 = arith.constant 0 : i32
    %dma_wait3A_102 = tpu.memref_slice %arg6[%dma_wait3A_98, %dma_wait3A_100, %dma_wait3A_101] : memref<4x832x32xf32, #tpu.memory_space<vmem>> -> memref<1x832x32xf32, #tpu.memory_space<vmem>>
    %dma_wait3A_103 = tpu.memref_squeeze %dma_wait3A_102 : memref<1x832x32xf32, #tpu.memory_space<vmem>> -> memref<832x32xf32, #tpu.memory_space<vmem>>
    %dma_wait3A_104 = arith.constant 0 : i32
    %dma_wait3A_105 = arith.constant 0 : i32
    %dma_wait3A_106 = tpu.memref_slice %arg4[%add3A_77, %dma_wait3A_104, %dma_wait3A_105] : memref<512x832x32xf32, #tpu.memory_space<hbm>> -> memref<1x832x32xf32, #tpu.memory_space<hbm>>
    %dma_wait3A_107 = tpu.memref_squeeze %dma_wait3A_106 : memref<1x832x32xf32, #tpu.memory_space<hbm>> -> memref<832x32xf32, #tpu.memory_space<hbm>>
    %dma_wait3A_108 = tpu.memref_slice %arg8[%dma_wait3A_99] : memref<4x!tpu.dma_semaphore, #tpu.memory_space<semaphore_mem>> -> memref<1x!tpu.dma_semaphore, #tpu.memory_space<semaphore_mem>>
    %dma_wait3A_109 = tpu.memref_squeeze %dma_wait3A_108 : memref<1x!tpu.dma_semaphore, #tpu.memory_space<semaphore_mem>> -> memref<!tpu.dma_semaphore, #tpu.memory_space<semaphore_mem>>
    %dma_wait3A_110 = arith.constant 0 : i32
    %dma_wait3A_111 = arith.constant 0 : i32
    %dma_wait3A_112 = tpu.memref_slice %arg4[%add3A_77, %dma_wait3A_110, %dma_wait3A_111] : memref<512x832x32xf32, #tpu.memory_space<hbm>> -> memref<1x832x32xf32, #tpu.memory_space<hbm>>
    %dma_wait3A_113 = tpu.memref_squeeze %dma_wait3A_112 : memref<1x832x32xf32, #tpu.memory_space<hbm>> -> memref<832x32xf32, #tpu.memory_space<hbm>>
    %dma_wait3A_114 = arith.constant 0 : i32
    %dma_wait3A_115 = arith.constant 0 : i32
    %dma_wait3A_116 = tpu.memref_slice %arg6[%dma_wait3A_98, %dma_wait3A_114, %dma_wait3A_115] : memref<4x832x32xf32, #tpu.memory_space<vmem>> -> memref<1x832x32xf32, #tpu.memory_space<vmem>>
    %dma_wait3A_117 = tpu.memref_squeeze %dma_wait3A_116 : memref<1x832x32xf32, #tpu.memory_space<vmem>> -> memref<832x32xf32, #tpu.memory_space<vmem>>
    tpu.wait_dma2 semaphore(%dma_wait3A_109 : memref<!tpu.dma_semaphore, #tpu.memory_space<semaphore_mem>>) src(%dma_wait3A_117 : memref<832x32xf32, #tpu.memory_space<vmem>>) dst(%dma_wait3A_113 : memref<832x32xf32, #tpu.memory_space<hbm>>)
    %dma_start3A_118 = arith.constant 4 : i32
    %dma_start3A_119 = arith.constant 0 : i32
    %dma_start3A_120 = arith.constant 0 : i32
    %dma_start3A_121 = arith.constant 0 : i32
    %dma_start3A_122 = arith.constant 0 : i32
    %dma_start3A_123 = tpu.memref_slice %arg6[%dma_start3A_119, %dma_start3A_121, %dma_start3A_122] : memref<4x832x32xf32, #tpu.memory_space<vmem>> -> memref<1x832x32xf32, #tpu.memory_space<vmem>>
    %dma_start3A_124 = tpu.memref_squeeze %dma_start3A_123 : memref<1x832x32xf32, #tpu.memory_space<vmem>> -> memref<832x32xf32, #tpu.memory_space<vmem>>
    %dma_start3A_125 = arith.constant 0 : i32
    %dma_start3A_126 = tpu.memref_slice %arg5[%dma_start3A_118, %dma_start3A_125] : memref<16x832xi32, #tpu.memory_space<vmem>> -> memref<1x832xi32, #tpu.memory_space<vmem>>
    %dma_start3A_127 = tpu.memref_squeeze %dma_start3A_126 : memref<1x832xi32, #tpu.memory_space<vmem>> -> memref<832xi32, #tpu.memory_space<vmem>>
    %dma_start3A_128 = arith.constant 0 : i32
    %dma_start3A_129 = arith.constant 0 : i32
    %dma_start3A_130 = tpu.memref_slice %arg2[%dma_start3A_128, %dma_start3A_129] : memref<1000000x32xf32, #tpu.memory_space<hbm>> -> memref<1000000x32xf32, #tpu.memory_space<hbm>>
    %dma_start3A_131 = tpu.memref_slice %arg7[%dma_start3A_120] : memref<4x!tpu.dma_semaphore, #tpu.memory_space<semaphore_mem>> -> memref<1x!tpu.dma_semaphore, #tpu.memory_space<semaphore_mem>>
    %dma_start3A_132 = tpu.memref_squeeze %dma_start3A_131 : memref<1x!tpu.dma_semaphore, #tpu.memory_space<semaphore_mem>> -> memref<!tpu.dma_semaphore, #tpu.memory_space<semaphore_mem>>
    tpu.enqueue_indirect_dma source(%dma_start3A_130 : memref<1000000x32xf32, #tpu.memory_space<hbm>>) target(%dma_start3A_124 : memref<832x32xf32, #tpu.memory_space<vmem>>) offsets(%dma_start3A_127 : memref<832xi32, #tpu.memory_space<vmem>>) semaphore(%dma_start3A_132 : memref<!tpu.dma_semaphore, #tpu.memory_space<semaphore_mem>>)
    %dma_wait3A_133 = arith.constant 1 : i32
    %dma_wait3A_134 = arith.constant 1 : i32
    %dma_wait3A_135 = arith.constant 1 : i32
    %dma_wait3A_136 = arith.constant 0 : i32
    %dma_wait3A_137 = arith.constant 0 : i32
    %dma_wait3A_138 = tpu.memref_slice %arg6[%dma_wait3A_134, %dma_wait3A_136, %dma_wait3A_137] : memref<4x832x32xf32, #tpu.memory_space<vmem>> -> memref<1x832x32xf32, #tpu.memory_space<vmem>>
    %dma_wait3A_139 = tpu.memref_squeeze %dma_wait3A_138 : memref<1x832x32xf32, #tpu.memory_space<vmem>> -> memref<832x32xf32, #tpu.memory_space<vmem>>
    %dma_wait3A_140 = arith.constant 0 : i32
    %dma_wait3A_141 = tpu.memref_slice %arg5[%dma_wait3A_133, %dma_wait3A_140] : memref<16x832xi32, #tpu.memory_space<vmem>> -> memref<1x832xi32, #tpu.memory_space<vmem>>
    %dma_wait3A_142 = tpu.memref_squeeze %dma_wait3A_141 : memref<1x832xi32, #tpu.memory_space<vmem>> -> memref<832xi32, #tpu.memory_space<vmem>>
    %dma_wait3A_143 = arith.constant 0 : i32
    %dma_wait3A_144 = arith.constant 0 : i32
    %dma_wait3A_145 = tpu.memref_slice %arg2[%dma_wait3A_143, %dma_wait3A_144] : memref<1000000x32xf32, #tpu.memory_space<hbm>> -> memref<1000000x32xf32, #tpu.memory_space<hbm>>
    %dma_wait3A_146 = tpu.memref_slice %arg7[%dma_wait3A_135] : memref<4x!tpu.dma_semaphore, #tpu.memory_space<semaphore_mem>> -> memref<1x!tpu.dma_semaphore, #tpu.memory_space<semaphore_mem>>
    %dma_wait3A_147 = tpu.memref_squeeze %dma_wait3A_146 : memref<1x!tpu.dma_semaphore, #tpu.memory_space<semaphore_mem>> -> memref<!tpu.dma_semaphore, #tpu.memory_space<semaphore_mem>>
    tpu.wait_indirect_dma semaphore(%dma_wait3A_147 : memref<!tpu.dma_semaphore, #tpu.memory_space<semaphore_mem>>) src(%dma_wait3A_145 : memref<1000000x32xf32, #tpu.memory_space<hbm>>) dst(%dma_wait3A_139 : memref<832x32xf32, #tpu.memory_space<vmem>>)
    %add3A_148 = arith.constant 1 : i32
    %add3A_149 = arith.addi %mul3A_2, %add3A_148 : i32
    %dma_start3A_150 = arith.constant 1 : i32
    %dma_start3A_151 = arith.constant 1 : i32
    %dma_start3A_152 = arith.constant 0 : i32
    %dma_start3A_153 = arith.constant 0 : i32
    %dma_start3A_154 = tpu.memref_slice %arg6[%dma_start3A_150, %dma_start3A_152, %dma_start3A_153] : memref<4x832x32xf32, #tpu.memory_space<vmem>> -> memref<1x832x32xf32, #tpu.memory_space<vmem>>
    %dma_start3A_155 = tpu.memref_squeeze %dma_start3A_154 : memref<1x832x32xf32, #tpu.memory_space<vmem>> -> memref<832x32xf32, #tpu.memory_space<vmem>>
    %dma_start3A_156 = arith.constant 0 : i32
    %dma_start3A_157 = arith.constant 0 : i32
    %dma_start3A_158 = tpu.memref_slice %arg4[%add3A_149, %dma_start3A_156, %dma_start3A_157] : memref<512x832x32xf32, #tpu.memory_space<hbm>> -> memref<1x832x32xf32, #tpu.memory_space<hbm>>
    %dma_start3A_159 = tpu.memref_squeeze %dma_start3A_158 : memref<1x832x32xf32, #tpu.memory_space<hbm>> -> memref<832x32xf32, #tpu.memory_space<hbm>>
    %dma_start3A_160 = tpu.memref_slice %arg8[%dma_start3A_151] : memref<4x!tpu.dma_semaphore, #tpu.memory_space<semaphore_mem>> -> memref<1x!tpu.dma_semaphore, #tpu.memory_space<semaphore_mem>>
    %dma_start3A_161 = tpu.memref_squeeze %dma_start3A_160 : memref<1x!tpu.dma_semaphore, #tpu.memory_space<semaphore_mem>> -> memref<!tpu.dma_semaphore, #tpu.memory_space<semaphore_mem>>
    %dma_start3A_162 = arith.constant 0 : i32
    %dma_start3A_163 = arith.constant 0 : i32
    %dma_start3A_164 = tpu.memref_slice %arg4[%add3A_149, %dma_start3A_162, %dma_start3A_163] : memref<512x832x32xf32, #tpu.memory_space<hbm>> -> memref<1x832x32xf32, #tpu.memory_space<hbm>>
    %dma_start3A_165 = tpu.memref_squeeze %dma_start3A_164 : memref<1x832x32xf32, #tpu.memory_space<hbm>> -> memref<832x32xf32, #tpu.memory_space<hbm>>
    %dma_start3A_166 = arith.constant 0 : i32
    %dma_start3A_167 = arith.constant 0 : i32
    %dma_start3A_168 = tpu.memref_slice %arg6[%dma_start3A_150, %dma_start3A_166, %dma_start3A_167] : memref<4x832x32xf32, #tpu.memory_space<vmem>> -> memref<1x832x32xf32, #tpu.memory_space<vmem>>
    %dma_start3A_169 = tpu.memref_squeeze %dma_start3A_168 : memref<1x832x32xf32, #tpu.memory_space<vmem>> -> memref<832x32xf32, #tpu.memory_space<vmem>>
    tpu.enqueue_dma source(%dma_start3A_169 : memref<832x32xf32, #tpu.memory_space<vmem>>) target(%dma_start3A_165 : memref<832x32xf32, #tpu.memory_space<hbm>>) target_semaphore(%dma_start3A_161 : memref<!tpu.dma_semaphore, #tpu.memory_space<semaphore_mem>>)
    %dma_wait3A_170 = arith.constant 1 : i32
    %dma_wait3A_171 = arith.constant 1 : i32
    %dma_wait3A_172 = arith.constant 0 : i32
    %dma_wait3A_173 = arith.constant 0 : i32
    %dma_wait3A_174 = tpu.memref_slice %arg6[%dma_wait3A_170, %dma_wait3A_172, %dma_wait3A_173] : memref<4x832x32xf32, #tpu.memory_space<vmem>> -> memref<1x832x32xf32, #tpu.memory_space<vmem>>
    %dma_wait3A_175 = tpu.memref_squeeze %dma_wait3A_174 : memref<1x832x32xf32, #tpu.memory_space<vmem>> -> memref<832x32xf32, #tpu.memory_space<vmem>>
    %dma_wait3A_176 = arith.constant 0 : i32
    %dma_wait3A_177 = arith.constant 0 : i32
    %dma_wait3A_178 = tpu.memref_slice %arg4[%add3A_149, %dma_wait3A_176, %dma_wait3A_177] : memref<512x832x32xf32, #tpu.memory_space<hbm>> -> memref<1x832x32xf32, #tpu.memory_space<hbm>>
    %dma_wait3A_179 = tpu.memref_squeeze %dma_wait3A_178 : memref<1x832x32xf32, #tpu.memory_space<hbm>> -> memref<832x32xf32, #tpu.memory_space<hbm>>
    %dma_wait3A_180 = tpu.memref_slice %arg8[%dma_wait3A_171] : memref<4x!tpu.dma_semaphore, #tpu.memory_space<semaphore_mem>> -> memref<1x!tpu.dma_semaphore, #tpu.memory_space<semaphore_mem>>
    %dma_wait3A_181 = tpu.memref_squeeze %dma_wait3A_180 : memref<1x!tpu.dma_semaphore, #tpu.memory_space<semaphore_mem>> -> memref<!tpu.dma_semaphore, #tpu.memory_space<semaphore_mem>>
    %dma_wait3A_182 = arith.constant 0 : i32
    %dma_wait3A_183 = arith.constant 0 : i32
    %dma_wait3A_184 = tpu.memref_slice %arg4[%add3A_149, %dma_wait3A_182, %dma_wait3A_183] : memref<512x832x32xf32, #tpu.memory_space<hbm>> -> memref<1x832x32xf32, #tpu.memory_space<hbm>>
    %dma_wait3A_185 = tpu.memref_squeeze %dma_wait3A_184 : memref<1x832x32xf32, #tpu.memory_space<hbm>> -> memref<832x32xf32, #tpu.memory_space<hbm>>
    %dma_wait3A_186 = arith.constant 0 : i32
    %dma_wait3A_187 = arith.constant 0 : i32
    %dma_wait3A_188 = tpu.memref_slice %arg6[%dma_wait3A_170, %dma_wait3A_186, %dma_wait3A_187] : memref<4x832x32xf32, #tpu.memory_space<vmem>> -> memref<1x832x32xf32, #tpu.memory_space<vmem>>
    %dma_wait3A_189 = tpu.memref_squeeze %dma_wait3A_188 : memref<1x832x32xf32, #tpu.memory_space<vmem>> -> memref<832x32xf32, #tpu.memory_space<vmem>>
    tpu.wait_dma2 semaphore(%dma_wait3A_181 : memref<!tpu.dma_semaphore, #tpu.memory_space<semaphore_mem>>) src(%dma_wait3A_189 : memref<832x32xf32, #tpu.memory_space<vmem>>) dst(%dma_wait3A_185 : memref<832x32xf32, #tpu.memory_space<hbm>>)
    %dma_start3A_190 = arith.constant 5 : i32
    %dma_start3A_191 = arith.constant 1 : i32
    %dma_start3A_192 = arith.constant 1 : i32
    %dma_start3A_193 = arith.constant 0 : i32
    %dma_start3A_194 = arith.constant 0 : i32
    %dma_start3A_195 = tpu.memref_slice %arg6[%dma_start3A_191, %dma_start3A_193, %dma_start3A_194] : memref<4x832x32xf32, #tpu.memory_space<vmem>> -> memref<1x832x32xf32, #tpu.memory_space<vmem>>
    %dma_start3A_196 = tpu.memref_squeeze %dma_start3A_195 : memref<1x832x32xf32, #tpu.memory_space<vmem>> -> memref<832x32xf32, #tpu.memory_space<vmem>>
    %dma_start3A_197 = arith.constant 0 : i32
    %dma_start3A_198 = tpu.memref_slice %arg5[%dma_start3A_190, %dma_start3A_197] : memref<16x832xi32, #tpu.memory_space<vmem>> -> memref<1x832xi32, #tpu.memory_space<vmem>>
    %dma_start3A_199 = tpu.memref_squeeze %dma_start3A_198 : memref<1x832xi32, #tpu.memory_space<vmem>> -> memref<832xi32, #tpu.memory_space<vmem>>
    %dma_start3A_200 = arith.constant 0 : i32
    %dma_start3A_201 = arith.constant 0 : i32
    %dma_start3A_202 = tpu.memref_slice %arg2[%dma_start3A_200, %dma_start3A_201] : memref<1000000x32xf32, #tpu.memory_space<hbm>> -> memref<1000000x32xf32, #tpu.memory_space<hbm>>
    %dma_start3A_203 = tpu.memref_slice %arg7[%dma_start3A_192] : memref<4x!tpu.dma_semaphore, #tpu.memory_space<semaphore_mem>> -> memref<1x!tpu.dma_semaphore, #tpu.memory_space<semaphore_mem>>
    %dma_start3A_204 = tpu.memref_squeeze %dma_start3A_203 : memref<1x!tpu.dma_semaphore, #tpu.memory_space<semaphore_mem>> -> memref<!tpu.dma_semaphore, #tpu.memory_space<semaphore_mem>>
    tpu.enqueue_indirect_dma source(%dma_start3A_202 : memref<1000000x32xf32, #tpu.memory_space<hbm>>) target(%dma_start3A_196 : memref<832x32xf32, #tpu.memory_space<vmem>>) offsets(%dma_start3A_199 : memref<832xi32, #tpu.memory_space<vmem>>) semaphore(%dma_start3A_204 : memref<!tpu.dma_semaphore, #tpu.memory_space<semaphore_mem>>)
    %dma_wait3A_205 = arith.constant 2 : i32
    %dma_wait3A_206 = arith.constant 2 : i32
    %dma_wait3A_207 = arith.constant 2 : i32
    %dma_wait3A_208 = arith.constant 0 : i32
    %dma_wait3A_209 = arith.constant 0 : i32
    %dma_wait3A_210 = tpu.memref_slice %arg6[%dma_wait3A_206, %dma_wait3A_208, %dma_wait3A_209] : memref<4x832x32xf32, #tpu.memory_space<vmem>> -> memref<1x832x32xf32, #tpu.memory_space<vmem>>
    %dma_wait3A_211 = tpu.memref_squeeze %dma_wait3A_210 : memref<1x832x32xf32, #tpu.memory_space<vmem>> -> memref<832x32xf32, #tpu.memory_space<vmem>>
    %dma_wait3A_212 = arith.constant 0 : i32
    %dma_wait3A_213 = tpu.memref_slice %arg5[%dma_wait3A_205, %dma_wait3A_212] : memref<16x832xi32, #tpu.memory_space<vmem>> -> memref<1x832xi32, #tpu.memory_space<vmem>>
    %dma_wait3A_214 = tpu.memref_squeeze %dma_wait3A_213 : memref<1x832xi32, #tpu.memory_space<vmem>> -> memref<832xi32, #tpu.memory_space<vmem>>
    %dma_wait3A_215 = arith.constant 0 : i32
    %dma_wait3A_216 = arith.constant 0 : i32
    %dma_wait3A_217 = tpu.memref_slice %arg2[%dma_wait3A_215, %dma_wait3A_216] : memref<1000000x32xf32, #tpu.memory_space<hbm>> -> memref<1000000x32xf32, #tpu.memory_space<hbm>>
    %dma_wait3A_218 = tpu.memref_slice %arg7[%dma_wait3A_207] : memref<4x!tpu.dma_semaphore, #tpu.memory_space<semaphore_mem>> -> memref<1x!tpu.dma_semaphore, #tpu.memory_space<semaphore_mem>>
    %dma_wait3A_219 = tpu.memref_squeeze %dma_wait3A_218 : memref<1x!tpu.dma_semaphore, #tpu.memory_space<semaphore_mem>> -> memref<!tpu.dma_semaphore, #tpu.memory_space<semaphore_mem>>
    tpu.wait_indirect_dma semaphore(%dma_wait3A_219 : memref<!tpu.dma_semaphore, #tpu.memory_space<semaphore_mem>>) src(%dma_wait3A_217 : memref<1000000x32xf32, #tpu.memory_space<hbm>>) dst(%dma_wait3A_211 : memref<832x32xf32, #tpu.memory_space<vmem>>)
    %add3A_220 = arith.constant 2 : i32
    %add3A_221 = arith.addi %mul3A_2, %add3A_220 : i32
    %dma_start3A_222 = arith.constant 2 : i32
    %dma_start3A_223 = arith.constant 2 : i32
    %dma_start3A_224 = arith.constant 0 : i32
    %dma_start3A_225 = arith.constant 0 : i32
    %dma_start3A_226 = tpu.memref_slice %arg6[%dma_start3A_222, %dma_start3A_224, %dma_start3A_225] : memref<4x832x32xf32, #tpu.memory_space<vmem>> -> memref<1x832x32xf32, #tpu.memory_space<vmem>>
    %dma_start3A_227 = tpu.memref_squeeze %dma_start3A_226 : memref<1x832x32xf32, #tpu.memory_space<vmem>> -> memref<832x32xf32, #tpu.memory_space<vmem>>
    %dma_start3A_228 = arith.constant 0 : i32
    %dma_start3A_229 = arith.constant 0 : i32
    %dma_start3A_230 = tpu.memref_slice %arg4[%add3A_221, %dma_start3A_228, %dma_start3A_229] : memref<512x832x32xf32, #tpu.memory_space<hbm>> -> memref<1x832x32xf32, #tpu.memory_space<hbm>>
    %dma_start3A_231 = tpu.memref_squeeze %dma_start3A_230 : memref<1x832x32xf32, #tpu.memory_space<hbm>> -> memref<832x32xf32, #tpu.memory_space<hbm>>
    %dma_start3A_232 = tpu.memref_slice %arg8[%dma_start3A_223] : memref<4x!tpu.dma_semaphore, #tpu.memory_space<semaphore_mem>> -> memref<1x!tpu.dma_semaphore, #tpu.memory_space<semaphore_mem>>
    %dma_start3A_233 = tpu.memref_squeeze %dma_start3A_232 : memref<1x!tpu.dma_semaphore, #tpu.memory_space<semaphore_mem>> -> memref<!tpu.dma_semaphore, #tpu.memory_space<semaphore_mem>>
    %dma_start3A_234 = arith.constant 0 : i32
    %dma_start3A_235 = arith.constant 0 : i32
    %dma_start3A_236 = tpu.memref_slice %arg4[%add3A_221, %dma_start3A_234, %dma_start3A_235] : memref<512x832x32xf32, #tpu.memory_space<hbm>> -> memref<1x832x32xf32, #tpu.memory_space<hbm>>
    %dma_start3A_237 = tpu.memref_squeeze %dma_start3A_236 : memref<1x832x32xf32, #tpu.memory_space<hbm>> -> memref<832x32xf32, #tpu.memory_space<hbm>>
    %dma_start3A_238 = arith.constant 0 : i32
    %dma_start3A_239 = arith.constant 0 : i32
    %dma_start3A_240 = tpu.memref_slice %arg6[%dma_start3A_222, %dma_start3A_238, %dma_start3A_239] : memref<4x832x32xf32, #tpu.memory_space<vmem>> -> memref<1x832x32xf32, #tpu.memory_space<vmem>>
    %dma_start3A_241 = tpu.memref_squeeze %dma_start3A_240 : memref<1x832x32xf32, #tpu.memory_space<vmem>> -> memref<832x32xf32, #tpu.memory_space<vmem>>
    tpu.enqueue_dma source(%dma_start3A_241 : memref<832x32xf32, #tpu.memory_space<vmem>>) target(%dma_start3A_237 : memref<832x32xf32, #tpu.memory_space<hbm>>) target_semaphore(%dma_start3A_233 : memref<!tpu.dma_semaphore, #tpu.memory_space<semaphore_mem>>)
    %dma_wait3A_242 = arith.constant 2 : i32
    %dma_wait3A_243 = arith.constant 2 : i32
    %dma_wait3A_244 = arith.constant 0 : i32
    %dma_wait3A_245 = arith.constant 0 : i32
    %dma_wait3A_246 = tpu.memref_slice %arg6[%dma_wait3A_242, %dma_wait3A_244, %dma_wait3A_245] : memref<4x832x32xf32, #tpu.memory_space<vmem>> -> memref<1x832x32xf32, #tpu.memory_space<vmem>>
    %dma_wait3A_247 = tpu.memref_squeeze %dma_wait3A_246 : memref<1x832x32xf32, #tpu.memory_space<vmem>> -> memref<832x32xf32, #tpu.memory_space<vmem>>
    %dma_wait3A_248 = arith.constant 0 : i32
    %dma_wait3A_249 = arith.constant 0 : i32
    %dma_wait3A_250 = tpu.memref_slice %arg4[%add3A_221, %dma_wait3A_248, %dma_wait3A_249] : memref<512x832x32xf32, #tpu.memory_space<hbm>> -> memref<1x832x32xf32, #tpu.memory_space<hbm>>
    %dma_wait3A_251 = tpu.memref_squeeze %dma_wait3A_250 : memref<1x832x32xf32, #tpu.memory_space<hbm>> -> memref<832x32xf32, #tpu.memory_space<hbm>>
    %dma_wait3A_252 = tpu.memref_slice %arg8[%dma_wait3A_243] : memref<4x!tpu.dma_semaphore, #tpu.memory_space<semaphore_mem>> -> memref<1x!tpu.dma_semaphore, #tpu.memory_space<semaphore_mem>>
    %dma_wait3A_253 = tpu.memref_squeeze %dma_wait3A_252 : memref<1x!tpu.dma_semaphore, #tpu.memory_space<semaphore_mem>> -> memref<!tpu.dma_semaphore, #tpu.memory_space<semaphore_mem>>
    %dma_wait3A_254 = arith.constant 0 : i32
    %dma_wait3A_255 = arith.constant 0 : i32
    %dma_wait3A_256 = tpu.memref_slice %arg4[%add3A_221, %dma_wait3A_254, %dma_wait3A_255] : memref<512x832x32xf32, #tpu.memory_space<hbm>> -> memref<1x832x32xf32, #tpu.memory_space<hbm>>
    %dma_wait3A_257 = tpu.memref_squeeze %dma_wait3A_256 : memref<1x832x32xf32, #tpu.memory_space<hbm>> -> memref<832x32xf32, #tpu.memory_space<hbm>>
    %dma_wait3A_258 = arith.constant 0 : i32
    %dma_wait3A_259 = arith.constant 0 : i32
    %dma_wait3A_260 = tpu.memref_slice %arg6[%dma_wait3A_242, %dma_wait3A_258, %dma_wait3A_259] : memref<4x832x32xf32, #tpu.memory_space<vmem>> -> memref<1x832x32xf32, #tpu.memory_space<vmem>>
    %dma_wait3A_261 = tpu.memref_squeeze %dma_wait3A_260 : memref<1x832x32xf32, #tpu.memory_space<vmem>> -> memref<832x32xf32, #tpu.memory_space<vmem>>
    tpu.wait_dma2 semaphore(%dma_wait3A_253 : memref<!tpu.dma_semaphore, #tpu.memory_space<semaphore_mem>>) src(%dma_wait3A_261 : memref<832x32xf32, #tpu.memory_space<vmem>>) dst(%dma_wait3A_257 : memref<832x32xf32, #tpu.memory_space<hbm>>)
    %dma_start3A_262 = arith.constant 6 : i32
    %dma_start3A_263 = arith.constant 2 : i32
    %dma_start3A_264 = arith.constant 2 : i32
    %dma_start3A_265 = arith.constant 0 : i32
    %dma_start3A_266 = arith.constant 0 : i32
    %dma_start3A_267 = tpu.memref_slice %arg6[%dma_start3A_263, %dma_start3A_265, %dma_start3A_266] : memref<4x832x32xf32, #tpu.memory_space<vmem>> -> memref<1x832x32xf32, #tpu.memory_space<vmem>>
    %dma_start3A_268 = tpu.memref_squeeze %dma_start3A_267 : memref<1x832x32xf32, #tpu.memory_space<vmem>> -> memref<832x32xf32, #tpu.memory_space<vmem>>
    %dma_start3A_269 = arith.constant 0 : i32
    %dma_start3A_270 = tpu.memref_slice %arg5[%dma_start3A_262, %dma_start3A_269] : memref<16x832xi32, #tpu.memory_space<vmem>> -> memref<1x832xi32, #tpu.memory_space<vmem>>
    %dma_start3A_271 = tpu.memref_squeeze %dma_start3A_270 : memref<1x832xi32, #tpu.memory_space<vmem>> -> memref<832xi32, #tpu.memory_space<vmem>>
    %dma_start3A_272 = arith.constant 0 : i32
    %dma_start3A_273 = arith.constant 0 : i32
    %dma_start3A_274 = tpu.memref_slice %arg2[%dma_start3A_272, %dma_start3A_273] : memref<1000000x32xf32, #tpu.memory_space<hbm>> -> memref<1000000x32xf32, #tpu.memory_space<hbm>>
    %dma_start3A_275 = tpu.memref_slice %arg7[%dma_start3A_264] : memref<4x!tpu.dma_semaphore, #tpu.memory_space<semaphore_mem>> -> memref<1x!tpu.dma_semaphore, #tpu.memory_space<semaphore_mem>>
    %dma_start3A_276 = tpu.memref_squeeze %dma_start3A_275 : memref<1x!tpu.dma_semaphore, #tpu.memory_space<semaphore_mem>> -> memref<!tpu.dma_semaphore, #tpu.memory_space<semaphore_mem>>
    tpu.enqueue_indirect_dma source(%dma_start3A_274 : memref<1000000x32xf32, #tpu.memory_space<hbm>>) target(%dma_start3A_268 : memref<832x32xf32, #tpu.memory_space<vmem>>) offsets(%dma_start3A_271 : memref<832xi32, #tpu.memory_space<vmem>>) semaphore(%dma_start3A_276 : memref<!tpu.dma_semaphore, #tpu.memory_space<semaphore_mem>>)
    %dma_wait3A_277 = arith.constant 3 : i32
    %dma_wait3A_278 = arith.constant 3 : i32
    %dma_wait3A_279 = arith.constant 3 : i32
    %dma_wait3A_280 = arith.constant 0 : i32
    %dma_wait3A_281 = arith.constant 0 : i32
    %dma_wait3A_282 = tpu.memref_slice %arg6[%dma_wait3A_278, %dma_wait3A_280, %dma_wait3A_281] : memref<4x832x32xf32, #tpu.memory_space<vmem>> -> memref<1x832x32xf32, #tpu.memory_space<vmem>>
    %dma_wait3A_283 = tpu.memref_squeeze %dma_wait3A_282 : memref<1x832x32xf32, #tpu.memory_space<vmem>> -> memref<832x32xf32, #tpu.memory_space<vmem>>
    %dma_wait3A_284 = arith.constant 0 : i32
    %dma_wait3A_285 = tpu.memref_slice %arg5[%dma_wait3A_277, %dma_wait3A_284] : memref<16x832xi32, #tpu.memory_space<vmem>> -> memref<1x832xi32, #tpu.memory_space<vmem>>
    %dma_wait3A_286 = tpu.memref_squeeze %dma_wait3A_285 : memref<1x832xi32, #tpu.memory_space<vmem>> -> memref<832xi32, #tpu.memory_space<vmem>>
    %dma_wait3A_287 = arith.constant 0 : i32
    %dma_wait3A_288 = arith.constant 0 : i32
    %dma_wait3A_289 = tpu.memref_slice %arg2[%dma_wait3A_287, %dma_wait3A_288] : memref<1000000x32xf32, #tpu.memory_space<hbm>> -> memref<1000000x32xf32, #tpu.memory_space<hbm>>
    %dma_wait3A_290 = tpu.memref_slice %arg7[%dma_wait3A_279] : memref<4x!tpu.dma_semaphore, #tpu.memory_space<semaphore_mem>> -> memref<1x!tpu.dma_semaphore, #tpu.memory_space<semaphore_mem>>
    %dma_wait3A_291 = tpu.memref_squeeze %dma_wait3A_290 : memref<1x!tpu.dma_semaphore, #tpu.memory_space<semaphore_mem>> -> memref<!tpu.dma_semaphore, #tpu.memory_space<semaphore_mem>>
    tpu.wait_indirect_dma semaphore(%dma_wait3A_291 : memref<!tpu.dma_semaphore, #tpu.memory_space<semaphore_mem>>) src(%dma_wait3A_289 : memref<1000000x32xf32, #tpu.memory_space<hbm>>) dst(%dma_wait3A_283 : memref<832x32xf32, #tpu.memory_space<vmem>>)
    %add3A_292 = arith.constant 3 : i32
    %add3A_293 = arith.addi %mul3A_2, %add3A_292 : i32
    %dma_start3A_294 = arith.constant 3 : i32
    %dma_start3A_295 = arith.constant 3 : i32
    %dma_start3A_296 = arith.constant 0 : i32
    %dma_start3A_297 = arith.constant 0 : i32
    %dma_start3A_298 = tpu.memref_slice %arg6[%dma_start3A_294, %dma_start3A_296, %dma_start3A_297] : memref<4x832x32xf32, #tpu.memory_space<vmem>> -> memref<1x832x32xf32, #tpu.memory_space<vmem>>
    %dma_start3A_299 = tpu.memref_squeeze %dma_start3A_298 : memref<1x832x32xf32, #tpu.memory_space<vmem>> -> memref<832x32xf32, #tpu.memory_space<vmem>>
    %dma_start3A_300 = arith.constant 0 : i32
    %dma_start3A_301 = arith.constant 0 : i32
    %dma_start3A_302 = tpu.memref_slice %arg4[%add3A_293, %dma_start3A_300, %dma_start3A_301] : memref<512x832x32xf32, #tpu.memory_space<hbm>> -> memref<1x832x32xf32, #tpu.memory_space<hbm>>
    %dma_start3A_303 = tpu.memref_squeeze %dma_start3A_302 : memref<1x832x32xf32, #tpu.memory_space<hbm>> -> memref<832x32xf32, #tpu.memory_space<hbm>>
    %dma_start3A_304 = tpu.memref_slice %arg8[%dma_start3A_295] : memref<4x!tpu.dma_semaphore, #tpu.memory_space<semaphore_mem>> -> memref<1x!tpu.dma_semaphore, #tpu.memory_space<semaphore_mem>>
    %dma_start3A_305 = tpu.memref_squeeze %dma_start3A_304 : memref<1x!tpu.dma_semaphore, #tpu.memory_space<semaphore_mem>> -> memref<!tpu.dma_semaphore, #tpu.memory_space<semaphore_mem>>
    %dma_start3A_306 = arith.constant 0 : i32
    %dma_start3A_307 = arith.constant 0 : i32
    %dma_start3A_308 = tpu.memref_slice %arg4[%add3A_293, %dma_start3A_306, %dma_start3A_307] : memref<512x832x32xf32, #tpu.memory_space<hbm>> -> memref<1x832x32xf32, #tpu.memory_space<hbm>>
    %dma_start3A_309 = tpu.memref_squeeze %dma_start3A_308 : memref<1x832x32xf32, #tpu.memory_space<hbm>> -> memref<832x32xf32, #tpu.memory_space<hbm>>
    %dma_start3A_310 = arith.constant 0 : i32
    %dma_start3A_311 = arith.constant 0 : i32
    %dma_start3A_312 = tpu.memref_slice %arg6[%dma_start3A_294, %dma_start3A_310, %dma_start3A_311] : memref<4x832x32xf32, #tpu.memory_space<vmem>> -> memref<1x832x32xf32, #tpu.memory_space<vmem>>
    %dma_start3A_313 = tpu.memref_squeeze %dma_start3A_312 : memref<1x832x32xf32, #tpu.memory_space<vmem>> -> memref<832x32xf32, #tpu.memory_space<vmem>>
    tpu.enqueue_dma source(%dma_start3A_313 : memref<832x32xf32, #tpu.memory_space<vmem>>) target(%dma_start3A_309 : memref<832x32xf32, #tpu.memory_space<hbm>>) target_semaphore(%dma_start3A_305 : memref<!tpu.dma_semaphore, #tpu.memory_space<semaphore_mem>>)
    %dma_wait3A_314 = arith.constant 3 : i32
    %dma_wait3A_315 = arith.constant 3 : i32
    %dma_wait3A_316 = arith.constant 0 : i32
    %dma_wait3A_317 = arith.constant 0 : i32
    %dma_wait3A_318 = tpu.memref_slice %arg6[%dma_wait3A_314, %dma_wait3A_316, %dma_wait3A_317] : memref<4x832x32xf32, #tpu.memory_space<vmem>> -> memref<1x832x32xf32, #tpu.memory_space<vmem>>
    %dma_wait3A_319 = tpu.memref_squeeze %dma_wait3A_318 : memref<1x832x32xf32, #tpu.memory_space<vmem>> -> memref<832x32xf32, #tpu.memory_space<vmem>>
    %dma_wait3A_320 = arith.constant 0 : i32
    %dma_wait3A_321 = arith.constant 0 : i32
    %dma_wait3A_322 = tpu.memref_slice %arg4[%add3A_293, %dma_wait3A_320, %dma_wait3A_321] : memref<512x832x32xf32, #tpu.memory_space<hbm>> -> memref<1x832x32xf32, #tpu.memory_space<hbm>>
    %dma_wait3A_323 = tpu.memref_squeeze %dma_wait3A_322 : memref<1x832x32xf32, #tpu.memory_space<hbm>> -> memref<832x32xf32, #tpu.memory_space<hbm>>
    %dma_wait3A_324 = tpu.memref_slice %arg8[%dma_wait3A_315] : memref<4x!tpu.dma_semaphore, #tpu.memory_space<semaphore_mem>> -> memref<1x!tpu.dma_semaphore, #tpu.memory_space<semaphore_mem>>
    %dma_wait3A_325 = tpu.memref_squeeze %dma_wait3A_324 : memref<1x!tpu.dma_semaphore, #tpu.memory_space<semaphore_mem>> -> memref<!tpu.dma_semaphore, #tpu.memory_space<semaphore_mem>>
    %dma_wait3A_326 = arith.constant 0 : i32
    %dma_wait3A_327 = arith.constant 0 : i32
    %dma_wait3A_328 = tpu.memref_slice %arg4[%add3A_293, %dma_wait3A_326, %dma_wait3A_327] : memref<512x832x32xf32, #tpu.memory_space<hbm>> -> memref<1x832x32xf32, #tpu.memory_space<hbm>>
    %dma_wait3A_329 = tpu.memref_squeeze %dma_wait3A_328 : memref<1x832x32xf32, #tpu.memory_space<hbm>> -> memref<832x32xf32, #tpu.memory_space<hbm>>
    %dma_wait3A_330 = arith.constant 0 : i32
    %dma_wait3A_331 = arith.constant 0 : i32
    %dma_wait3A_332 = tpu.memref_slice %arg6[%dma_wait3A_314, %dma_wait3A_330, %dma_wait3A_331] : memref<4x832x32xf32, #tpu.memory_space<vmem>> -> memref<1x832x32xf32, #tpu.memory_space<vmem>>
    %dma_wait3A_333 = tpu.memref_squeeze %dma_wait3A_332 : memref<1x832x32xf32, #tpu.memory_space<vmem>> -> memref<832x32xf32, #tpu.memory_space<vmem>>
    tpu.wait_dma2 semaphore(%dma_wait3A_325 : memref<!tpu.dma_semaphore, #tpu.memory_space<semaphore_mem>>) src(%dma_wait3A_333 : memref<832x32xf32, #tpu.memory_space<vmem>>) dst(%dma_wait3A_329 : memref<832x32xf32, #tpu.memory_space<hbm>>)
    %dma_start3A_334 = arith.constant 7 : i32
    %dma_start3A_335 = arith.constant 3 : i32
    %dma_start3A_336 = arith.constant 3 : i32
    %dma_start3A_337 = arith.constant 0 : i32
    %dma_start3A_338 = arith.constant 0 : i32
    %dma_start3A_339 = tpu.memref_slice %arg6[%dma_start3A_335, %dma_start3A_337, %dma_start3A_338] : memref<4x832x32xf32, #tpu.memory_space<vmem>> -> memref<1x832x32xf32, #tpu.memory_space<vmem>>
    %dma_start3A_340 = tpu.memref_squeeze %dma_start3A_339 : memref<1x832x32xf32, #tpu.memory_space<vmem>> -> memref<832x32xf32, #tpu.memory_space<vmem>>
    %dma_start3A_341 = arith.constant 0 : i32
    %dma_start3A_342 = tpu.memref_slice %arg5[%dma_start3A_334, %dma_start3A_341] : memref<16x832xi32, #tpu.memory_space<vmem>> -> memref<1x832xi32, #tpu.memory_space<vmem>>
    %dma_start3A_343 = tpu.memref_squeeze %dma_start3A_342 : memref<1x832xi32, #tpu.memory_space<vmem>> -> memref<832xi32, #tpu.memory_space<vmem>>
    %dma_start3A_344 = arith.constant 0 : i32
    %dma_start3A_345 = arith.constant 0 : i32
    %dma_start3A_346 = tpu.memref_slice %arg2[%dma_start3A_344, %dma_start3A_345] : memref<1000000x32xf32, #tpu.memory_space<hbm>> -> memref<1000000x32xf32, #tpu.memory_space<hbm>>
    %dma_start3A_347 = tpu.memref_slice %arg7[%dma_start3A_336] : memref<4x!tpu.dma_semaphore, #tpu.memory_space<semaphore_mem>> -> memref<1x!tpu.dma_semaphore, #tpu.memory_space<semaphore_mem>>
    %dma_start3A_348 = tpu.memref_squeeze %dma_start3A_347 : memref<1x!tpu.dma_semaphore, #tpu.memory_space<semaphore_mem>> -> memref<!tpu.dma_semaphore, #tpu.memory_space<semaphore_mem>>
    tpu.enqueue_indirect_dma source(%dma_start3A_346 : memref<1000000x32xf32, #tpu.memory_space<hbm>>) target(%dma_start3A_340 : memref<832x32xf32, #tpu.memory_space<vmem>>) offsets(%dma_start3A_343 : memref<832xi32, #tpu.memory_space<vmem>>) semaphore(%dma_start3A_348 : memref<!tpu.dma_semaphore, #tpu.memory_space<semaphore_mem>>)
    %dma_wait3A_349 = arith.constant 4 : i32
    %dma_wait3A_350 = arith.constant 0 : i32
    %dma_wait3A_351 = arith.constant 0 : i32
    %dma_wait3A_352 = arith.constant 0 : i32
    %dma_wait3A_353 = arith.constant 0 : i32
    %dma_wait3A_354 = tpu.memref_slice %arg6[%dma_wait3A_350, %dma_wait3A_352, %dma_wait3A_353] : memref<4x832x32xf32, #tpu.memory_space<vmem>> -> memref<1x832x32xf32, #tpu.memory_space<vmem>>
    %dma_wait3A_355 = tpu.memref_squeeze %dma_wait3A_354 : memref<1x832x32xf32, #tpu.memory_space<vmem>> -> memref<832x32xf32, #tpu.memory_space<vmem>>
    %dma_wait3A_356 = arith.constant 0 : i32
    %dma_wait3A_357 = tpu.memref_slice %arg5[%dma_wait3A_349, %dma_wait3A_356] : memref<16x832xi32, #tpu.memory_space<vmem>> -> memref<1x832xi32, #tpu.memory_space<vmem>>
    %dma_wait3A_358 = tpu.memref_squeeze %dma_wait3A_357 : memref<1x832xi32, #tpu.memory_space<vmem>> -> memref<832xi32, #tpu.memory_space<vmem>>
    %dma_wait3A_359 = arith.constant 0 : i32
    %dma_wait3A_360 = arith.constant 0 : i32
    %dma_wait3A_361 = tpu.memref_slice %arg2[%dma_wait3A_359, %dma_wait3A_360] : memref<1000000x32xf32, #tpu.memory_space<hbm>> -> memref<1000000x32xf32, #tpu.memory_space<hbm>>
    %dma_wait3A_362 = tpu.memref_slice %arg7[%dma_wait3A_351] : memref<4x!tpu.dma_semaphore, #tpu.memory_space<semaphore_mem>> -> memref<1x!tpu.dma_semaphore, #tpu.memory_space<semaphore_mem>>
    %dma_wait3A_363 = tpu.memref_squeeze %dma_wait3A_362 : memref<1x!tpu.dma_semaphore, #tpu.memory_space<semaphore_mem>> -> memref<!tpu.dma_semaphore, #tpu.memory_space<semaphore_mem>>
    tpu.wait_indirect_dma semaphore(%dma_wait3A_363 : memref<!tpu.dma_semaphore, #tpu.memory_space<semaphore_mem>>) src(%dma_wait3A_361 : memref<1000000x32xf32, #tpu.memory_space<hbm>>) dst(%dma_wait3A_355 : memref<832x32xf32, #tpu.memory_space<vmem>>)
    %add3A_364 = arith.constant 4 : i32
    %add3A_365 = arith.addi %mul3A_2, %add3A_364 : i32
    %dma_start3A_366 = arith.constant 0 : i32
    %dma_start3A_367 = arith.constant 0 : i32
    %dma_start3A_368 = arith.constant 0 : i32
    %dma_start3A_369 = arith.constant 0 : i32
    %dma_start3A_370 = tpu.memref_slice %arg6[%dma_start3A_366, %dma_start3A_368, %dma_start3A_369] : memref<4x832x32xf32, #tpu.memory_space<vmem>> -> memref<1x832x32xf32, #tpu.memory_space<vmem>>
    %dma_start3A_371 = tpu.memref_squeeze %dma_start3A_370 : memref<1x832x32xf32, #tpu.memory_space<vmem>> -> memref<832x32xf32, #tpu.memory_space<vmem>>
    %dma_start3A_372 = arith.constant 0 : i32
    %dma_start3A_373 = arith.constant 0 : i32
    %dma_start3A_374 = tpu.memref_slice %arg4[%add3A_365, %dma_start3A_372, %dma_start3A_373] : memref<512x832x32xf32, #tpu.memory_space<hbm>> -> memref<1x832x32xf32, #tpu.memory_space<hbm>>
    %dma_start3A_375 = tpu.memref_squeeze %dma_start3A_374 : memref<1x832x32xf32, #tpu.memory_space<hbm>> -> memref<832x32xf32, #tpu.memory_space<hbm>>
    %dma_start3A_376 = tpu.memref_slice %arg8[%dma_start3A_367] : memref<4x!tpu.dma_semaphore, #tpu.memory_space<semaphore_mem>> -> memref<1x!tpu.dma_semaphore, #tpu.memory_space<semaphore_mem>>
    %dma_start3A_377 = tpu.memref_squeeze %dma_start3A_376 : memref<1x!tpu.dma_semaphore, #tpu.memory_space<semaphore_mem>> -> memref<!tpu.dma_semaphore, #tpu.memory_space<semaphore_mem>>
    %dma_start3A_378 = arith.constant 0 : i32
    %dma_start3A_379 = arith.constant 0 : i32
    %dma_start3A_380 = tpu.memref_slice %arg4[%add3A_365, %dma_start3A_378, %dma_start3A_379] : memref<512x832x32xf32, #tpu.memory_space<hbm>> -> memref<1x832x32xf32, #tpu.memory_space<hbm>>
    %dma_start3A_381 = tpu.memref_squeeze %dma_start3A_380 : memref<1x832x32xf32, #tpu.memory_space<hbm>> -> memref<832x32xf32, #tpu.memory_space<hbm>>
    %dma_start3A_382 = arith.constant 0 : i32
    %dma_start3A_383 = arith.constant 0 : i32
    %dma_start3A_384 = tpu.memref_slice %arg6[%dma_start3A_366, %dma_start3A_382, %dma_start3A_383] : memref<4x832x32xf32, #tpu.memory_space<vmem>> -> memref<1x832x32xf32, #tpu.memory_space<vmem>>
    %dma_start3A_385 = tpu.memref_squeeze %dma_start3A_384 : memref<1x832x32xf32, #tpu.memory_space<vmem>> -> memref<832x32xf32, #tpu.memory_space<vmem>>
    tpu.enqueue_dma source(%dma_start3A_385 : memref<832x32xf32, #tpu.memory_space<vmem>>) target(%dma_start3A_381 : memref<832x32xf32, #tpu.memory_space<hbm>>) target_semaphore(%dma_start3A_377 : memref<!tpu.dma_semaphore, #tpu.memory_space<semaphore_mem>>)
    %dma_wait3A_386 = arith.constant 0 : i32
    %dma_wait3A_387 = arith.constant 0 : i32
    %dma_wait3A_388 = arith.constant 0 : i32
    %dma_wait3A_389 = arith.constant 0 : i32
    %dma_wait3A_390 = tpu.memref_slice %arg6[%dma_wait3A_386, %dma_wait3A_388, %dma_wait3A_389] : memref<4x832x32xf32, #tpu.memory_space<vmem>> -> memref<1x832x32xf32, #tpu.memory_space<vmem>>
    %dma_wait3A_391 = tpu.memref_squeeze %dma_wait3A_390 : memref<1x832x32xf32, #tpu.memory_space<vmem>> -> memref<832x32xf32, #tpu.memory_space<vmem>>
    %dma_wait3A_392 = arith.constant 0 : i32
    %dma_wait3A_393 = arith.constant 0 : i32
    %dma_wait3A_394 = tpu.memref_slice %arg4[%add3A_365, %dma_wait3A_392, %dma_wait3A_393] : memref<512x832x32xf32, #tpu.memory_space<hbm>> -> memref<1x832x32xf32, #tpu.memory_space<hbm>>
    %dma_wait3A_395 = tpu.memref_squeeze %dma_wait3A_394 : memref<1x832x32xf32, #tpu.memory_space<hbm>> -> memref<832x32xf32, #tpu.memory_space<hbm>>
    %dma_wait3A_396 = tpu.memref_slice %arg8[%dma_wait3A_387] : memref<4x!tpu.dma_semaphore, #tpu.memory_space<semaphore_mem>> -> memref<1x!tpu.dma_semaphore, #tpu.memory_space<semaphore_mem>>
    %dma_wait3A_397 = tpu.memref_squeeze %dma_wait3A_396 : memref<1x!tpu.dma_semaphore, #tpu.memory_space<semaphore_mem>> -> memref<!tpu.dma_semaphore, #tpu.memory_space<semaphore_mem>>
    %dma_wait3A_398 = arith.constant 0 : i32
    %dma_wait3A_399 = arith.constant 0 : i32
    %dma_wait3A_400 = tpu.memref_slice %arg4[%add3A_365, %dma_wait3A_398, %dma_wait3A_399] : memref<512x832x32xf32, #tpu.memory_space<hbm>> -> memref<1x832x32xf32, #tpu.memory_space<hbm>>
    %dma_wait3A_401 = tpu.memref_squeeze %dma_wait3A_400 : memref<1x832x32xf32, #tpu.memory_space<hbm>> -> memref<832x32xf32, #tpu.memory_space<hbm>>
    %dma_wait3A_402 = arith.constant 0 : i32
    %dma_wait3A_403 = arith.constant 0 : i32
    %dma_wait3A_404 = tpu.memref_slice %arg6[%dma_wait3A_386, %dma_wait3A_402, %dma_wait3A_403] : memref<4x832x32xf32, #tpu.memory_space<vmem>> -> memref<1x832x32xf32, #tpu.memory_space<vmem>>
    %dma_wait3A_405 = tpu.memref_squeeze %dma_wait3A_404 : memref<1x832x32xf32, #tpu.memory_space<vmem>> -> memref<832x32xf32, #tpu.memory_space<vmem>>
    tpu.wait_dma2 semaphore(%dma_wait3A_397 : memref<!tpu.dma_semaphore, #tpu.memory_space<semaphore_mem>>) src(%dma_wait3A_405 : memref<832x32xf32, #tpu.memory_space<vmem>>) dst(%dma_wait3A_401 : memref<832x32xf32, #tpu.memory_space<hbm>>)
    %dma_start3A_406 = arith.constant 8 : i32
    %dma_start3A_407 = arith.constant 0 : i32
    %dma_start3A_408 = arith.constant 0 : i32
    %dma_start3A_409 = arith.constant 0 : i32
    %dma_start3A_410 = arith.constant 0 : i32
    %dma_start3A_411 = tpu.memref_slice %arg6[%dma_start3A_407, %dma_start3A_409, %dma_start3A_410] : memref<4x832x32xf32, #tpu.memory_space<vmem>> -> memref<1x832x32xf32, #tpu.memory_space<vmem>>
    %dma_start3A_412 = tpu.memref_squeeze %dma_start3A_411 : memref<1x832x32xf32, #tpu.memory_space<vmem>> -> memref<832x32xf32, #tpu.memory_space<vmem>>
    %dma_start3A_413 = arith.constant 0 : i32
    %dma_start3A_414 = tpu.memref_slice %arg5[%dma_start3A_406, %dma_start3A_413] : memref<16x832xi32, #tpu.memory_space<vmem>> -> memref<1x832xi32, #tpu.memory_space<vmem>>
    %dma_start3A_415 = tpu.memref_squeeze %dma_start3A_414 : memref<1x832xi32, #tpu.memory_space<vmem>> -> memref<832xi32, #tpu.memory_space<vmem>>
    %dma_start3A_416 = arith.constant 0 : i32
    %dma_start3A_417 = arith.constant 0 : i32
    %dma_start3A_418 = tpu.memref_slice %arg2[%dma_start3A_416, %dma_start3A_417] : memref<1000000x32xf32, #tpu.memory_space<hbm>> -> memref<1000000x32xf32, #tpu.memory_space<hbm>>
    %dma_start3A_419 = tpu.memref_slice %arg7[%dma_start3A_408] : memref<4x!tpu.dma_semaphore, #tpu.memory_space<semaphore_mem>> -> memref<1x!tpu.dma_semaphore, #tpu.memory_space<semaphore_mem>>
    %dma_start3A_420 = tpu.memref_squeeze %dma_start3A_419 : memref<1x!tpu.dma_semaphore, #tpu.memory_space<semaphore_mem>> -> memref<!tpu.dma_semaphore, #tpu.memory_space<semaphore_mem>>
    tpu.enqueue_indirect_dma source(%dma_start3A_418 : memref<1000000x32xf32, #tpu.memory_space<hbm>>) target(%dma_start3A_412 : memref<832x32xf32, #tpu.memory_space<vmem>>) offsets(%dma_start3A_415 : memref<832xi32, #tpu.memory_space<vmem>>) semaphore(%dma_start3A_420 : memref<!tpu.dma_semaphore, #tpu.memory_space<semaphore_mem>>)
    %dma_wait3A_421 = arith.constant 5 : i32
    %dma_wait3A_422 = arith.constant 1 : i32
    %dma_wait3A_423 = arith.constant 1 : i32
    %dma_wait3A_424 = arith.constant 0 : i32
    %dma_wait3A_425 = arith.constant 0 : i32
    %dma_wait3A_426 = tpu.memref_slice %arg6[%dma_wait3A_422, %dma_wait3A_424, %dma_wait3A_425] : memref<4x832x32xf32, #tpu.memory_space<vmem>> -> memref<1x832x32xf32, #tpu.memory_space<vmem>>
    %dma_wait3A_427 = tpu.memref_squeeze %dma_wait3A_426 : memref<1x832x32xf32, #tpu.memory_space<vmem>> -> memref<832x32xf32, #tpu.memory_space<vmem>>
    %dma_wait3A_428 = arith.constant 0 : i32
    %dma_wait3A_429 = tpu.memref_slice %arg5[%dma_wait3A_421, %dma_wait3A_428] : memref<16x832xi32, #tpu.memory_space<vmem>> -> memref<1x832xi32, #tpu.memory_space<vmem>>
    %dma_wait3A_430 = tpu.memref_squeeze %dma_wait3A_429 : memref<1x832xi32, #tpu.memory_space<vmem>> -> memref<832xi32, #tpu.memory_space<vmem>>
    %dma_wait3A_431 = arith.constant 0 : i32
    %dma_wait3A_432 = arith.constant 0 : i32
    %dma_wait3A_433 = tpu.memref_slice %arg2[%dma_wait3A_431, %dma_wait3A_432] : memref<1000000x32xf32, #tpu.memory_space<hbm>> -> memref<1000000x32xf32, #tpu.memory_space<hbm>>
    %dma_wait3A_434 = tpu.memref_slice %arg7[%dma_wait3A_423] : memref<4x!tpu.dma_semaphore, #tpu.memory_space<semaphore_mem>> -> memref<1x!tpu.dma_semaphore, #tpu.memory_space<semaphore_mem>>
    %dma_wait3A_435 = tpu.memref_squeeze %dma_wait3A_434 : memref<1x!tpu.dma_semaphore, #tpu.memory_space<semaphore_mem>> -> memref<!tpu.dma_semaphore, #tpu.memory_space<semaphore_mem>>
    tpu.wait_indirect_dma semaphore(%dma_wait3A_435 : memref<!tpu.dma_semaphore, #tpu.memory_space<semaphore_mem>>) src(%dma_wait3A_433 : memref<1000000x32xf32, #tpu.memory_space<hbm>>) dst(%dma_wait3A_427 : memref<832x32xf32, #tpu.memory_space<vmem>>)
    %add3A_436 = arith.constant 5 : i32
    %add3A_437 = arith.addi %mul3A_2, %add3A_436 : i32
    %dma_start3A_438 = arith.constant 1 : i32
    %dma_start3A_439 = arith.constant 1 : i32
    %dma_start3A_440 = arith.constant 0 : i32
    %dma_start3A_441 = arith.constant 0 : i32
    %dma_start3A_442 = tpu.memref_slice %arg6[%dma_start3A_438, %dma_start3A_440, %dma_start3A_441] : memref<4x832x32xf32, #tpu.memory_space<vmem>> -> memref<1x832x32xf32, #tpu.memory_space<vmem>>
    %dma_start3A_443 = tpu.memref_squeeze %dma_start3A_442 : memref<1x832x32xf32, #tpu.memory_space<vmem>> -> memref<832x32xf32, #tpu.memory_space<vmem>>
    %dma_start3A_444 = arith.constant 0 : i32
    %dma_start3A_445 = arith.constant 0 : i32
    %dma_start3A_446 = tpu.memref_slice %arg4[%add3A_437, %dma_start3A_444, %dma_start3A_445] : memref<512x832x32xf32, #tpu.memory_space<hbm>> -> memref<1x832x32xf32, #tpu.memory_space<hbm>>
    %dma_start3A_447 = tpu.memref_squeeze %dma_start3A_446 : memref<1x832x32xf32, #tpu.memory_space<hbm>> -> memref<832x32xf32, #tpu.memory_space<hbm>>
    %dma_start3A_448 = tpu.memref_slice %arg8[%dma_start3A_439] : memref<4x!tpu.dma_semaphore, #tpu.memory_space<semaphore_mem>> -> memref<1x!tpu.dma_semaphore, #tpu.memory_space<semaphore_mem>>
    %dma_start3A_449 = tpu.memref_squeeze %dma_start3A_448 : memref<1x!tpu.dma_semaphore, #tpu.memory_space<semaphore_mem>> -> memref<!tpu.dma_semaphore, #tpu.memory_space<semaphore_mem>>
    %dma_start3A_450 = arith.constant 0 : i32
    %dma_start3A_451 = arith.constant 0 : i32
    %dma_start3A_452 = tpu.memref_slice %arg4[%add3A_437, %dma_start3A_450, %dma_start3A_451] : memref<512x832x32xf32, #tpu.memory_space<hbm>> -> memref<1x832x32xf32, #tpu.memory_space<hbm>>
    %dma_start3A_453 = tpu.memref_squeeze %dma_start3A_452 : memref<1x832x32xf32, #tpu.memory_space<hbm>> -> memref<832x32xf32, #tpu.memory_space<hbm>>
    %dma_start3A_454 = arith.constant 0 : i32
    %dma_start3A_455 = arith.constant 0 : i32
    %dma_start3A_456 = tpu.memref_slice %arg6[%dma_start3A_438, %dma_start3A_454, %dma_start3A_455] : memref<4x832x32xf32, #tpu.memory_space<vmem>> -> memref<1x832x32xf32, #tpu.memory_space<vmem>>
    %dma_start3A_457 = tpu.memref_squeeze %dma_start3A_456 : memref<1x832x32xf32, #tpu.memory_space<vmem>> -> memref<832x32xf32, #tpu.memory_space<vmem>>
    tpu.enqueue_dma source(%dma_start3A_457 : memref<832x32xf32, #tpu.memory_space<vmem>>) target(%dma_start3A_453 : memref<832x32xf32, #tpu.memory_space<hbm>>) target_semaphore(%dma_start3A_449 : memref<!tpu.dma_semaphore, #tpu.memory_space<semaphore_mem>>)
    %dma_wait3A_458 = arith.constant 1 : i32
    %dma_wait3A_459 = arith.constant 1 : i32
    %dma_wait3A_460 = arith.constant 0 : i32
    %dma_wait3A_461 = arith.constant 0 : i32
    %dma_wait3A_462 = tpu.memref_slice %arg6[%dma_wait3A_458, %dma_wait3A_460, %dma_wait3A_461] : memref<4x832x32xf32, #tpu.memory_space<vmem>> -> memref<1x832x32xf32, #tpu.memory_space<vmem>>
    %dma_wait3A_463 = tpu.memref_squeeze %dma_wait3A_462 : memref<1x832x32xf32, #tpu.memory_space<vmem>> -> memref<832x32xf32, #tpu.memory_space<vmem>>
    %dma_wait3A_464 = arith.constant 0 : i32
    %dma_wait3A_465 = arith.constant 0 : i32
    %dma_wait3A_466 = tpu.memref_slice %arg4[%add3A_437, %dma_wait3A_464, %dma_wait3A_465] : memref<512x832x32xf32, #tpu.memory_space<hbm>> -> memref<1x832x32xf32, #tpu.memory_space<hbm>>
    %dma_wait3A_467 = tpu.memref_squeeze %dma_wait3A_466 : memref<1x832x32xf32, #tpu.memory_space<hbm>> -> memref<832x32xf32, #tpu.memory_space<hbm>>
    %dma_wait3A_468 = tpu.memref_slice %arg8[%dma_wait3A_459] : memref<4x!tpu.dma_semaphore, #tpu.memory_space<semaphore_mem>> -> memref<1x!tpu.dma_semaphore, #tpu.memory_space<semaphore_mem>>
    %dma_wait3A_469 = tpu.memref_squeeze %dma_wait3A_468 : memref<1x!tpu.dma_semaphore, #tpu.memory_space<semaphore_mem>> -> memref<!tpu.dma_semaphore, #tpu.memory_space<semaphore_mem>>
    %dma_wait3A_470 = arith.constant 0 : i32
    %dma_wait3A_471 = arith.constant 0 : i32
    %dma_wait3A_472 = tpu.memref_slice %arg4[%add3A_437, %dma_wait3A_470, %dma_wait3A_471] : memref<512x832x32xf32, #tpu.memory_space<hbm>> -> memref<1x832x32xf32, #tpu.memory_space<hbm>>
    %dma_wait3A_473 = tpu.memref_squeeze %dma_wait3A_472 : memref<1x832x32xf32, #tpu.memory_space<hbm>> -> memref<832x32xf32, #tpu.memory_space<hbm>>
    %dma_wait3A_474 = arith.constant 0 : i32
    %dma_wait3A_475 = arith.constant 0 : i32
    %dma_wait3A_476 = tpu.memref_slice %arg6[%dma_wait3A_458, %dma_wait3A_474, %dma_wait3A_475] : memref<4x832x32xf32, #tpu.memory_space<vmem>> -> memref<1x832x32xf32, #tpu.memory_space<vmem>>
    %dma_wait3A_477 = tpu.memref_squeeze %dma_wait3A_476 : memref<1x832x32xf32, #tpu.memory_space<vmem>> -> memref<832x32xf32, #tpu.memory_space<vmem>>
    tpu.wait_dma2 semaphore(%dma_wait3A_469 : memref<!tpu.dma_semaphore, #tpu.memory_space<semaphore_mem>>) src(%dma_wait3A_477 : memref<832x32xf32, #tpu.memory_space<vmem>>) dst(%dma_wait3A_473 : memref<832x32xf32, #tpu.memory_space<hbm>>)
    %dma_start3A_478 = arith.constant 9 : i32
    %dma_start3A_479 = arith.constant 1 : i32
    %dma_start3A_480 = arith.constant 1 : i32
    %dma_start3A_481 = arith.constant 0 : i32
    %dma_start3A_482 = arith.constant 0 : i32
    %dma_start3A_483 = tpu.memref_slice %arg6[%dma_start3A_479, %dma_start3A_481, %dma_start3A_482] : memref<4x832x32xf32, #tpu.memory_space<vmem>> -> memref<1x832x32xf32, #tpu.memory_space<vmem>>
    %dma_start3A_484 = tpu.memref_squeeze %dma_start3A_483 : memref<1x832x32xf32, #tpu.memory_space<vmem>> -> memref<832x32xf32, #tpu.memory_space<vmem>>
    %dma_start3A_485 = arith.constant 0 : i32
    %dma_start3A_486 = tpu.memref_slice %arg5[%dma_start3A_478, %dma_start3A_485] : memref<16x832xi32, #tpu.memory_space<vmem>> -> memref<1x832xi32, #tpu.memory_space<vmem>>
    %dma_start3A_487 = tpu.memref_squeeze %dma_start3A_486 : memref<1x832xi32, #tpu.memory_space<vmem>> -> memref<832xi32, #tpu.memory_space<vmem>>
    %dma_start3A_488 = arith.constant 0 : i32
    %dma_start3A_489 = arith.constant 0 : i32
    %dma_start3A_490 = tpu.memref_slice %arg2[%dma_start3A_488, %dma_start3A_489] : memref<1000000x32xf32, #tpu.memory_space<hbm>> -> memref<1000000x32xf32, #tpu.memory_space<hbm>>
    %dma_start3A_491 = tpu.memref_slice %arg7[%dma_start3A_480] : memref<4x!tpu.dma_semaphore, #tpu.memory_space<semaphore_mem>> -> memref<1x!tpu.dma_semaphore, #tpu.memory_space<semaphore_mem>>
    %dma_start3A_492 = tpu.memref_squeeze %dma_start3A_491 : memref<1x!tpu.dma_semaphore, #tpu.memory_space<semaphore_mem>> -> memref<!tpu.dma_semaphore, #tpu.memory_space<semaphore_mem>>
    tpu.enqueue_indirect_dma source(%dma_start3A_490 : memref<1000000x32xf32, #tpu.memory_space<hbm>>) target(%dma_start3A_484 : memref<832x32xf32, #tpu.memory_space<vmem>>) offsets(%dma_start3A_487 : memref<832xi32, #tpu.memory_space<vmem>>) semaphore(%dma_start3A_492 : memref<!tpu.dma_semaphore, #tpu.memory_space<semaphore_mem>>)
    %dma_wait3A_493 = arith.constant 6 : i32
    %dma_wait3A_494 = arith.constant 2 : i32
    %dma_wait3A_495 = arith.constant 2 : i32
    %dma_wait3A_496 = arith.constant 0 : i32
    %dma_wait3A_497 = arith.constant 0 : i32
    %dma_wait3A_498 = tpu.memref_slice %arg6[%dma_wait3A_494, %dma_wait3A_496, %dma_wait3A_497] : memref<4x832x32xf32, #tpu.memory_space<vmem>> -> memref<1x832x32xf32, #tpu.memory_space<vmem>>
    %dma_wait3A_499 = tpu.memref_squeeze %dma_wait3A_498 : memref<1x832x32xf32, #tpu.memory_space<vmem>> -> memref<832x32xf32, #tpu.memory_space<vmem>>
    %dma_wait3A_500 = arith.constant 0 : i32
    %dma_wait3A_501 = tpu.memref_slice %arg5[%dma_wait3A_493, %dma_wait3A_500] : memref<16x832xi32, #tpu.memory_space<vmem>> -> memref<1x832xi32, #tpu.memory_space<vmem>>
    %dma_wait3A_502 = tpu.memref_squeeze %dma_wait3A_501 : memref<1x832xi32, #tpu.memory_space<vmem>> -> memref<832xi32, #tpu.memory_space<vmem>>
    %dma_wait3A_503 = arith.constant 0 : i32
    %dma_wait3A_504 = arith.constant 0 : i32
    %dma_wait3A_505 = tpu.memref_slice %arg2[%dma_wait3A_503, %dma_wait3A_504] : memref<1000000x32xf32, #tpu.memory_space<hbm>> -> memref<1000000x32xf32, #tpu.memory_space<hbm>>
    %dma_wait3A_506 = tpu.memref_slice %arg7[%dma_wait3A_495] : memref<4x!tpu.dma_semaphore, #tpu.memory_space<semaphore_mem>> -> memref<1x!tpu.dma_semaphore, #tpu.memory_space<semaphore_mem>>
    %dma_wait3A_507 = tpu.memref_squeeze %dma_wait3A_506 : memref<1x!tpu.dma_semaphore, #tpu.memory_space<semaphore_mem>> -> memref<!tpu.dma_semaphore, #tpu.memory_space<semaphore_mem>>
    tpu.wait_indirect_dma semaphore(%dma_wait3A_507 : memref<!tpu.dma_semaphore, #tpu.memory_space<semaphore_mem>>) src(%dma_wait3A_505 : memref<1000000x32xf32, #tpu.memory_space<hbm>>) dst(%dma_wait3A_499 : memref<832x32xf32, #tpu.memory_space<vmem>>)
    %add3A_508 = arith.constant 6 : i32
    %add3A_509 = arith.addi %mul3A_2, %add3A_508 : i32
    %dma_start3A_510 = arith.constant 2 : i32
    %dma_start3A_511 = arith.constant 2 : i32
    %dma_start3A_512 = arith.constant 0 : i32
    %dma_start3A_513 = arith.constant 0 : i32
    %dma_start3A_514 = tpu.memref_slice %arg6[%dma_start3A_510, %dma_start3A_512, %dma_start3A_513] : memref<4x832x32xf32, #tpu.memory_space<vmem>> -> memref<1x832x32xf32, #tpu.memory_space<vmem>>
    %dma_start3A_515 = tpu.memref_squeeze %dma_start3A_514 : memref<1x832x32xf32, #tpu.memory_space<vmem>> -> memref<832x32xf32, #tpu.memory_space<vmem>>
    %dma_start3A_516 = arith.constant 0 : i32
    %dma_start3A_517 = arith.constant 0 : i32
    %dma_start3A_518 = tpu.memref_slice %arg4[%add3A_509, %dma_start3A_516, %dma_start3A_517] : memref<512x832x32xf32, #tpu.memory_space<hbm>> -> memref<1x832x32xf32, #tpu.memory_space<hbm>>
    %dma_start3A_519 = tpu.memref_squeeze %dma_start3A_518 : memref<1x832x32xf32, #tpu.memory_space<hbm>> -> memref<832x32xf32, #tpu.memory_space<hbm>>
    %dma_start3A_520 = tpu.memref_slice %arg8[%dma_start3A_511] : memref<4x!tpu.dma_semaphore, #tpu.memory_space<semaphore_mem>> -> memref<1x!tpu.dma_semaphore, #tpu.memory_space<semaphore_mem>>
    %dma_start3A_521 = tpu.memref_squeeze %dma_start3A_520 : memref<1x!tpu.dma_semaphore, #tpu.memory_space<semaphore_mem>> -> memref<!tpu.dma_semaphore, #tpu.memory_space<semaphore_mem>>
    %dma_start3A_522 = arith.constant 0 : i32
    %dma_start3A_523 = arith.constant 0 : i32
    %dma_start3A_524 = tpu.memref_slice %arg4[%add3A_509, %dma_start3A_522, %dma_start3A_523] : memref<512x832x32xf32, #tpu.memory_space<hbm>> -> memref<1x832x32xf32, #tpu.memory_space<hbm>>
    %dma_start3A_525 = tpu.memref_squeeze %dma_start3A_524 : memref<1x832x32xf32, #tpu.memory_space<hbm>> -> memref<832x32xf32, #tpu.memory_space<hbm>>
    %dma_start3A_526 = arith.constant 0 : i32
    %dma_start3A_527 = arith.constant 0 : i32
    %dma_start3A_528 = tpu.memref_slice %arg6[%dma_start3A_510, %dma_start3A_526, %dma_start3A_527] : memref<4x832x32xf32, #tpu.memory_space<vmem>> -> memref<1x832x32xf32, #tpu.memory_space<vmem>>
    %dma_start3A_529 = tpu.memref_squeeze %dma_start3A_528 : memref<1x832x32xf32, #tpu.memory_space<vmem>> -> memref<832x32xf32, #tpu.memory_space<vmem>>
    tpu.enqueue_dma source(%dma_start3A_529 : memref<832x32xf32, #tpu.memory_space<vmem>>) target(%dma_start3A_525 : memref<832x32xf32, #tpu.memory_space<hbm>>) target_semaphore(%dma_start3A_521 : memref<!tpu.dma_semaphore, #tpu.memory_space<semaphore_mem>>)
    %dma_wait3A_530 = arith.constant 2 : i32
    %dma_wait3A_531 = arith.constant 2 : i32
    %dma_wait3A_532 = arith.constant 0 : i32
    %dma_wait3A_533 = arith.constant 0 : i32
    %dma_wait3A_534 = tpu.memref_slice %arg6[%dma_wait3A_530, %dma_wait3A_532, %dma_wait3A_533] : memref<4x832x32xf32, #tpu.memory_space<vmem>> -> memref<1x832x32xf32, #tpu.memory_space<vmem>>
    %dma_wait3A_535 = tpu.memref_squeeze %dma_wait3A_534 : memref<1x832x32xf32, #tpu.memory_space<vmem>> -> memref<832x32xf32, #tpu.memory_space<vmem>>
    %dma_wait3A_536 = arith.constant 0 : i32
    %dma_wait3A_537 = arith.constant 0 : i32
    %dma_wait3A_538 = tpu.memref_slice %arg4[%add3A_509, %dma_wait3A_536, %dma_wait3A_537] : memref<512x832x32xf32, #tpu.memory_space<hbm>> -> memref<1x832x32xf32, #tpu.memory_space<hbm>>
    %dma_wait3A_539 = tpu.memref_squeeze %dma_wait3A_538 : memref<1x832x32xf32, #tpu.memory_space<hbm>> -> memref<832x32xf32, #tpu.memory_space<hbm>>
    %dma_wait3A_540 = tpu.memref_slice %arg8[%dma_wait3A_531] : memref<4x!tpu.dma_semaphore, #tpu.memory_space<semaphore_mem>> -> memref<1x!tpu.dma_semaphore, #tpu.memory_space<semaphore_mem>>
    %dma_wait3A_541 = tpu.memref_squeeze %dma_wait3A_540 : memref<1x!tpu.dma_semaphore, #tpu.memory_space<semaphore_mem>> -> memref<!tpu.dma_semaphore, #tpu.memory_space<semaphore_mem>>
    %dma_wait3A_542 = arith.constant 0 : i32
    %dma_wait3A_543 = arith.constant 0 : i32
    %dma_wait3A_544 = tpu.memref_slice %arg4[%add3A_509, %dma_wait3A_542, %dma_wait3A_543] : memref<512x832x32xf32, #tpu.memory_space<hbm>> -> memref<1x832x32xf32, #tpu.memory_space<hbm>>
    %dma_wait3A_545 = tpu.memref_squeeze %dma_wait3A_544 : memref<1x832x32xf32, #tpu.memory_space<hbm>> -> memref<832x32xf32, #tpu.memory_space<hbm>>
    %dma_wait3A_546 = arith.constant 0 : i32
    %dma_wait3A_547 = arith.constant 0 : i32
    %dma_wait3A_548 = tpu.memref_slice %arg6[%dma_wait3A_530, %dma_wait3A_546, %dma_wait3A_547] : memref<4x832x32xf32, #tpu.memory_space<vmem>> -> memref<1x832x32xf32, #tpu.memory_space<vmem>>
    %dma_wait3A_549 = tpu.memref_squeeze %dma_wait3A_548 : memref<1x832x32xf32, #tpu.memory_space<vmem>> -> memref<832x32xf32, #tpu.memory_space<vmem>>
    tpu.wait_dma2 semaphore(%dma_wait3A_541 : memref<!tpu.dma_semaphore, #tpu.memory_space<semaphore_mem>>) src(%dma_wait3A_549 : memref<832x32xf32, #tpu.memory_space<vmem>>) dst(%dma_wait3A_545 : memref<832x32xf32, #tpu.memory_space<hbm>>)
    %dma_start3A_550 = arith.constant 10 : i32
    %dma_start3A_551 = arith.constant 2 : i32
    %dma_start3A_552 = arith.constant 2 : i32
    %dma_start3A_553 = arith.constant 0 : i32
    %dma_start3A_554 = arith.constant 0 : i32
    %dma_start3A_555 = tpu.memref_slice %arg6[%dma_start3A_551, %dma_start3A_553, %dma_start3A_554] : memref<4x832x32xf32, #tpu.memory_space<vmem>> -> memref<1x832x32xf32, #tpu.memory_space<vmem>>
    %dma_start3A_556 = tpu.memref_squeeze %dma_start3A_555 : memref<1x832x32xf32, #tpu.memory_space<vmem>> -> memref<832x32xf32, #tpu.memory_space<vmem>>
    %dma_start3A_557 = arith.constant 0 : i32
    %dma_start3A_558 = tpu.memref_slice %arg5[%dma_start3A_550, %dma_start3A_557] : memref<16x832xi32, #tpu.memory_space<vmem>> -> memref<1x832xi32, #tpu.memory_space<vmem>>
    %dma_start3A_559 = tpu.memref_squeeze %dma_start3A_558 : memref<1x832xi32, #tpu.memory_space<vmem>> -> memref<832xi32, #tpu.memory_space<vmem>>
    %dma_start3A_560 = arith.constant 0 : i32
    %dma_start3A_561 = arith.constant 0 : i32
    %dma_start3A_562 = tpu.memref_slice %arg2[%dma_start3A_560, %dma_start3A_561] : memref<1000000x32xf32, #tpu.memory_space<hbm>> -> memref<1000000x32xf32, #tpu.memory_space<hbm>>
    %dma_start3A_563 = tpu.memref_slice %arg7[%dma_start3A_552] : memref<4x!tpu.dma_semaphore, #tpu.memory_space<semaphore_mem>> -> memref<1x!tpu.dma_semaphore, #tpu.memory_space<semaphore_mem>>
    %dma_start3A_564 = tpu.memref_squeeze %dma_start3A_563 : memref<1x!tpu.dma_semaphore, #tpu.memory_space<semaphore_mem>> -> memref<!tpu.dma_semaphore, #tpu.memory_space<semaphore_mem>>
    tpu.enqueue_indirect_dma source(%dma_start3A_562 : memref<1000000x32xf32, #tpu.memory_space<hbm>>) target(%dma_start3A_556 : memref<832x32xf32, #tpu.memory_space<vmem>>) offsets(%dma_start3A_559 : memref<832xi32, #tpu.memory_space<vmem>>) semaphore(%dma_start3A_564 : memref<!tpu.dma_semaphore, #tpu.memory_space<semaphore_mem>>)
    %dma_wait3A_565 = arith.constant 7 : i32
    %dma_wait3A_566 = arith.constant 3 : i32
    %dma_wait3A_567 = arith.constant 3 : i32
    %dma_wait3A_568 = arith.constant 0 : i32
    %dma_wait3A_569 = arith.constant 0 : i32
    %dma_wait3A_570 = tpu.memref_slice %arg6[%dma_wait3A_566, %dma_wait3A_568, %dma_wait3A_569] : memref<4x832x32xf32, #tpu.memory_space<vmem>> -> memref<1x832x32xf32, #tpu.memory_space<vmem>>
    %dma_wait3A_571 = tpu.memref_squeeze %dma_wait3A_570 : memref<1x832x32xf32, #tpu.memory_space<vmem>> -> memref<832x32xf32, #tpu.memory_space<vmem>>
    %dma_wait3A_572 = arith.constant 0 : i32
    %dma_wait3A_573 = tpu.memref_slice %arg5[%dma_wait3A_565, %dma_wait3A_572] : memref<16x832xi32, #tpu.memory_space<vmem>> -> memref<1x832xi32, #tpu.memory_space<vmem>>
    %dma_wait3A_574 = tpu.memref_squeeze %dma_wait3A_573 : memref<1x832xi32, #tpu.memory_space<vmem>> -> memref<832xi32, #tpu.memory_space<vmem>>
    %dma_wait3A_575 = arith.constant 0 : i32
    %dma_wait3A_576 = arith.constant 0 : i32
    %dma_wait3A_577 = tpu.memref_slice %arg2[%dma_wait3A_575, %dma_wait3A_576] : memref<1000000x32xf32, #tpu.memory_space<hbm>> -> memref<1000000x32xf32, #tpu.memory_space<hbm>>
    %dma_wait3A_578 = tpu.memref_slice %arg7[%dma_wait3A_567] : memref<4x!tpu.dma_semaphore, #tpu.memory_space<semaphore_mem>> -> memref<1x!tpu.dma_semaphore, #tpu.memory_space<semaphore_mem>>
    %dma_wait3A_579 = tpu.memref_squeeze %dma_wait3A_578 : memref<1x!tpu.dma_semaphore, #tpu.memory_space<semaphore_mem>> -> memref<!tpu.dma_semaphore, #tpu.memory_space<semaphore_mem>>
    tpu.wait_indirect_dma semaphore(%dma_wait3A_579 : memref<!tpu.dma_semaphore, #tpu.memory_space<semaphore_mem>>) src(%dma_wait3A_577 : memref<1000000x32xf32, #tpu.memory_space<hbm>>) dst(%dma_wait3A_571 : memref<832x32xf32, #tpu.memory_space<vmem>>)
    %add3A_580 = arith.constant 7 : i32
    %add3A_581 = arith.addi %mul3A_2, %add3A_580 : i32
    %dma_start3A_582 = arith.constant 3 : i32
    %dma_start3A_583 = arith.constant 3 : i32
    %dma_start3A_584 = arith.constant 0 : i32
    %dma_start3A_585 = arith.constant 0 : i32
    %dma_start3A_586 = tpu.memref_slice %arg6[%dma_start3A_582, %dma_start3A_584, %dma_start3A_585] : memref<4x832x32xf32, #tpu.memory_space<vmem>> -> memref<1x832x32xf32, #tpu.memory_space<vmem>>
    %dma_start3A_587 = tpu.memref_squeeze %dma_start3A_586 : memref<1x832x32xf32, #tpu.memory_space<vmem>> -> memref<832x32xf32, #tpu.memory_space<vmem>>
    %dma_start3A_588 = arith.constant 0 : i32
    %dma_start3A_589 = arith.constant 0 : i32
    %dma_start3A_590 = tpu.memref_slice %arg4[%add3A_581, %dma_start3A_588, %dma_start3A_589] : memref<512x832x32xf32, #tpu.memory_space<hbm>> -> memref<1x832x32xf32, #tpu.memory_space<hbm>>
    %dma_start3A_591 = tpu.memref_squeeze %dma_start3A_590 : memref<1x832x32xf32, #tpu.memory_space<hbm>> -> memref<832x32xf32, #tpu.memory_space<hbm>>
    %dma_start3A_592 = tpu.memref_slice %arg8[%dma_start3A_583] : memref<4x!tpu.dma_semaphore, #tpu.memory_space<semaphore_mem>> -> memref<1x!tpu.dma_semaphore, #tpu.memory_space<semaphore_mem>>
    %dma_start3A_593 = tpu.memref_squeeze %dma_start3A_592 : memref<1x!tpu.dma_semaphore, #tpu.memory_space<semaphore_mem>> -> memref<!tpu.dma_semaphore, #tpu.memory_space<semaphore_mem>>
    %dma_start3A_594 = arith.constant 0 : i32
    %dma_start3A_595 = arith.constant 0 : i32
    %dma_start3A_596 = tpu.memref_slice %arg4[%add3A_581, %dma_start3A_594, %dma_start3A_595] : memref<512x832x32xf32, #tpu.memory_space<hbm>> -> memref<1x832x32xf32, #tpu.memory_space<hbm>>
    %dma_start3A_597 = tpu.memref_squeeze %dma_start3A_596 : memref<1x832x32xf32, #tpu.memory_space<hbm>> -> memref<832x32xf32, #tpu.memory_space<hbm>>
    %dma_start3A_598 = arith.constant 0 : i32
    %dma_start3A_599 = arith.constant 0 : i32
    %dma_start3A_600 = tpu.memref_slice %arg6[%dma_start3A_582, %dma_start3A_598, %dma_start3A_599] : memref<4x832x32xf32, #tpu.memory_space<vmem>> -> memref<1x832x32xf32, #tpu.memory_space<vmem>>
    %dma_start3A_601 = tpu.memref_squeeze %dma_start3A_600 : memref<1x832x32xf32, #tpu.memory_space<vmem>> -> memref<832x32xf32, #tpu.memory_space<vmem>>
    tpu.enqueue_dma source(%dma_start3A_601 : memref<832x32xf32, #tpu.memory_space<vmem>>) target(%dma_start3A_597 : memref<832x32xf32, #tpu.memory_space<hbm>>) target_semaphore(%dma_start3A_593 : memref<!tpu.dma_semaphore, #tpu.memory_space<semaphore_mem>>)
    %dma_wait3A_602 = arith.constant 3 : i32
    %dma_wait3A_603 = arith.constant 3 : i32
    %dma_wait3A_604 = arith.constant 0 : i32
    %dma_wait3A_605 = arith.constant 0 : i32
    %dma_wait3A_606 = tpu.memref_slice %arg6[%dma_wait3A_602, %dma_wait3A_604, %dma_wait3A_605] : memref<4x832x32xf32, #tpu.memory_space<vmem>> -> memref<1x832x32xf32, #tpu.memory_space<vmem>>
    %dma_wait3A_607 = tpu.memref_squeeze %dma_wait3A_606 : memref<1x832x32xf32, #tpu.memory_space<vmem>> -> memref<832x32xf32, #tpu.memory_space<vmem>>
    %dma_wait3A_608 = arith.constant 0 : i32
    %dma_wait3A_609 = arith.constant 0 : i32
    %dma_wait3A_610 = tpu.memref_slice %arg4[%add3A_581, %dma_wait3A_608, %dma_wait3A_609] : memref<512x832x32xf32, #tpu.memory_space<hbm>> -> memref<1x832x32xf32, #tpu.memory_space<hbm>>
    %dma_wait3A_611 = tpu.memref_squeeze %dma_wait3A_610 : memref<1x832x32xf32, #tpu.memory_space<hbm>> -> memref<832x32xf32, #tpu.memory_space<hbm>>
    %dma_wait3A_612 = tpu.memref_slice %arg8[%dma_wait3A_603] : memref<4x!tpu.dma_semaphore, #tpu.memory_space<semaphore_mem>> -> memref<1x!tpu.dma_semaphore, #tpu.memory_space<semaphore_mem>>
    %dma_wait3A_613 = tpu.memref_squeeze %dma_wait3A_612 : memref<1x!tpu.dma_semaphore, #tpu.memory_space<semaphore_mem>> -> memref<!tpu.dma_semaphore, #tpu.memory_space<semaphore_mem>>
    %dma_wait3A_614 = arith.constant 0 : i32
    %dma_wait3A_615 = arith.constant 0 : i32
    %dma_wait3A_616 = tpu.memref_slice %arg4[%add3A_581, %dma_wait3A_614, %dma_wait3A_615] : memref<512x832x32xf32, #tpu.memory_space<hbm>> -> memref<1x832x32xf32, #tpu.memory_space<hbm>>
    %dma_wait3A_617 = tpu.memref_squeeze %dma_wait3A_616 : memref<1x832x32xf32, #tpu.memory_space<hbm>> -> memref<832x32xf32, #tpu.memory_space<hbm>>
    %dma_wait3A_618 = arith.constant 0 : i32
    %dma_wait3A_619 = arith.constant 0 : i32
    %dma_wait3A_620 = tpu.memref_slice %arg6[%dma_wait3A_602, %dma_wait3A_618, %dma_wait3A_619] : memref<4x832x32xf32, #tpu.memory_space<vmem>> -> memref<1x832x32xf32, #tpu.memory_space<vmem>>
    %dma_wait3A_621 = tpu.memref_squeeze %dma_wait3A_620 : memref<1x832x32xf32, #tpu.memory_space<vmem>> -> memref<832x32xf32, #tpu.memory_space<vmem>>
    tpu.wait_dma2 semaphore(%dma_wait3A_613 : memref<!tpu.dma_semaphore, #tpu.memory_space<semaphore_mem>>) src(%dma_wait3A_621 : memref<832x32xf32, #tpu.memory_space<vmem>>) dst(%dma_wait3A_617 : memref<832x32xf32, #tpu.memory_space<hbm>>)
    %dma_start3A_622 = arith.constant 11 : i32
    %dma_start3A_623 = arith.constant 3 : i32
    %dma_start3A_624 = arith.constant 3 : i32
    %dma_start3A_625 = arith.constant 0 : i32
    %dma_start3A_626 = arith.constant 0 : i32
    %dma_start3A_627 = tpu.memref_slice %arg6[%dma_start3A_623, %dma_start3A_625, %dma_start3A_626] : memref<4x832x32xf32, #tpu.memory_space<vmem>> -> memref<1x832x32xf32, #tpu.memory_space<vmem>>
    %dma_start3A_628 = tpu.memref_squeeze %dma_start3A_627 : memref<1x832x32xf32, #tpu.memory_space<vmem>> -> memref<832x32xf32, #tpu.memory_space<vmem>>
    %dma_start3A_629 = arith.constant 0 : i32
    %dma_start3A_630 = tpu.memref_slice %arg5[%dma_start3A_622, %dma_start3A_629] : memref<16x832xi32, #tpu.memory_space<vmem>> -> memref<1x832xi32, #tpu.memory_space<vmem>>
    %dma_start3A_631 = tpu.memref_squeeze %dma_start3A_630 : memref<1x832xi32, #tpu.memory_space<vmem>> -> memref<832xi32, #tpu.memory_space<vmem>>
    %dma_start3A_632 = arith.constant 0 : i32
    %dma_start3A_633 = arith.constant 0 : i32
    %dma_start3A_634 = tpu.memref_slice %arg2[%dma_start3A_632, %dma_start3A_633] : memref<1000000x32xf32, #tpu.memory_space<hbm>> -> memref<1000000x32xf32, #tpu.memory_space<hbm>>
    %dma_start3A_635 = tpu.memref_slice %arg7[%dma_start3A_624] : memref<4x!tpu.dma_semaphore, #tpu.memory_space<semaphore_mem>> -> memref<1x!tpu.dma_semaphore, #tpu.memory_space<semaphore_mem>>
    %dma_start3A_636 = tpu.memref_squeeze %dma_start3A_635 : memref<1x!tpu.dma_semaphore, #tpu.memory_space<semaphore_mem>> -> memref<!tpu.dma_semaphore, #tpu.memory_space<semaphore_mem>>
    tpu.enqueue_indirect_dma source(%dma_start3A_634 : memref<1000000x32xf32, #tpu.memory_space<hbm>>) target(%dma_start3A_628 : memref<832x32xf32, #tpu.memory_space<vmem>>) offsets(%dma_start3A_631 : memref<832xi32, #tpu.memory_space<vmem>>) semaphore(%dma_start3A_636 : memref<!tpu.dma_semaphore, #tpu.memory_space<semaphore_mem>>)
    %dma_wait3A_637 = arith.constant 8 : i32
    %dma_wait3A_638 = arith.constant 0 : i32
    %dma_wait3A_639 = arith.constant 0 : i32
    %dma_wait3A_640 = arith.constant 0 : i32
    %dma_wait3A_641 = arith.constant 0 : i32
    %dma_wait3A_642 = tpu.memref_slice %arg6[%dma_wait3A_638, %dma_wait3A_640, %dma_wait3A_641] : memref<4x832x32xf32, #tpu.memory_space<vmem>> -> memref<1x832x32xf32, #tpu.memory_space<vmem>>
    %dma_wait3A_643 = tpu.memref_squeeze %dma_wait3A_642 : memref<1x832x32xf32, #tpu.memory_space<vmem>> -> memref<832x32xf32, #tpu.memory_space<vmem>>
    %dma_wait3A_644 = arith.constant 0 : i32
    %dma_wait3A_645 = tpu.memref_slice %arg5[%dma_wait3A_637, %dma_wait3A_644] : memref<16x832xi32, #tpu.memory_space<vmem>> -> memref<1x832xi32, #tpu.memory_space<vmem>>
    %dma_wait3A_646 = tpu.memref_squeeze %dma_wait3A_645 : memref<1x832xi32, #tpu.memory_space<vmem>> -> memref<832xi32, #tpu.memory_space<vmem>>
    %dma_wait3A_647 = arith.constant 0 : i32
    %dma_wait3A_648 = arith.constant 0 : i32
    %dma_wait3A_649 = tpu.memref_slice %arg2[%dma_wait3A_647, %dma_wait3A_648] : memref<1000000x32xf32, #tpu.memory_space<hbm>> -> memref<1000000x32xf32, #tpu.memory_space<hbm>>
    %dma_wait3A_650 = tpu.memref_slice %arg7[%dma_wait3A_639] : memref<4x!tpu.dma_semaphore, #tpu.memory_space<semaphore_mem>> -> memref<1x!tpu.dma_semaphore, #tpu.memory_space<semaphore_mem>>
    %dma_wait3A_651 = tpu.memref_squeeze %dma_wait3A_650 : memref<1x!tpu.dma_semaphore, #tpu.memory_space<semaphore_mem>> -> memref<!tpu.dma_semaphore, #tpu.memory_space<semaphore_mem>>
    tpu.wait_indirect_dma semaphore(%dma_wait3A_651 : memref<!tpu.dma_semaphore, #tpu.memory_space<semaphore_mem>>) src(%dma_wait3A_649 : memref<1000000x32xf32, #tpu.memory_space<hbm>>) dst(%dma_wait3A_643 : memref<832x32xf32, #tpu.memory_space<vmem>>)
    %add3A_652 = arith.constant 8 : i32
    %add3A_653 = arith.addi %mul3A_2, %add3A_652 : i32
    %dma_start3A_654 = arith.constant 0 : i32
    %dma_start3A_655 = arith.constant 0 : i32
    %dma_start3A_656 = arith.constant 0 : i32
    %dma_start3A_657 = arith.constant 0 : i32
    %dma_start3A_658 = tpu.memref_slice %arg6[%dma_start3A_654, %dma_start3A_656, %dma_start3A_657] : memref<4x832x32xf32, #tpu.memory_space<vmem>> -> memref<1x832x32xf32, #tpu.memory_space<vmem>>
    %dma_start3A_659 = tpu.memref_squeeze %dma_start3A_658 : memref<1x832x32xf32, #tpu.memory_space<vmem>> -> memref<832x32xf32, #tpu.memory_space<vmem>>
    %dma_start3A_660 = arith.constant 0 : i32
    %dma_start3A_661 = arith.constant 0 : i32
    %dma_start3A_662 = tpu.memref_slice %arg4[%add3A_653, %dma_start3A_660, %dma_start3A_661] : memref<512x832x32xf32, #tpu.memory_space<hbm>> -> memref<1x832x32xf32, #tpu.memory_space<hbm>>
    %dma_start3A_663 = tpu.memref_squeeze %dma_start3A_662 : memref<1x832x32xf32, #tpu.memory_space<hbm>> -> memref<832x32xf32, #tpu.memory_space<hbm>>
    %dma_start3A_664 = tpu.memref_slice %arg8[%dma_start3A_655] : memref<4x!tpu.dma_semaphore, #tpu.memory_space<semaphore_mem>> -> memref<1x!tpu.dma_semaphore, #tpu.memory_space<semaphore_mem>>
    %dma_start3A_665 = tpu.memref_squeeze %dma_start3A_664 : memref<1x!tpu.dma_semaphore, #tpu.memory_space<semaphore_mem>> -> memref<!tpu.dma_semaphore, #tpu.memory_space<semaphore_mem>>
    %dma_start3A_666 = arith.constant 0 : i32
    %dma_start3A_667 = arith.constant 0 : i32
    %dma_start3A_668 = tpu.memref_slice %arg4[%add3A_653, %dma_start3A_666, %dma_start3A_667] : memref<512x832x32xf32, #tpu.memory_space<hbm>> -> memref<1x832x32xf32, #tpu.memory_space<hbm>>
    %dma_start3A_669 = tpu.memref_squeeze %dma_start3A_668 : memref<1x832x32xf32, #tpu.memory_space<hbm>> -> memref<832x32xf32, #tpu.memory_space<hbm>>
    %dma_start3A_670 = arith.constant 0 : i32
    %dma_start3A_671 = arith.constant 0 : i32
    %dma_start3A_672 = tpu.memref_slice %arg6[%dma_start3A_654, %dma_start3A_670, %dma_start3A_671] : memref<4x832x32xf32, #tpu.memory_space<vmem>> -> memref<1x832x32xf32, #tpu.memory_space<vmem>>
    %dma_start3A_673 = tpu.memref_squeeze %dma_start3A_672 : memref<1x832x32xf32, #tpu.memory_space<vmem>> -> memref<832x32xf32, #tpu.memory_space<vmem>>
    tpu.enqueue_dma source(%dma_start3A_673 : memref<832x32xf32, #tpu.memory_space<vmem>>) target(%dma_start3A_669 : memref<832x32xf32, #tpu.memory_space<hbm>>) target_semaphore(%dma_start3A_665 : memref<!tpu.dma_semaphore, #tpu.memory_space<semaphore_mem>>)
    %dma_wait3A_674 = arith.constant 0 : i32
    %dma_wait3A_675 = arith.constant 0 : i32
    %dma_wait3A_676 = arith.constant 0 : i32
    %dma_wait3A_677 = arith.constant 0 : i32
    %dma_wait3A_678 = tpu.memref_slice %arg6[%dma_wait3A_674, %dma_wait3A_676, %dma_wait3A_677] : memref<4x832x32xf32, #tpu.memory_space<vmem>> -> memref<1x832x32xf32, #tpu.memory_space<vmem>>
    %dma_wait3A_679 = tpu.memref_squeeze %dma_wait3A_678 : memref<1x832x32xf32, #tpu.memory_space<vmem>> -> memref<832x32xf32, #tpu.memory_space<vmem>>
    %dma_wait3A_680 = arith.constant 0 : i32
    %dma_wait3A_681 = arith.constant 0 : i32
    %dma_wait3A_682 = tpu.memref_slice %arg4[%add3A_653, %dma_wait3A_680, %dma_wait3A_681] : memref<512x832x32xf32, #tpu.memory_space<hbm>> -> memref<1x832x32xf32, #tpu.memory_space<hbm>>
    %dma_wait3A_683 = tpu.memref_squeeze %dma_wait3A_682 : memref<1x832x32xf32, #tpu.memory_space<hbm>> -> memref<832x32xf32, #tpu.memory_space<hbm>>
    %dma_wait3A_684 = tpu.memref_slice %arg8[%dma_wait3A_675] : memref<4x!tpu.dma_semaphore, #tpu.memory_space<semaphore_mem>> -> memref<1x!tpu.dma_semaphore, #tpu.memory_space<semaphore_mem>>
    %dma_wait3A_685 = tpu.memref_squeeze %dma_wait3A_684 : memref<1x!tpu.dma_semaphore, #tpu.memory_space<semaphore_mem>> -> memref<!tpu.dma_semaphore, #tpu.memory_space<semaphore_mem>>
    %dma_wait3A_686 = arith.constant 0 : i32
    %dma_wait3A_687 = arith.constant 0 : i32
    %dma_wait3A_688 = tpu.memref_slice %arg4[%add3A_653, %dma_wait3A_686, %dma_wait3A_687] : memref<512x832x32xf32, #tpu.memory_space<hbm>> -> memref<1x832x32xf32, #tpu.memory_space<hbm>>
    %dma_wait3A_689 = tpu.memref_squeeze %dma_wait3A_688 : memref<1x832x32xf32, #tpu.memory_space<hbm>> -> memref<832x32xf32, #tpu.memory_space<hbm>>
    %dma_wait3A_690 = arith.constant 0 : i32
    %dma_wait3A_691 = arith.constant 0 : i32
    %dma_wait3A_692 = tpu.memref_slice %arg6[%dma_wait3A_674, %dma_wait3A_690, %dma_wait3A_691] : memref<4x832x32xf32, #tpu.memory_space<vmem>> -> memref<1x832x32xf32, #tpu.memory_space<vmem>>
    %dma_wait3A_693 = tpu.memref_squeeze %dma_wait3A_692 : memref<1x832x32xf32, #tpu.memory_space<vmem>> -> memref<832x32xf32, #tpu.memory_space<vmem>>
    tpu.wait_dma2 semaphore(%dma_wait3A_685 : memref<!tpu.dma_semaphore, #tpu.memory_space<semaphore_mem>>) src(%dma_wait3A_693 : memref<832x32xf32, #tpu.memory_space<vmem>>) dst(%dma_wait3A_689 : memref<832x32xf32, #tpu.memory_space<hbm>>)
    %dma_start3A_694 = arith.constant 12 : i32
    %dma_start3A_695 = arith.constant 0 : i32
    %dma_start3A_696 = arith.constant 0 : i32
    %dma_start3A_697 = arith.constant 0 : i32
    %dma_start3A_698 = arith.constant 0 : i32
    %dma_start3A_699 = tpu.memref_slice %arg6[%dma_start3A_695, %dma_start3A_697, %dma_start3A_698] : memref<4x832x32xf32, #tpu.memory_space<vmem>> -> memref<1x832x32xf32, #tpu.memory_space<vmem>>
    %dma_start3A_700 = tpu.memref_squeeze %dma_start3A_699 : memref<1x832x32xf32, #tpu.memory_space<vmem>> -> memref<832x32xf32, #tpu.memory_space<vmem>>
    %dma_start3A_701 = arith.constant 0 : i32
    %dma_start3A_702 = tpu.memref_slice %arg5[%dma_start3A_694, %dma_start3A_701] : memref<16x832xi32, #tpu.memory_space<vmem>> -> memref<1x832xi32, #tpu.memory_space<vmem>>
    %dma_start3A_703 = tpu.memref_squeeze %dma_start3A_702 : memref<1x832xi32, #tpu.memory_space<vmem>> -> memref<832xi32, #tpu.memory_space<vmem>>
    %dma_start3A_704 = arith.constant 0 : i32
    %dma_start3A_705 = arith.constant 0 : i32
    %dma_start3A_706 = tpu.memref_slice %arg2[%dma_start3A_704, %dma_start3A_705] : memref<1000000x32xf32, #tpu.memory_space<hbm>> -> memref<1000000x32xf32, #tpu.memory_space<hbm>>
    %dma_start3A_707 = tpu.memref_slice %arg7[%dma_start3A_696] : memref<4x!tpu.dma_semaphore, #tpu.memory_space<semaphore_mem>> -> memref<1x!tpu.dma_semaphore, #tpu.memory_space<semaphore_mem>>
    %dma_start3A_708 = tpu.memref_squeeze %dma_start3A_707 : memref<1x!tpu.dma_semaphore, #tpu.memory_space<semaphore_mem>> -> memref<!tpu.dma_semaphore, #tpu.memory_space<semaphore_mem>>
    tpu.enqueue_indirect_dma source(%dma_start3A_706 : memref<1000000x32xf32, #tpu.memory_space<hbm>>) target(%dma_start3A_700 : memref<832x32xf32, #tpu.memory_space<vmem>>) offsets(%dma_start3A_703 : memref<832xi32, #tpu.memory_space<vmem>>) semaphore(%dma_start3A_708 : memref<!tpu.dma_semaphore, #tpu.memory_space<semaphore_mem>>)
    %dma_wait3A_709 = arith.constant 9 : i32
    %dma_wait3A_710 = arith.constant 1 : i32
    %dma_wait3A_711 = arith.constant 1 : i32
    %dma_wait3A_712 = arith.constant 0 : i32
    %dma_wait3A_713 = arith.constant 0 : i32
    %dma_wait3A_714 = tpu.memref_slice %arg6[%dma_wait3A_710, %dma_wait3A_712, %dma_wait3A_713] : memref<4x832x32xf32, #tpu.memory_space<vmem>> -> memref<1x832x32xf32, #tpu.memory_space<vmem>>
    %dma_wait3A_715 = tpu.memref_squeeze %dma_wait3A_714 : memref<1x832x32xf32, #tpu.memory_space<vmem>> -> memref<832x32xf32, #tpu.memory_space<vmem>>
    %dma_wait3A_716 = arith.constant 0 : i32
    %dma_wait3A_717 = tpu.memref_slice %arg5[%dma_wait3A_709, %dma_wait3A_716] : memref<16x832xi32, #tpu.memory_space<vmem>> -> memref<1x832xi32, #tpu.memory_space<vmem>>
    %dma_wait3A_718 = tpu.memref_squeeze %dma_wait3A_717 : memref<1x832xi32, #tpu.memory_space<vmem>> -> memref<832xi32, #tpu.memory_space<vmem>>
    %dma_wait3A_719 = arith.constant 0 : i32
    %dma_wait3A_720 = arith.constant 0 : i32
    %dma_wait3A_721 = tpu.memref_slice %arg2[%dma_wait3A_719, %dma_wait3A_720] : memref<1000000x32xf32, #tpu.memory_space<hbm>> -> memref<1000000x32xf32, #tpu.memory_space<hbm>>
    %dma_wait3A_722 = tpu.memref_slice %arg7[%dma_wait3A_711] : memref<4x!tpu.dma_semaphore, #tpu.memory_space<semaphore_mem>> -> memref<1x!tpu.dma_semaphore, #tpu.memory_space<semaphore_mem>>
    %dma_wait3A_723 = tpu.memref_squeeze %dma_wait3A_722 : memref<1x!tpu.dma_semaphore, #tpu.memory_space<semaphore_mem>> -> memref<!tpu.dma_semaphore, #tpu.memory_space<semaphore_mem>>
    tpu.wait_indirect_dma semaphore(%dma_wait3A_723 : memref<!tpu.dma_semaphore, #tpu.memory_space<semaphore_mem>>) src(%dma_wait3A_721 : memref<1000000x32xf32, #tpu.memory_space<hbm>>) dst(%dma_wait3A_715 : memref<832x32xf32, #tpu.memory_space<vmem>>)
    %add3A_724 = arith.constant 9 : i32
    %add3A_725 = arith.addi %mul3A_2, %add3A_724 : i32
    %dma_start3A_726 = arith.constant 1 : i32
    %dma_start3A_727 = arith.constant 1 : i32
    %dma_start3A_728 = arith.constant 0 : i32
    %dma_start3A_729 = arith.constant 0 : i32
    %dma_start3A_730 = tpu.memref_slice %arg6[%dma_start3A_726, %dma_start3A_728, %dma_start3A_729] : memref<4x832x32xf32, #tpu.memory_space<vmem>> -> memref<1x832x32xf32, #tpu.memory_space<vmem>>
    %dma_start3A_731 = tpu.memref_squeeze %dma_start3A_730 : memref<1x832x32xf32, #tpu.memory_space<vmem>> -> memref<832x32xf32, #tpu.memory_space<vmem>>
    %dma_start3A_732 = arith.constant 0 : i32
    %dma_start3A_733 = arith.constant 0 : i32
    %dma_start3A_734 = tpu.memref_slice %arg4[%add3A_725, %dma_start3A_732, %dma_start3A_733] : memref<512x832x32xf32, #tpu.memory_space<hbm>> -> memref<1x832x32xf32, #tpu.memory_space<hbm>>
    %dma_start3A_735 = tpu.memref_squeeze %dma_start3A_734 : memref<1x832x32xf32, #tpu.memory_space<hbm>> -> memref<832x32xf32, #tpu.memory_space<hbm>>
    %dma_start3A_736 = tpu.memref_slice %arg8[%dma_start3A_727] : memref<4x!tpu.dma_semaphore, #tpu.memory_space<semaphore_mem>> -> memref<1x!tpu.dma_semaphore, #tpu.memory_space<semaphore_mem>>
    %dma_start3A_737 = tpu.memref_squeeze %dma_start3A_736 : memref<1x!tpu.dma_semaphore, #tpu.memory_space<semaphore_mem>> -> memref<!tpu.dma_semaphore, #tpu.memory_space<semaphore_mem>>
    %dma_start3A_738 = arith.constant 0 : i32
    %dma_start3A_739 = arith.constant 0 : i32
    %dma_start3A_740 = tpu.memref_slice %arg4[%add3A_725, %dma_start3A_738, %dma_start3A_739] : memref<512x832x32xf32, #tpu.memory_space<hbm>> -> memref<1x832x32xf32, #tpu.memory_space<hbm>>
    %dma_start3A_741 = tpu.memref_squeeze %dma_start3A_740 : memref<1x832x32xf32, #tpu.memory_space<hbm>> -> memref<832x32xf32, #tpu.memory_space<hbm>>
    %dma_start3A_742 = arith.constant 0 : i32
    %dma_start3A_743 = arith.constant 0 : i32
    %dma_start3A_744 = tpu.memref_slice %arg6[%dma_start3A_726, %dma_start3A_742, %dma_start3A_743] : memref<4x832x32xf32, #tpu.memory_space<vmem>> -> memref<1x832x32xf32, #tpu.memory_space<vmem>>
    %dma_start3A_745 = tpu.memref_squeeze %dma_start3A_744 : memref<1x832x32xf32, #tpu.memory_space<vmem>> -> memref<832x32xf32, #tpu.memory_space<vmem>>
    tpu.enqueue_dma source(%dma_start3A_745 : memref<832x32xf32, #tpu.memory_space<vmem>>) target(%dma_start3A_741 : memref<832x32xf32, #tpu.memory_space<hbm>>) target_semaphore(%dma_start3A_737 : memref<!tpu.dma_semaphore, #tpu.memory_space<semaphore_mem>>)
    %dma_wait3A_746 = arith.constant 1 : i32
    %dma_wait3A_747 = arith.constant 1 : i32
    %dma_wait3A_748 = arith.constant 0 : i32
    %dma_wait3A_749 = arith.constant 0 : i32
    %dma_wait3A_750 = tpu.memref_slice %arg6[%dma_wait3A_746, %dma_wait3A_748, %dma_wait3A_749] : memref<4x832x32xf32, #tpu.memory_space<vmem>> -> memref<1x832x32xf32, #tpu.memory_space<vmem>>
    %dma_wait3A_751 = tpu.memref_squeeze %dma_wait3A_750 : memref<1x832x32xf32, #tpu.memory_space<vmem>> -> memref<832x32xf32, #tpu.memory_space<vmem>>
    %dma_wait3A_752 = arith.constant 0 : i32
    %dma_wait3A_753 = arith.constant 0 : i32
    %dma_wait3A_754 = tpu.memref_slice %arg4[%add3A_725, %dma_wait3A_752, %dma_wait3A_753] : memref<512x832x32xf32, #tpu.memory_space<hbm>> -> memref<1x832x32xf32, #tpu.memory_space<hbm>>
    %dma_wait3A_755 = tpu.memref_squeeze %dma_wait3A_754 : memref<1x832x32xf32, #tpu.memory_space<hbm>> -> memref<832x32xf32, #tpu.memory_space<hbm>>
    %dma_wait3A_756 = tpu.memref_slice %arg8[%dma_wait3A_747] : memref<4x!tpu.dma_semaphore, #tpu.memory_space<semaphore_mem>> -> memref<1x!tpu.dma_semaphore, #tpu.memory_space<semaphore_mem>>
    %dma_wait3A_757 = tpu.memref_squeeze %dma_wait3A_756 : memref<1x!tpu.dma_semaphore, #tpu.memory_space<semaphore_mem>> -> memref<!tpu.dma_semaphore, #tpu.memory_space<semaphore_mem>>
    %dma_wait3A_758 = arith.constant 0 : i32
    %dma_wait3A_759 = arith.constant 0 : i32
    %dma_wait3A_760 = tpu.memref_slice %arg4[%add3A_725, %dma_wait3A_758, %dma_wait3A_759] : memref<512x832x32xf32, #tpu.memory_space<hbm>> -> memref<1x832x32xf32, #tpu.memory_space<hbm>>
    %dma_wait3A_761 = tpu.memref_squeeze %dma_wait3A_760 : memref<1x832x32xf32, #tpu.memory_space<hbm>> -> memref<832x32xf32, #tpu.memory_space<hbm>>
    %dma_wait3A_762 = arith.constant 0 : i32
    %dma_wait3A_763 = arith.constant 0 : i32
    %dma_wait3A_764 = tpu.memref_slice %arg6[%dma_wait3A_746, %dma_wait3A_762, %dma_wait3A_763] : memref<4x832x32xf32, #tpu.memory_space<vmem>> -> memref<1x832x32xf32, #tpu.memory_space<vmem>>
    %dma_wait3A_765 = tpu.memref_squeeze %dma_wait3A_764 : memref<1x832x32xf32, #tpu.memory_space<vmem>> -> memref<832x32xf32, #tpu.memory_space<vmem>>
    tpu.wait_dma2 semaphore(%dma_wait3A_757 : memref<!tpu.dma_semaphore, #tpu.memory_space<semaphore_mem>>) src(%dma_wait3A_765 : memref<832x32xf32, #tpu.memory_space<vmem>>) dst(%dma_wait3A_761 : memref<832x32xf32, #tpu.memory_space<hbm>>)
    %dma_start3A_766 = arith.constant 13 : i32
    %dma_start3A_767 = arith.constant 1 : i32
    %dma_start3A_768 = arith.constant 1 : i32
    %dma_start3A_769 = arith.constant 0 : i32
    %dma_start3A_770 = arith.constant 0 : i32
    %dma_start3A_771 = tpu.memref_slice %arg6[%dma_start3A_767, %dma_start3A_769, %dma_start3A_770] : memref<4x832x32xf32, #tpu.memory_space<vmem>> -> memref<1x832x32xf32, #tpu.memory_space<vmem>>
    %dma_start3A_772 = tpu.memref_squeeze %dma_start3A_771 : memref<1x832x32xf32, #tpu.memory_space<vmem>> -> memref<832x32xf32, #tpu.memory_space<vmem>>
    %dma_start3A_773 = arith.constant 0 : i32
    %dma_start3A_774 = tpu.memref_slice %arg5[%dma_start3A_766, %dma_start3A_773] : memref<16x832xi32, #tpu.memory_space<vmem>> -> memref<1x832xi32, #tpu.memory_space<vmem>>
    %dma_start3A_775 = tpu.memref_squeeze %dma_start3A_774 : memref<1x832xi32, #tpu.memory_space<vmem>> -> memref<832xi32, #tpu.memory_space<vmem>>
    %dma_start3A_776 = arith.constant 0 : i32
    %dma_start3A_777 = arith.constant 0 : i32
    %dma_start3A_778 = tpu.memref_slice %arg2[%dma_start3A_776, %dma_start3A_777] : memref<1000000x32xf32, #tpu.memory_space<hbm>> -> memref<1000000x32xf32, #tpu.memory_space<hbm>>
    %dma_start3A_779 = tpu.memref_slice %arg7[%dma_start3A_768] : memref<4x!tpu.dma_semaphore, #tpu.memory_space<semaphore_mem>> -> memref<1x!tpu.dma_semaphore, #tpu.memory_space<semaphore_mem>>
    %dma_start3A_780 = tpu.memref_squeeze %dma_start3A_779 : memref<1x!tpu.dma_semaphore, #tpu.memory_space<semaphore_mem>> -> memref<!tpu.dma_semaphore, #tpu.memory_space<semaphore_mem>>
    tpu.enqueue_indirect_dma source(%dma_start3A_778 : memref<1000000x32xf32, #tpu.memory_space<hbm>>) target(%dma_start3A_772 : memref<832x32xf32, #tpu.memory_space<vmem>>) offsets(%dma_start3A_775 : memref<832xi32, #tpu.memory_space<vmem>>) semaphore(%dma_start3A_780 : memref<!tpu.dma_semaphore, #tpu.memory_space<semaphore_mem>>)
    %dma_wait3A_781 = arith.constant 10 : i32
    %dma_wait3A_782 = arith.constant 2 : i32
    %dma_wait3A_783 = arith.constant 2 : i32
    %dma_wait3A_784 = arith.constant 0 : i32
    %dma_wait3A_785 = arith.constant 0 : i32
    %dma_wait3A_786 = tpu.memref_slice %arg6[%dma_wait3A_782, %dma_wait3A_784, %dma_wait3A_785] : memref<4x832x32xf32, #tpu.memory_space<vmem>> -> memref<1x832x32xf32, #tpu.memory_space<vmem>>
    %dma_wait3A_787 = tpu.memref_squeeze %dma_wait3A_786 : memref<1x832x32xf32, #tpu.memory_space<vmem>> -> memref<832x32xf32, #tpu.memory_space<vmem>>
    %dma_wait3A_788 = arith.constant 0 : i32
    %dma_wait3A_789 = tpu.memref_slice %arg5[%dma_wait3A_781, %dma_wait3A_788] : memref<16x832xi32, #tpu.memory_space<vmem>> -> memref<1x832xi32, #tpu.memory_space<vmem>>
    %dma_wait3A_790 = tpu.memref_squeeze %dma_wait3A_789 : memref<1x832xi32, #tpu.memory_space<vmem>> -> memref<832xi32, #tpu.memory_space<vmem>>
    %dma_wait3A_791 = arith.constant 0 : i32
    %dma_wait3A_792 = arith.constant 0 : i32
    %dma_wait3A_793 = tpu.memref_slice %arg2[%dma_wait3A_791, %dma_wait3A_792] : memref<1000000x32xf32, #tpu.memory_space<hbm>> -> memref<1000000x32xf32, #tpu.memory_space<hbm>>
    %dma_wait3A_794 = tpu.memref_slice %arg7[%dma_wait3A_783] : memref<4x!tpu.dma_semaphore, #tpu.memory_space<semaphore_mem>> -> memref<1x!tpu.dma_semaphore, #tpu.memory_space<semaphore_mem>>
    %dma_wait3A_795 = tpu.memref_squeeze %dma_wait3A_794 : memref<1x!tpu.dma_semaphore, #tpu.memory_space<semaphore_mem>> -> memref<!tpu.dma_semaphore, #tpu.memory_space<semaphore_mem>>
    tpu.wait_indirect_dma semaphore(%dma_wait3A_795 : memref<!tpu.dma_semaphore, #tpu.memory_space<semaphore_mem>>) src(%dma_wait3A_793 : memref<1000000x32xf32, #tpu.memory_space<hbm>>) dst(%dma_wait3A_787 : memref<832x32xf32, #tpu.memory_space<vmem>>)
    %add3A_796 = arith.constant 10 : i32
    %add3A_797 = arith.addi %mul3A_2, %add3A_796 : i32
    %dma_start3A_798 = arith.constant 2 : i32
    %dma_start3A_799 = arith.constant 2 : i32
    %dma_start3A_800 = arith.constant 0 : i32
    %dma_start3A_801 = arith.constant 0 : i32
    %dma_start3A_802 = tpu.memref_slice %arg6[%dma_start3A_798, %dma_start3A_800, %dma_start3A_801] : memref<4x832x32xf32, #tpu.memory_space<vmem>> -> memref<1x832x32xf32, #tpu.memory_space<vmem>>
    %dma_start3A_803 = tpu.memref_squeeze %dma_start3A_802 : memref<1x832x32xf32, #tpu.memory_space<vmem>> -> memref<832x32xf32, #tpu.memory_space<vmem>>
    %dma_start3A_804 = arith.constant 0 : i32
    %dma_start3A_805 = arith.constant 0 : i32
    %dma_start3A_806 = tpu.memref_slice %arg4[%add3A_797, %dma_start3A_804, %dma_start3A_805] : memref<512x832x32xf32, #tpu.memory_space<hbm>> -> memref<1x832x32xf32, #tpu.memory_space<hbm>>
    %dma_start3A_807 = tpu.memref_squeeze %dma_start3A_806 : memref<1x832x32xf32, #tpu.memory_space<hbm>> -> memref<832x32xf32, #tpu.memory_space<hbm>>
    %dma_start3A_808 = tpu.memref_slice %arg8[%dma_start3A_799] : memref<4x!tpu.dma_semaphore, #tpu.memory_space<semaphore_mem>> -> memref<1x!tpu.dma_semaphore, #tpu.memory_space<semaphore_mem>>
    %dma_start3A_809 = tpu.memref_squeeze %dma_start3A_808 : memref<1x!tpu.dma_semaphore, #tpu.memory_space<semaphore_mem>> -> memref<!tpu.dma_semaphore, #tpu.memory_space<semaphore_mem>>
    %dma_start3A_810 = arith.constant 0 : i32
    %dma_start3A_811 = arith.constant 0 : i32
    %dma_start3A_812 = tpu.memref_slice %arg4[%add3A_797, %dma_start3A_810, %dma_start3A_811] : memref<512x832x32xf32, #tpu.memory_space<hbm>> -> memref<1x832x32xf32, #tpu.memory_space<hbm>>
    %dma_start3A_813 = tpu.memref_squeeze %dma_start3A_812 : memref<1x832x32xf32, #tpu.memory_space<hbm>> -> memref<832x32xf32, #tpu.memory_space<hbm>>
    %dma_start3A_814 = arith.constant 0 : i32
    %dma_start3A_815 = arith.constant 0 : i32
    %dma_start3A_816 = tpu.memref_slice %arg6[%dma_start3A_798, %dma_start3A_814, %dma_start3A_815] : memref<4x832x32xf32, #tpu.memory_space<vmem>> -> memref<1x832x32xf32, #tpu.memory_space<vmem>>
    %dma_start3A_817 = tpu.memref_squeeze %dma_start3A_816 : memref<1x832x32xf32, #tpu.memory_space<vmem>> -> memref<832x32xf32, #tpu.memory_space<vmem>>
    tpu.enqueue_dma source(%dma_start3A_817 : memref<832x32xf32, #tpu.memory_space<vmem>>) target(%dma_start3A_813 : memref<832x32xf32, #tpu.memory_space<hbm>>) target_semaphore(%dma_start3A_809 : memref<!tpu.dma_semaphore, #tpu.memory_space<semaphore_mem>>)
    %dma_wait3A_818 = arith.constant 2 : i32
    %dma_wait3A_819 = arith.constant 2 : i32
    %dma_wait3A_820 = arith.constant 0 : i32
    %dma_wait3A_821 = arith.constant 0 : i32
    %dma_wait3A_822 = tpu.memref_slice %arg6[%dma_wait3A_818, %dma_wait3A_820, %dma_wait3A_821] : memref<4x832x32xf32, #tpu.memory_space<vmem>> -> memref<1x832x32xf32, #tpu.memory_space<vmem>>
    %dma_wait3A_823 = tpu.memref_squeeze %dma_wait3A_822 : memref<1x832x32xf32, #tpu.memory_space<vmem>> -> memref<832x32xf32, #tpu.memory_space<vmem>>
    %dma_wait3A_824 = arith.constant 0 : i32
    %dma_wait3A_825 = arith.constant 0 : i32
    %dma_wait3A_826 = tpu.memref_slice %arg4[%add3A_797, %dma_wait3A_824, %dma_wait3A_825] : memref<512x832x32xf32, #tpu.memory_space<hbm>> -> memref<1x832x32xf32, #tpu.memory_space<hbm>>
    %dma_wait3A_827 = tpu.memref_squeeze %dma_wait3A_826 : memref<1x832x32xf32, #tpu.memory_space<hbm>> -> memref<832x32xf32, #tpu.memory_space<hbm>>
    %dma_wait3A_828 = tpu.memref_slice %arg8[%dma_wait3A_819] : memref<4x!tpu.dma_semaphore, #tpu.memory_space<semaphore_mem>> -> memref<1x!tpu.dma_semaphore, #tpu.memory_space<semaphore_mem>>
    %dma_wait3A_829 = tpu.memref_squeeze %dma_wait3A_828 : memref<1x!tpu.dma_semaphore, #tpu.memory_space<semaphore_mem>> -> memref<!tpu.dma_semaphore, #tpu.memory_space<semaphore_mem>>
    %dma_wait3A_830 = arith.constant 0 : i32
    %dma_wait3A_831 = arith.constant 0 : i32
    %dma_wait3A_832 = tpu.memref_slice %arg4[%add3A_797, %dma_wait3A_830, %dma_wait3A_831] : memref<512x832x32xf32, #tpu.memory_space<hbm>> -> memref<1x832x32xf32, #tpu.memory_space<hbm>>
    %dma_wait3A_833 = tpu.memref_squeeze %dma_wait3A_832 : memref<1x832x32xf32, #tpu.memory_space<hbm>> -> memref<832x32xf32, #tpu.memory_space<hbm>>
    %dma_wait3A_834 = arith.constant 0 : i32
    %dma_wait3A_835 = arith.constant 0 : i32
    %dma_wait3A_836 = tpu.memref_slice %arg6[%dma_wait3A_818, %dma_wait3A_834, %dma_wait3A_835] : memref<4x832x32xf32, #tpu.memory_space<vmem>> -> memref<1x832x32xf32, #tpu.memory_space<vmem>>
    %dma_wait3A_837 = tpu.memref_squeeze %dma_wait3A_836 : memref<1x832x32xf32, #tpu.memory_space<vmem>> -> memref<832x32xf32, #tpu.memory_space<vmem>>
    tpu.wait_dma2 semaphore(%dma_wait3A_829 : memref<!tpu.dma_semaphore, #tpu.memory_space<semaphore_mem>>) src(%dma_wait3A_837 : memref<832x32xf32, #tpu.memory_space<vmem>>) dst(%dma_wait3A_833 : memref<832x32xf32, #tpu.memory_space<hbm>>)
    %dma_start3A_838 = arith.constant 14 : i32
    %dma_start3A_839 = arith.constant 2 : i32
    %dma_start3A_840 = arith.constant 2 : i32
    %dma_start3A_841 = arith.constant 0 : i32
    %dma_start3A_842 = arith.constant 0 : i32
    %dma_start3A_843 = tpu.memref_slice %arg6[%dma_start3A_839, %dma_start3A_841, %dma_start3A_842] : memref<4x832x32xf32, #tpu.memory_space<vmem>> -> memref<1x832x32xf32, #tpu.memory_space<vmem>>
    %dma_start3A_844 = tpu.memref_squeeze %dma_start3A_843 : memref<1x832x32xf32, #tpu.memory_space<vmem>> -> memref<832x32xf32, #tpu.memory_space<vmem>>
    %dma_start3A_845 = arith.constant 0 : i32
    %dma_start3A_846 = tpu.memref_slice %arg5[%dma_start3A_838, %dma_start3A_845] : memref<16x832xi32, #tpu.memory_space<vmem>> -> memref<1x832xi32, #tpu.memory_space<vmem>>
    %dma_start3A_847 = tpu.memref_squeeze %dma_start3A_846 : memref<1x832xi32, #tpu.memory_space<vmem>> -> memref<832xi32, #tpu.memory_space<vmem>>
    %dma_start3A_848 = arith.constant 0 : i32
    %dma_start3A_849 = arith.constant 0 : i32
    %dma_start3A_850 = tpu.memref_slice %arg2[%dma_start3A_848, %dma_start3A_849] : memref<1000000x32xf32, #tpu.memory_space<hbm>> -> memref<1000000x32xf32, #tpu.memory_space<hbm>>
    %dma_start3A_851 = tpu.memref_slice %arg7[%dma_start3A_840] : memref<4x!tpu.dma_semaphore, #tpu.memory_space<semaphore_mem>> -> memref<1x!tpu.dma_semaphore, #tpu.memory_space<semaphore_mem>>
    %dma_start3A_852 = tpu.memref_squeeze %dma_start3A_851 : memref<1x!tpu.dma_semaphore, #tpu.memory_space<semaphore_mem>> -> memref<!tpu.dma_semaphore, #tpu.memory_space<semaphore_mem>>
    tpu.enqueue_indirect_dma source(%dma_start3A_850 : memref<1000000x32xf32, #tpu.memory_space<hbm>>) target(%dma_start3A_844 : memref<832x32xf32, #tpu.memory_space<vmem>>) offsets(%dma_start3A_847 : memref<832xi32, #tpu.memory_space<vmem>>) semaphore(%dma_start3A_852 : memref<!tpu.dma_semaphore, #tpu.memory_space<semaphore_mem>>)
    %dma_wait3A_853 = arith.constant 11 : i32
    %dma_wait3A_854 = arith.constant 3 : i32
    %dma_wait3A_855 = arith.constant 3 : i32
    %dma_wait3A_856 = arith.constant 0 : i32
    %dma_wait3A_857 = arith.constant 0 : i32
    %dma_wait3A_858 = tpu.memref_slice %arg6[%dma_wait3A_854, %dma_wait3A_856, %dma_wait3A_857] : memref<4x832x32xf32, #tpu.memory_space<vmem>> -> memref<1x832x32xf32, #tpu.memory_space<vmem>>
    %dma_wait3A_859 = tpu.memref_squeeze %dma_wait3A_858 : memref<1x832x32xf32, #tpu.memory_space<vmem>> -> memref<832x32xf32, #tpu.memory_space<vmem>>
    %dma_wait3A_860 = arith.constant 0 : i32
    %dma_wait3A_861 = tpu.memref_slice %arg5[%dma_wait3A_853, %dma_wait3A_860] : memref<16x832xi32, #tpu.memory_space<vmem>> -> memref<1x832xi32, #tpu.memory_space<vmem>>
    %dma_wait3A_862 = tpu.memref_squeeze %dma_wait3A_861 : memref<1x832xi32, #tpu.memory_space<vmem>> -> memref<832xi32, #tpu.memory_space<vmem>>
    %dma_wait3A_863 = arith.constant 0 : i32
    %dma_wait3A_864 = arith.constant 0 : i32
    %dma_wait3A_865 = tpu.memref_slice %arg2[%dma_wait3A_863, %dma_wait3A_864] : memref<1000000x32xf32, #tpu.memory_space<hbm>> -> memref<1000000x32xf32, #tpu.memory_space<hbm>>
    %dma_wait3A_866 = tpu.memref_slice %arg7[%dma_wait3A_855] : memref<4x!tpu.dma_semaphore, #tpu.memory_space<semaphore_mem>> -> memref<1x!tpu.dma_semaphore, #tpu.memory_space<semaphore_mem>>
    %dma_wait3A_867 = tpu.memref_squeeze %dma_wait3A_866 : memref<1x!tpu.dma_semaphore, #tpu.memory_space<semaphore_mem>> -> memref<!tpu.dma_semaphore, #tpu.memory_space<semaphore_mem>>
    tpu.wait_indirect_dma semaphore(%dma_wait3A_867 : memref<!tpu.dma_semaphore, #tpu.memory_space<semaphore_mem>>) src(%dma_wait3A_865 : memref<1000000x32xf32, #tpu.memory_space<hbm>>) dst(%dma_wait3A_859 : memref<832x32xf32, #tpu.memory_space<vmem>>)
    %add3A_868 = arith.constant 11 : i32
    %add3A_869 = arith.addi %mul3A_2, %add3A_868 : i32
    %dma_start3A_870 = arith.constant 3 : i32
    %dma_start3A_871 = arith.constant 3 : i32
    %dma_start3A_872 = arith.constant 0 : i32
    %dma_start3A_873 = arith.constant 0 : i32
    %dma_start3A_874 = tpu.memref_slice %arg6[%dma_start3A_870, %dma_start3A_872, %dma_start3A_873] : memref<4x832x32xf32, #tpu.memory_space<vmem>> -> memref<1x832x32xf32, #tpu.memory_space<vmem>>
    %dma_start3A_875 = tpu.memref_squeeze %dma_start3A_874 : memref<1x832x32xf32, #tpu.memory_space<vmem>> -> memref<832x32xf32, #tpu.memory_space<vmem>>
    %dma_start3A_876 = arith.constant 0 : i32
    %dma_start3A_877 = arith.constant 0 : i32
    %dma_start3A_878 = tpu.memref_slice %arg4[%add3A_869, %dma_start3A_876, %dma_start3A_877] : memref<512x832x32xf32, #tpu.memory_space<hbm>> -> memref<1x832x32xf32, #tpu.memory_space<hbm>>
    %dma_start3A_879 = tpu.memref_squeeze %dma_start3A_878 : memref<1x832x32xf32, #tpu.memory_space<hbm>> -> memref<832x32xf32, #tpu.memory_space<hbm>>
    %dma_start3A_880 = tpu.memref_slice %arg8[%dma_start3A_871] : memref<4x!tpu.dma_semaphore, #tpu.memory_space<semaphore_mem>> -> memref<1x!tpu.dma_semaphore, #tpu.memory_space<semaphore_mem>>
    %dma_start3A_881 = tpu.memref_squeeze %dma_start3A_880 : memref<1x!tpu.dma_semaphore, #tpu.memory_space<semaphore_mem>> -> memref<!tpu.dma_semaphore, #tpu.memory_space<semaphore_mem>>
    %dma_start3A_882 = arith.constant 0 : i32
    %dma_start3A_883 = arith.constant 0 : i32
    %dma_start3A_884 = tpu.memref_slice %arg4[%add3A_869, %dma_start3A_882, %dma_start3A_883] : memref<512x832x32xf32, #tpu.memory_space<hbm>> -> memref<1x832x32xf32, #tpu.memory_space<hbm>>
    %dma_start3A_885 = tpu.memref_squeeze %dma_start3A_884 : memref<1x832x32xf32, #tpu.memory_space<hbm>> -> memref<832x32xf32, #tpu.memory_space<hbm>>
    %dma_start3A_886 = arith.constant 0 : i32
    %dma_start3A_887 = arith.constant 0 : i32
    %dma_start3A_888 = tpu.memref_slice %arg6[%dma_start3A_870, %dma_start3A_886, %dma_start3A_887] : memref<4x832x32xf32, #tpu.memory_space<vmem>> -> memref<1x832x32xf32, #tpu.memory_space<vmem>>
    %dma_start3A_889 = tpu.memref_squeeze %dma_start3A_888 : memref<1x832x32xf32, #tpu.memory_space<vmem>> -> memref<832x32xf32, #tpu.memory_space<vmem>>
    tpu.enqueue_dma source(%dma_start3A_889 : memref<832x32xf32, #tpu.memory_space<vmem>>) target(%dma_start3A_885 : memref<832x32xf32, #tpu.memory_space<hbm>>) target_semaphore(%dma_start3A_881 : memref<!tpu.dma_semaphore, #tpu.memory_space<semaphore_mem>>)
    %dma_wait3A_890 = arith.constant 3 : i32
    %dma_wait3A_891 = arith.constant 3 : i32
    %dma_wait3A_892 = arith.constant 0 : i32
    %dma_wait3A_893 = arith.constant 0 : i32
    %dma_wait3A_894 = tpu.memref_slice %arg6[%dma_wait3A_890, %dma_wait3A_892, %dma_wait3A_893] : memref<4x832x32xf32, #tpu.memory_space<vmem>> -> memref<1x832x32xf32, #tpu.memory_space<vmem>>
    %dma_wait3A_895 = tpu.memref_squeeze %dma_wait3A_894 : memref<1x832x32xf32, #tpu.memory_space<vmem>> -> memref<832x32xf32, #tpu.memory_space<vmem>>
    %dma_wait3A_896 = arith.constant 0 : i32
    %dma_wait3A_897 = arith.constant 0 : i32
    %dma_wait3A_898 = tpu.memref_slice %arg4[%add3A_869, %dma_wait3A_896, %dma_wait3A_897] : memref<512x832x32xf32, #tpu.memory_space<hbm>> -> memref<1x832x32xf32, #tpu.memory_space<hbm>>
    %dma_wait3A_899 = tpu.memref_squeeze %dma_wait3A_898 : memref<1x832x32xf32, #tpu.memory_space<hbm>> -> memref<832x32xf32, #tpu.memory_space<hbm>>
    %dma_wait3A_900 = tpu.memref_slice %arg8[%dma_wait3A_891] : memref<4x!tpu.dma_semaphore, #tpu.memory_space<semaphore_mem>> -> memref<1x!tpu.dma_semaphore, #tpu.memory_space<semaphore_mem>>
    %dma_wait3A_901 = tpu.memref_squeeze %dma_wait3A_900 : memref<1x!tpu.dma_semaphore, #tpu.memory_space<semaphore_mem>> -> memref<!tpu.dma_semaphore, #tpu.memory_space<semaphore_mem>>
    %dma_wait3A_902 = arith.constant 0 : i32
    %dma_wait3A_903 = arith.constant 0 : i32
    %dma_wait3A_904 = tpu.memref_slice %arg4[%add3A_869, %dma_wait3A_902, %dma_wait3A_903] : memref<512x832x32xf32, #tpu.memory_space<hbm>> -> memref<1x832x32xf32, #tpu.memory_space<hbm>>
    %dma_wait3A_905 = tpu.memref_squeeze %dma_wait3A_904 : memref<1x832x32xf32, #tpu.memory_space<hbm>> -> memref<832x32xf32, #tpu.memory_space<hbm>>
    %dma_wait3A_906 = arith.constant 0 : i32
    %dma_wait3A_907 = arith.constant 0 : i32
    %dma_wait3A_908 = tpu.memref_slice %arg6[%dma_wait3A_890, %dma_wait3A_906, %dma_wait3A_907] : memref<4x832x32xf32, #tpu.memory_space<vmem>> -> memref<1x832x32xf32, #tpu.memory_space<vmem>>
    %dma_wait3A_909 = tpu.memref_squeeze %dma_wait3A_908 : memref<1x832x32xf32, #tpu.memory_space<vmem>> -> memref<832x32xf32, #tpu.memory_space<vmem>>
    tpu.wait_dma2 semaphore(%dma_wait3A_901 : memref<!tpu.dma_semaphore, #tpu.memory_space<semaphore_mem>>) src(%dma_wait3A_909 : memref<832x32xf32, #tpu.memory_space<vmem>>) dst(%dma_wait3A_905 : memref<832x32xf32, #tpu.memory_space<hbm>>)
    %dma_start3A_910 = arith.constant 15 : i32
    %dma_start3A_911 = arith.constant 3 : i32
    %dma_start3A_912 = arith.constant 3 : i32
    %dma_start3A_913 = arith.constant 0 : i32
    %dma_start3A_914 = arith.constant 0 : i32
    %dma_start3A_915 = tpu.memref_slice %arg6[%dma_start3A_911, %dma_start3A_913, %dma_start3A_914] : memref<4x832x32xf32, #tpu.memory_space<vmem>> -> memref<1x832x32xf32, #tpu.memory_space<vmem>>
    %dma_start3A_916 = tpu.memref_squeeze %dma_start3A_915 : memref<1x832x32xf32, #tpu.memory_space<vmem>> -> memref<832x32xf32, #tpu.memory_space<vmem>>
    %dma_start3A_917 = arith.constant 0 : i32
    %dma_start3A_918 = tpu.memref_slice %arg5[%dma_start3A_910, %dma_start3A_917] : memref<16x832xi32, #tpu.memory_space<vmem>> -> memref<1x832xi32, #tpu.memory_space<vmem>>
    %dma_start3A_919 = tpu.memref_squeeze %dma_start3A_918 : memref<1x832xi32, #tpu.memory_space<vmem>> -> memref<832xi32, #tpu.memory_space<vmem>>
    %dma_start3A_920 = arith.constant 0 : i32
    %dma_start3A_921 = arith.constant 0 : i32
    %dma_start3A_922 = tpu.memref_slice %arg2[%dma_start3A_920, %dma_start3A_921] : memref<1000000x32xf32, #tpu.memory_space<hbm>> -> memref<1000000x32xf32, #tpu.memory_space<hbm>>
    %dma_start3A_923 = tpu.memref_slice %arg7[%dma_start3A_912] : memref<4x!tpu.dma_semaphore, #tpu.memory_space<semaphore_mem>> -> memref<1x!tpu.dma_semaphore, #tpu.memory_space<semaphore_mem>>
    %dma_start3A_924 = tpu.memref_squeeze %dma_start3A_923 : memref<1x!tpu.dma_semaphore, #tpu.memory_space<semaphore_mem>> -> memref<!tpu.dma_semaphore, #tpu.memory_space<semaphore_mem>>
    tpu.enqueue_indirect_dma source(%dma_start3A_922 : memref<1000000x32xf32, #tpu.memory_space<hbm>>) target(%dma_start3A_916 : memref<832x32xf32, #tpu.memory_space<vmem>>) offsets(%dma_start3A_919 : memref<832xi32, #tpu.memory_space<vmem>>) semaphore(%dma_start3A_924 : memref<!tpu.dma_semaphore, #tpu.memory_space<semaphore_mem>>)
    %dma_wait3A_925 = arith.constant 12 : i32
    %dma_wait3A_926 = arith.constant 0 : i32
    %dma_wait3A_927 = arith.constant 0 : i32
    %dma_wait3A_928 = arith.constant 0 : i32
    %dma_wait3A_929 = arith.constant 0 : i32
    %dma_wait3A_930 = tpu.memref_slice %arg6[%dma_wait3A_926, %dma_wait3A_928, %dma_wait3A_929] : memref<4x832x32xf32, #tpu.memory_space<vmem>> -> memref<1x832x32xf32, #tpu.memory_space<vmem>>
    %dma_wait3A_931 = tpu.memref_squeeze %dma_wait3A_930 : memref<1x832x32xf32, #tpu.memory_space<vmem>> -> memref<832x32xf32, #tpu.memory_space<vmem>>
    %dma_wait3A_932 = arith.constant 0 : i32
    %dma_wait3A_933 = tpu.memref_slice %arg5[%dma_wait3A_925, %dma_wait3A_932] : memref<16x832xi32, #tpu.memory_space<vmem>> -> memref<1x832xi32, #tpu.memory_space<vmem>>
    %dma_wait3A_934 = tpu.memref_squeeze %dma_wait3A_933 : memref<1x832xi32, #tpu.memory_space<vmem>> -> memref<832xi32, #tpu.memory_space<vmem>>
    %dma_wait3A_935 = arith.constant 0 : i32
    %dma_wait3A_936 = arith.constant 0 : i32
    %dma_wait3A_937 = tpu.memref_slice %arg2[%dma_wait3A_935, %dma_wait3A_936] : memref<1000000x32xf32, #tpu.memory_space<hbm>> -> memref<1000000x32xf32, #tpu.memory_space<hbm>>
    %dma_wait3A_938 = tpu.memref_slice %arg7[%dma_wait3A_927] : memref<4x!tpu.dma_semaphore, #tpu.memory_space<semaphore_mem>> -> memref<1x!tpu.dma_semaphore, #tpu.memory_space<semaphore_mem>>
    %dma_wait3A_939 = tpu.memref_squeeze %dma_wait3A_938 : memref<1x!tpu.dma_semaphore, #tpu.memory_space<semaphore_mem>> -> memref<!tpu.dma_semaphore, #tpu.memory_space<semaphore_mem>>
    tpu.wait_indirect_dma semaphore(%dma_wait3A_939 : memref<!tpu.dma_semaphore, #tpu.memory_space<semaphore_mem>>) src(%dma_wait3A_937 : memref<1000000x32xf32, #tpu.memory_space<hbm>>) dst(%dma_wait3A_931 : memref<832x32xf32, #tpu.memory_space<vmem>>)
    %add3A_940 = arith.constant 12 : i32
    %add3A_941 = arith.addi %mul3A_2, %add3A_940 : i32
    %dma_start3A_942 = arith.constant 0 : i32
    %dma_start3A_943 = arith.constant 0 : i32
    %dma_start3A_944 = arith.constant 0 : i32
    %dma_start3A_945 = arith.constant 0 : i32
    %dma_start3A_946 = tpu.memref_slice %arg6[%dma_start3A_942, %dma_start3A_944, %dma_start3A_945] : memref<4x832x32xf32, #tpu.memory_space<vmem>> -> memref<1x832x32xf32, #tpu.memory_space<vmem>>
    %dma_start3A_947 = tpu.memref_squeeze %dma_start3A_946 : memref<1x832x32xf32, #tpu.memory_space<vmem>> -> memref<832x32xf32, #tpu.memory_space<vmem>>
    %dma_start3A_948 = arith.constant 0 : i32
    %dma_start3A_949 = arith.constant 0 : i32
    %dma_start3A_950 = tpu.memref_slice %arg4[%add3A_941, %dma_start3A_948, %dma_start3A_949] : memref<512x832x32xf32, #tpu.memory_space<hbm>> -> memref<1x832x32xf32, #tpu.memory_space<hbm>>
    %dma_start3A_951 = tpu.memref_squeeze %dma_start3A_950 : memref<1x832x32xf32, #tpu.memory_space<hbm>> -> memref<832x32xf32, #tpu.memory_space<hbm>>
    %dma_start3A_952 = tpu.memref_slice %arg8[%dma_start3A_943] : memref<4x!tpu.dma_semaphore, #tpu.memory_space<semaphore_mem>> -> memref<1x!tpu.dma_semaphore, #tpu.memory_space<semaphore_mem>>
    %dma_start3A_953 = tpu.memref_squeeze %dma_start3A_952 : memref<1x!tpu.dma_semaphore, #tpu.memory_space<semaphore_mem>> -> memref<!tpu.dma_semaphore, #tpu.memory_space<semaphore_mem>>
    %dma_start3A_954 = arith.constant 0 : i32
    %dma_start3A_955 = arith.constant 0 : i32
    %dma_start3A_956 = tpu.memref_slice %arg4[%add3A_941, %dma_start3A_954, %dma_start3A_955] : memref<512x832x32xf32, #tpu.memory_space<hbm>> -> memref<1x832x32xf32, #tpu.memory_space<hbm>>
    %dma_start3A_957 = tpu.memref_squeeze %dma_start3A_956 : memref<1x832x32xf32, #tpu.memory_space<hbm>> -> memref<832x32xf32, #tpu.memory_space<hbm>>
    %dma_start3A_958 = arith.constant 0 : i32
    %dma_start3A_959 = arith.constant 0 : i32
    %dma_start3A_960 = tpu.memref_slice %arg6[%dma_start3A_942, %dma_start3A_958, %dma_start3A_959] : memref<4x832x32xf32, #tpu.memory_space<vmem>> -> memref<1x832x32xf32, #tpu.memory_space<vmem>>
    %dma_start3A_961 = tpu.memref_squeeze %dma_start3A_960 : memref<1x832x32xf32, #tpu.memory_space<vmem>> -> memref<832x32xf32, #tpu.memory_space<vmem>>
    tpu.enqueue_dma source(%dma_start3A_961 : memref<832x32xf32, #tpu.memory_space<vmem>>) target(%dma_start3A_957 : memref<832x32xf32, #tpu.memory_space<hbm>>) target_semaphore(%dma_start3A_953 : memref<!tpu.dma_semaphore, #tpu.memory_space<semaphore_mem>>)
    %dma_wait3A_962 = arith.constant 13 : i32
    %dma_wait3A_963 = arith.constant 1 : i32
    %dma_wait3A_964 = arith.constant 1 : i32
    %dma_wait3A_965 = arith.constant 0 : i32
    %dma_wait3A_966 = arith.constant 0 : i32
    %dma_wait3A_967 = tpu.memref_slice %arg6[%dma_wait3A_963, %dma_wait3A_965, %dma_wait3A_966] : memref<4x832x32xf32, #tpu.memory_space<vmem>> -> memref<1x832x32xf32, #tpu.memory_space<vmem>>
    %dma_wait3A_968 = tpu.memref_squeeze %dma_wait3A_967 : memref<1x832x32xf32, #tpu.memory_space<vmem>> -> memref<832x32xf32, #tpu.memory_space<vmem>>
    %dma_wait3A_969 = arith.constant 0 : i32
    %dma_wait3A_970 = tpu.memref_slice %arg5[%dma_wait3A_962, %dma_wait3A_969] : memref<16x832xi32, #tpu.memory_space<vmem>> -> memref<1x832xi32, #tpu.memory_space<vmem>>
    %dma_wait3A_971 = tpu.memref_squeeze %dma_wait3A_970 : memref<1x832xi32, #tpu.memory_space<vmem>> -> memref<832xi32, #tpu.memory_space<vmem>>
    %dma_wait3A_972 = arith.constant 0 : i32
    %dma_wait3A_973 = arith.constant 0 : i32
    %dma_wait3A_974 = tpu.memref_slice %arg2[%dma_wait3A_972, %dma_wait3A_973] : memref<1000000x32xf32, #tpu.memory_space<hbm>> -> memref<1000000x32xf32, #tpu.memory_space<hbm>>
    %dma_wait3A_975 = tpu.memref_slice %arg7[%dma_wait3A_964] : memref<4x!tpu.dma_semaphore, #tpu.memory_space<semaphore_mem>> -> memref<1x!tpu.dma_semaphore, #tpu.memory_space<semaphore_mem>>
    %dma_wait3A_976 = tpu.memref_squeeze %dma_wait3A_975 : memref<1x!tpu.dma_semaphore, #tpu.memory_space<semaphore_mem>> -> memref<!tpu.dma_semaphore, #tpu.memory_space<semaphore_mem>>
    tpu.wait_indirect_dma semaphore(%dma_wait3A_976 : memref<!tpu.dma_semaphore, #tpu.memory_space<semaphore_mem>>) src(%dma_wait3A_974 : memref<1000000x32xf32, #tpu.memory_space<hbm>>) dst(%dma_wait3A_968 : memref<832x32xf32, #tpu.memory_space<vmem>>)
    %add3A_977 = arith.constant 13 : i32
    %add3A_978 = arith.addi %mul3A_2, %add3A_977 : i32
    %dma_start3A_979 = arith.constant 1 : i32
    %dma_start3A_980 = arith.constant 1 : i32
    %dma_start3A_981 = arith.constant 0 : i32
    %dma_start3A_982 = arith.constant 0 : i32
    %dma_start3A_983 = tpu.memref_slice %arg6[%dma_start3A_979, %dma_start3A_981, %dma_start3A_982] : memref<4x832x32xf32, #tpu.memory_space<vmem>> -> memref<1x832x32xf32, #tpu.memory_space<vmem>>
    %dma_start3A_984 = tpu.memref_squeeze %dma_start3A_983 : memref<1x832x32xf32, #tpu.memory_space<vmem>> -> memref<832x32xf32, #tpu.memory_space<vmem>>
    %dma_start3A_985 = arith.constant 0 : i32
    %dma_start3A_986 = arith.constant 0 : i32
    %dma_start3A_987 = tpu.memref_slice %arg4[%add3A_978, %dma_start3A_985, %dma_start3A_986] : memref<512x832x32xf32, #tpu.memory_space<hbm>> -> memref<1x832x32xf32, #tpu.memory_space<hbm>>
    %dma_start3A_988 = tpu.memref_squeeze %dma_start3A_987 : memref<1x832x32xf32, #tpu.memory_space<hbm>> -> memref<832x32xf32, #tpu.memory_space<hbm>>
    %dma_start3A_989 = tpu.memref_slice %arg8[%dma_start3A_980] : memref<4x!tpu.dma_semaphore, #tpu.memory_space<semaphore_mem>> -> memref<1x!tpu.dma_semaphore, #tpu.memory_space<semaphore_mem>>
    %dma_start3A_990 = tpu.memref_squeeze %dma_start3A_989 : memref<1x!tpu.dma_semaphore, #tpu.memory_space<semaphore_mem>> -> memref<!tpu.dma_semaphore, #tpu.memory_space<semaphore_mem>>
    %dma_start3A_991 = arith.constant 0 : i32
    %dma_start3A_992 = arith.constant 0 : i32
    %dma_start3A_993 = tpu.memref_slice %arg4[%add3A_978, %dma_start3A_991, %dma_start3A_992] : memref<512x832x32xf32, #tpu.memory_space<hbm>> -> memref<1x832x32xf32, #tpu.memory_space<hbm>>
    %dma_start3A_994 = tpu.memref_squeeze %dma_start3A_993 : memref<1x832x32xf32, #tpu.memory_space<hbm>> -> memref<832x32xf32, #tpu.memory_space<hbm>>
    %dma_start3A_995 = arith.constant 0 : i32
    %dma_start3A_996 = arith.constant 0 : i32
    %dma_start3A_997 = tpu.memref_slice %arg6[%dma_start3A_979, %dma_start3A_995, %dma_start3A_996] : memref<4x832x32xf32, #tpu.memory_space<vmem>> -> memref<1x832x32xf32, #tpu.memory_space<vmem>>
    %dma_start3A_998 = tpu.memref_squeeze %dma_start3A_997 : memref<1x832x32xf32, #tpu.memory_space<vmem>> -> memref<832x32xf32, #tpu.memory_space<vmem>>
    tpu.enqueue_dma source(%dma_start3A_998 : memref<832x32xf32, #tpu.memory_space<vmem>>) target(%dma_start3A_994 : memref<832x32xf32, #tpu.memory_space<hbm>>) target_semaphore(%dma_start3A_990 : memref<!tpu.dma_semaphore, #tpu.memory_space<semaphore_mem>>)
    %dma_wait3A_999 = arith.constant 14 : i32
    %dma_wait3A_1000 = arith.constant 2 : i32
    %dma_wait3A_1001 = arith.constant 2 : i32
    %dma_wait3A_1002 = arith.constant 0 : i32
    %dma_wait3A_1003 = arith.constant 0 : i32
    %dma_wait3A_1004 = tpu.memref_slice %arg6[%dma_wait3A_1000, %dma_wait3A_1002, %dma_wait3A_1003] : memref<4x832x32xf32, #tpu.memory_space<vmem>> -> memref<1x832x32xf32, #tpu.memory_space<vmem>>
    %dma_wait3A_1005 = tpu.memref_squeeze %dma_wait3A_1004 : memref<1x832x32xf32, #tpu.memory_space<vmem>> -> memref<832x32xf32, #tpu.memory_space<vmem>>
    %dma_wait3A_1006 = arith.constant 0 : i32
    %dma_wait3A_1007 = tpu.memref_slice %arg5[%dma_wait3A_999, %dma_wait3A_1006] : memref<16x832xi32, #tpu.memory_space<vmem>> -> memref<1x832xi32, #tpu.memory_space<vmem>>
    %dma_wait3A_1008 = tpu.memref_squeeze %dma_wait3A_1007 : memref<1x832xi32, #tpu.memory_space<vmem>> -> memref<832xi32, #tpu.memory_space<vmem>>
    %dma_wait3A_1009 = arith.constant 0 : i32
    %dma_wait3A_1010 = arith.constant 0 : i32
    %dma_wait3A_1011 = tpu.memref_slice %arg2[%dma_wait3A_1009, %dma_wait3A_1010] : memref<1000000x32xf32, #tpu.memory_space<hbm>> -> memref<1000000x32xf32, #tpu.memory_space<hbm>>
    %dma_wait3A_1012 = tpu.memref_slice %arg7[%dma_wait3A_1001] : memref<4x!tpu.dma_semaphore, #tpu.memory_space<semaphore_mem>> -> memref<1x!tpu.dma_semaphore, #tpu.memory_space<semaphore_mem>>
    %dma_wait3A_1013 = tpu.memref_squeeze %dma_wait3A_1012 : memref<1x!tpu.dma_semaphore, #tpu.memory_space<semaphore_mem>> -> memref<!tpu.dma_semaphore, #tpu.memory_space<semaphore_mem>>
    tpu.wait_indirect_dma semaphore(%dma_wait3A_1013 : memref<!tpu.dma_semaphore, #tpu.memory_space<semaphore_mem>>) src(%dma_wait3A_1011 : memref<1000000x32xf32, #tpu.memory_space<hbm>>) dst(%dma_wait3A_1005 : memref<832x32xf32, #tpu.memory_space<vmem>>)
    %add3A_1014 = arith.constant 14 : i32
    %add3A_1015 = arith.addi %mul3A_2, %add3A_1014 : i32
    %dma_start3A_1016 = arith.constant 2 : i32
    %dma_start3A_1017 = arith.constant 2 : i32
    %dma_start3A_1018 = arith.constant 0 : i32
    %dma_start3A_1019 = arith.constant 0 : i32
    %dma_start3A_1020 = tpu.memref_slice %arg6[%dma_start3A_1016, %dma_start3A_1018, %dma_start3A_1019] : memref<4x832x32xf32, #tpu.memory_space<vmem>> -> memref<1x832x32xf32, #tpu.memory_space<vmem>>
    %dma_start3A_1021 = tpu.memref_squeeze %dma_start3A_1020 : memref<1x832x32xf32, #tpu.memory_space<vmem>> -> memref<832x32xf32, #tpu.memory_space<vmem>>
    %dma_start3A_1022 = arith.constant 0 : i32
    %dma_start3A_1023 = arith.constant 0 : i32
    %dma_start3A_1024 = tpu.memref_slice %arg4[%add3A_1015, %dma_start3A_1022, %dma_start3A_1023] : memref<512x832x32xf32, #tpu.memory_space<hbm>> -> memref<1x832x32xf32, #tpu.memory_space<hbm>>
    %dma_start3A_1025 = tpu.memref_squeeze %dma_start3A_1024 : memref<1x832x32xf32, #tpu.memory_space<hbm>> -> memref<832x32xf32, #tpu.memory_space<hbm>>
    %dma_start3A_1026 = tpu.memref_slice %arg8[%dma_start3A_1017] : memref<4x!tpu.dma_semaphore, #tpu.memory_space<semaphore_mem>> -> memref<1x!tpu.dma_semaphore, #tpu.memory_space<semaphore_mem>>
    %dma_start3A_1027 = tpu.memref_squeeze %dma_start3A_1026 : memref<1x!tpu.dma_semaphore, #tpu.memory_space<semaphore_mem>> -> memref<!tpu.dma_semaphore, #tpu.memory_space<semaphore_mem>>
    %dma_start3A_1028 = arith.constant 0 : i32
    %dma_start3A_1029 = arith.constant 0 : i32
    %dma_start3A_1030 = tpu.memref_slice %arg4[%add3A_1015, %dma_start3A_1028, %dma_start3A_1029] : memref<512x832x32xf32, #tpu.memory_space<hbm>> -> memref<1x832x32xf32, #tpu.memory_space<hbm>>
    %dma_start3A_1031 = tpu.memref_squeeze %dma_start3A_1030 : memref<1x832x32xf32, #tpu.memory_space<hbm>> -> memref<832x32xf32, #tpu.memory_space<hbm>>
    %dma_start3A_1032 = arith.constant 0 : i32
    %dma_start3A_1033 = arith.constant 0 : i32
    %dma_start3A_1034 = tpu.memref_slice %arg6[%dma_start3A_1016, %dma_start3A_1032, %dma_start3A_1033] : memref<4x832x32xf32, #tpu.memory_space<vmem>> -> memref<1x832x32xf32, #tpu.memory_space<vmem>>
    %dma_start3A_1035 = tpu.memref_squeeze %dma_start3A_1034 : memref<1x832x32xf32, #tpu.memory_space<vmem>> -> memref<832x32xf32, #tpu.memory_space<vmem>>
    tpu.enqueue_dma source(%dma_start3A_1035 : memref<832x32xf32, #tpu.memory_space<vmem>>) target(%dma_start3A_1031 : memref<832x32xf32, #tpu.memory_space<hbm>>) target_semaphore(%dma_start3A_1027 : memref<!tpu.dma_semaphore, #tpu.memory_space<semaphore_mem>>)
    %dma_wait3A_1036 = arith.constant 15 : i32
    %dma_wait3A_1037 = arith.constant 3 : i32
    %dma_wait3A_1038 = arith.constant 3 : i32
    %dma_wait3A_1039 = arith.constant 0 : i32
    %dma_wait3A_1040 = arith.constant 0 : i32
    %dma_wait3A_1041 = tpu.memref_slice %arg6[%dma_wait3A_1037, %dma_wait3A_1039, %dma_wait3A_1040] : memref<4x832x32xf32, #tpu.memory_space<vmem>> -> memref<1x832x32xf32, #tpu.memory_space<vmem>>
    %dma_wait3A_1042 = tpu.memref_squeeze %dma_wait3A_1041 : memref<1x832x32xf32, #tpu.memory_space<vmem>> -> memref<832x32xf32, #tpu.memory_space<vmem>>
    %dma_wait3A_1043 = arith.constant 0 : i32
    %dma_wait3A_1044 = tpu.memref_slice %arg5[%dma_wait3A_1036, %dma_wait3A_1043] : memref<16x832xi32, #tpu.memory_space<vmem>> -> memref<1x832xi32, #tpu.memory_space<vmem>>
    %dma_wait3A_1045 = tpu.memref_squeeze %dma_wait3A_1044 : memref<1x832xi32, #tpu.memory_space<vmem>> -> memref<832xi32, #tpu.memory_space<vmem>>
    %dma_wait3A_1046 = arith.constant 0 : i32
    %dma_wait3A_1047 = arith.constant 0 : i32
    %dma_wait3A_1048 = tpu.memref_slice %arg2[%dma_wait3A_1046, %dma_wait3A_1047] : memref<1000000x32xf32, #tpu.memory_space<hbm>> -> memref<1000000x32xf32, #tpu.memory_space<hbm>>
    %dma_wait3A_1049 = tpu.memref_slice %arg7[%dma_wait3A_1038] : memref<4x!tpu.dma_semaphore, #tpu.memory_space<semaphore_mem>> -> memref<1x!tpu.dma_semaphore, #tpu.memory_space<semaphore_mem>>
    %dma_wait3A_1050 = tpu.memref_squeeze %dma_wait3A_1049 : memref<1x!tpu.dma_semaphore, #tpu.memory_space<semaphore_mem>> -> memref<!tpu.dma_semaphore, #tpu.memory_space<semaphore_mem>>
    tpu.wait_indirect_dma semaphore(%dma_wait3A_1050 : memref<!tpu.dma_semaphore, #tpu.memory_space<semaphore_mem>>) src(%dma_wait3A_1048 : memref<1000000x32xf32, #tpu.memory_space<hbm>>) dst(%dma_wait3A_1042 : memref<832x32xf32, #tpu.memory_space<vmem>>)
    %add3A_1051 = arith.constant 15 : i32
    %add3A_1052 = arith.addi %mul3A_2, %add3A_1051 : i32
    %dma_start3A_1053 = arith.constant 3 : i32
    %dma_start3A_1054 = arith.constant 3 : i32
    %dma_start3A_1055 = arith.constant 0 : i32
    %dma_start3A_1056 = arith.constant 0 : i32
    %dma_start3A_1057 = tpu.memref_slice %arg6[%dma_start3A_1053, %dma_start3A_1055, %dma_start3A_1056] : memref<4x832x32xf32, #tpu.memory_space<vmem>> -> memref<1x832x32xf32, #tpu.memory_space<vmem>>
    %dma_start3A_1058 = tpu.memref_squeeze %dma_start3A_1057 : memref<1x832x32xf32, #tpu.memory_space<vmem>> -> memref<832x32xf32, #tpu.memory_space<vmem>>
    %dma_start3A_1059 = arith.constant 0 : i32
    %dma_start3A_1060 = arith.constant 0 : i32
    %dma_start3A_1061 = tpu.memref_slice %arg4[%add3A_1052, %dma_start3A_1059, %dma_start3A_1060] : memref<512x832x32xf32, #tpu.memory_space<hbm>> -> memref<1x832x32xf32, #tpu.memory_space<hbm>>
    %dma_start3A_1062 = tpu.memref_squeeze %dma_start3A_1061 : memref<1x832x32xf32, #tpu.memory_space<hbm>> -> memref<832x32xf32, #tpu.memory_space<hbm>>
    %dma_start3A_1063 = tpu.memref_slice %arg8[%dma_start3A_1054] : memref<4x!tpu.dma_semaphore, #tpu.memory_space<semaphore_mem>> -> memref<1x!tpu.dma_semaphore, #tpu.memory_space<semaphore_mem>>
    %dma_start3A_1064 = tpu.memref_squeeze %dma_start3A_1063 : memref<1x!tpu.dma_semaphore, #tpu.memory_space<semaphore_mem>> -> memref<!tpu.dma_semaphore, #tpu.memory_space<semaphore_mem>>
    %dma_start3A_1065 = arith.constant 0 : i32
    %dma_start3A_1066 = arith.constant 0 : i32
    %dma_start3A_1067 = tpu.memref_slice %arg4[%add3A_1052, %dma_start3A_1065, %dma_start3A_1066] : memref<512x832x32xf32, #tpu.memory_space<hbm>> -> memref<1x832x32xf32, #tpu.memory_space<hbm>>
    %dma_start3A_1068 = tpu.memref_squeeze %dma_start3A_1067 : memref<1x832x32xf32, #tpu.memory_space<hbm>> -> memref<832x32xf32, #tpu.memory_space<hbm>>
    %dma_start3A_1069 = arith.constant 0 : i32
    %dma_start3A_1070 = arith.constant 0 : i32
    %dma_start3A_1071 = tpu.memref_slice %arg6[%dma_start3A_1053, %dma_start3A_1069, %dma_start3A_1070] : memref<4x832x32xf32, #tpu.memory_space<vmem>> -> memref<1x832x32xf32, #tpu.memory_space<vmem>>
    %dma_start3A_1072 = tpu.memref_squeeze %dma_start3A_1071 : memref<1x832x32xf32, #tpu.memory_space<vmem>> -> memref<832x32xf32, #tpu.memory_space<vmem>>
    tpu.enqueue_dma source(%dma_start3A_1072 : memref<832x32xf32, #tpu.memory_space<vmem>>) target(%dma_start3A_1068 : memref<832x32xf32, #tpu.memory_space<hbm>>) target_semaphore(%dma_start3A_1064 : memref<!tpu.dma_semaphore, #tpu.memory_space<semaphore_mem>>)
    %dma_wait3A_1073 = arith.constant 0 : i32
    %dma_wait3A_1074 = arith.constant 0 : i32
    %dma_wait3A_1075 = arith.constant 0 : i32
    %dma_wait3A_1076 = arith.constant 0 : i32
    %dma_wait3A_1077 = tpu.memref_slice %arg6[%dma_wait3A_1073, %dma_wait3A_1075, %dma_wait3A_1076] : memref<4x832x32xf32, #tpu.memory_space<vmem>> -> memref<1x832x32xf32, #tpu.memory_space<vmem>>
    %dma_wait3A_1078 = tpu.memref_squeeze %dma_wait3A_1077 : memref<1x832x32xf32, #tpu.memory_space<vmem>> -> memref<832x32xf32, #tpu.memory_space<vmem>>
    %dma_wait3A_1079 = arith.constant 0 : i32
    %dma_wait3A_1080 = arith.constant 0 : i32
    %dma_wait3A_1081 = tpu.memref_slice %arg4[%add3A_941, %dma_wait3A_1079, %dma_wait3A_1080] : memref<512x832x32xf32, #tpu.memory_space<hbm>> -> memref<1x832x32xf32, #tpu.memory_space<hbm>>
    %dma_wait3A_1082 = tpu.memref_squeeze %dma_wait3A_1081 : memref<1x832x32xf32, #tpu.memory_space<hbm>> -> memref<832x32xf32, #tpu.memory_space<hbm>>
    %dma_wait3A_1083 = tpu.memref_slice %arg8[%dma_wait3A_1074] : memref<4x!tpu.dma_semaphore, #tpu.memory_space<semaphore_mem>> -> memref<1x!tpu.dma_semaphore, #tpu.memory_space<semaphore_mem>>
    %dma_wait3A_1084 = tpu.memref_squeeze %dma_wait3A_1083 : memref<1x!tpu.dma_semaphore, #tpu.memory_space<semaphore_mem>> -> memref<!tpu.dma_semaphore, #tpu.memory_space<semaphore_mem>>
    %dma_wait3A_1085 = arith.constant 0 : i32
    %dma_wait3A_1086 = arith.constant 0 : i32
    %dma_wait3A_1087 = tpu.memref_slice %arg4[%add3A_941, %dma_wait3A_1085, %dma_wait3A_1086] : memref<512x832x32xf32, #tpu.memory_space<hbm>> -> memref<1x832x32xf32, #tpu.memory_space<hbm>>
    %dma_wait3A_1088 = tpu.memref_squeeze %dma_wait3A_1087 : memref<1x832x32xf32, #tpu.memory_space<hbm>> -> memref<832x32xf32, #tpu.memory_space<hbm>>
    %dma_wait3A_1089 = arith.constant 0 : i32
    %dma_wait3A_1090 = arith.constant 0 : i32
    %dma_wait3A_1091 = tpu.memref_slice %arg6[%dma_wait3A_1073, %dma_wait3A_1089, %dma_wait3A_1090] : memref<4x832x32xf32, #tpu.memory_space<vmem>> -> memref<1x832x32xf32, #tpu.memory_space<vmem>>
    %dma_wait3A_1092 = tpu.memref_squeeze %dma_wait3A_1091 : memref<1x832x32xf32, #tpu.memory_space<vmem>> -> memref<832x32xf32, #tpu.memory_space<vmem>>
    tpu.wait_dma2 semaphore(%dma_wait3A_1084 : memref<!tpu.dma_semaphore, #tpu.memory_space<semaphore_mem>>) src(%dma_wait3A_1092 : memref<832x32xf32, #tpu.memory_space<vmem>>) dst(%dma_wait3A_1088 : memref<832x32xf32, #tpu.memory_space<hbm>>)
    %dma_wait3A_1093 = arith.constant 1 : i32
    %dma_wait3A_1094 = arith.constant 1 : i32
    %dma_wait3A_1095 = arith.constant 0 : i32
    %dma_wait3A_1096 = arith.constant 0 : i32
    %dma_wait3A_1097 = tpu.memref_slice %arg6[%dma_wait3A_1093, %dma_wait3A_1095, %dma_wait3A_1096] : memref<4x832x32xf32, #tpu.memory_space<vmem>> -> memref<1x832x32xf32, #tpu.memory_space<vmem>>
    %dma_wait3A_1098 = tpu.memref_squeeze %dma_wait3A_1097 : memref<1x832x32xf32, #tpu.memory_space<vmem>> -> memref<832x32xf32, #tpu.memory_space<vmem>>
    %dma_wait3A_1099 = arith.constant 0 : i32
    %dma_wait3A_1100 = arith.constant 0 : i32
    %dma_wait3A_1101 = tpu.memref_slice %arg4[%add3A_978, %dma_wait3A_1099, %dma_wait3A_1100] : memref<512x832x32xf32, #tpu.memory_space<hbm>> -> memref<1x832x32xf32, #tpu.memory_space<hbm>>
    %dma_wait3A_1102 = tpu.memref_squeeze %dma_wait3A_1101 : memref<1x832x32xf32, #tpu.memory_space<hbm>> -> memref<832x32xf32, #tpu.memory_space<hbm>>
    %dma_wait3A_1103 = tpu.memref_slice %arg8[%dma_wait3A_1094] : memref<4x!tpu.dma_semaphore, #tpu.memory_space<semaphore_mem>> -> memref<1x!tpu.dma_semaphore, #tpu.memory_space<semaphore_mem>>
    %dma_wait3A_1104 = tpu.memref_squeeze %dma_wait3A_1103 : memref<1x!tpu.dma_semaphore, #tpu.memory_space<semaphore_mem>> -> memref<!tpu.dma_semaphore, #tpu.memory_space<semaphore_mem>>
    %dma_wait3A_1105 = arith.constant 0 : i32
    %dma_wait3A_1106 = arith.constant 0 : i32
    %dma_wait3A_1107 = tpu.memref_slice %arg4[%add3A_978, %dma_wait3A_1105, %dma_wait3A_1106] : memref<512x832x32xf32, #tpu.memory_space<hbm>> -> memref<1x832x32xf32, #tpu.memory_space<hbm>>
    %dma_wait3A_1108 = tpu.memref_squeeze %dma_wait3A_1107 : memref<1x832x32xf32, #tpu.memory_space<hbm>> -> memref<832x32xf32, #tpu.memory_space<hbm>>
    %dma_wait3A_1109 = arith.constant 0 : i32
    %dma_wait3A_1110 = arith.constant 0 : i32
    %dma_wait3A_1111 = tpu.memref_slice %arg6[%dma_wait3A_1093, %dma_wait3A_1109, %dma_wait3A_1110] : memref<4x832x32xf32, #tpu.memory_space<vmem>> -> memref<1x832x32xf32, #tpu.memory_space<vmem>>
    %dma_wait3A_1112 = tpu.memref_squeeze %dma_wait3A_1111 : memref<1x832x32xf32, #tpu.memory_space<vmem>> -> memref<832x32xf32, #tpu.memory_space<vmem>>
    tpu.wait_dma2 semaphore(%dma_wait3A_1104 : memref<!tpu.dma_semaphore, #tpu.memory_space<semaphore_mem>>) src(%dma_wait3A_1112 : memref<832x32xf32, #tpu.memory_space<vmem>>) dst(%dma_wait3A_1108 : memref<832x32xf32, #tpu.memory_space<hbm>>)
    %dma_wait3A_1113 = arith.constant 2 : i32
    %dma_wait3A_1114 = arith.constant 2 : i32
    %dma_wait3A_1115 = arith.constant 0 : i32
    %dma_wait3A_1116 = arith.constant 0 : i32
    %dma_wait3A_1117 = tpu.memref_slice %arg6[%dma_wait3A_1113, %dma_wait3A_1115, %dma_wait3A_1116] : memref<4x832x32xf32, #tpu.memory_space<vmem>> -> memref<1x832x32xf32, #tpu.memory_space<vmem>>
    %dma_wait3A_1118 = tpu.memref_squeeze %dma_wait3A_1117 : memref<1x832x32xf32, #tpu.memory_space<vmem>> -> memref<832x32xf32, #tpu.memory_space<vmem>>
    %dma_wait3A_1119 = arith.constant 0 : i32
    %dma_wait3A_1120 = arith.constant 0 : i32
    %dma_wait3A_1121 = tpu.memref_slice %arg4[%add3A_1015, %dma_wait3A_1119, %dma_wait3A_1120] : memref<512x832x32xf32, #tpu.memory_space<hbm>> -> memref<1x832x32xf32, #tpu.memory_space<hbm>>
    %dma_wait3A_1122 = tpu.memref_squeeze %dma_wait3A_1121 : memref<1x832x32xf32, #tpu.memory_space<hbm>> -> memref<832x32xf32, #tpu.memory_space<hbm>>
    %dma_wait3A_1123 = tpu.memref_slice %arg8[%dma_wait3A_1114] : memref<4x!tpu.dma_semaphore, #tpu.memory_space<semaphore_mem>> -> memref<1x!tpu.dma_semaphore, #tpu.memory_space<semaphore_mem>>
    %dma_wait3A_1124 = tpu.memref_squeeze %dma_wait3A_1123 : memref<1x!tpu.dma_semaphore, #tpu.memory_space<semaphore_mem>> -> memref<!tpu.dma_semaphore, #tpu.memory_space<semaphore_mem>>
    %dma_wait3A_1125 = arith.constant 0 : i32
    %dma_wait3A_1126 = arith.constant 0 : i32
    %dma_wait3A_1127 = tpu.memref_slice %arg4[%add3A_1015, %dma_wait3A_1125, %dma_wait3A_1126] : memref<512x832x32xf32, #tpu.memory_space<hbm>> -> memref<1x832x32xf32, #tpu.memory_space<hbm>>
    %dma_wait3A_1128 = tpu.memref_squeeze %dma_wait3A_1127 : memref<1x832x32xf32, #tpu.memory_space<hbm>> -> memref<832x32xf32, #tpu.memory_space<hbm>>
    %dma_wait3A_1129 = arith.constant 0 : i32
    %dma_wait3A_1130 = arith.constant 0 : i32
    %dma_wait3A_1131 = tpu.memref_slice %arg6[%dma_wait3A_1113, %dma_wait3A_1129, %dma_wait3A_1130] : memref<4x832x32xf32, #tpu.memory_space<vmem>> -> memref<1x832x32xf32, #tpu.memory_space<vmem>>
    %dma_wait3A_1132 = tpu.memref_squeeze %dma_wait3A_1131 : memref<1x832x32xf32, #tpu.memory_space<vmem>> -> memref<832x32xf32, #tpu.memory_space<vmem>>
    tpu.wait_dma2 semaphore(%dma_wait3A_1124 : memref<!tpu.dma_semaphore, #tpu.memory_space<semaphore_mem>>) src(%dma_wait3A_1132 : memref<832x32xf32, #tpu.memory_space<vmem>>) dst(%dma_wait3A_1128 : memref<832x32xf32, #tpu.memory_space<hbm>>)
    %dma_wait3A_1133 = arith.constant 3 : i32
    %dma_wait3A_1134 = arith.constant 3 : i32
    %dma_wait3A_1135 = arith.constant 0 : i32
    %dma_wait3A_1136 = arith.constant 0 : i32
    %dma_wait3A_1137 = tpu.memref_slice %arg6[%dma_wait3A_1133, %dma_wait3A_1135, %dma_wait3A_1136] : memref<4x832x32xf32, #tpu.memory_space<vmem>> -> memref<1x832x32xf32, #tpu.memory_space<vmem>>
    %dma_wait3A_1138 = tpu.memref_squeeze %dma_wait3A_1137 : memref<1x832x32xf32, #tpu.memory_space<vmem>> -> memref<832x32xf32, #tpu.memory_space<vmem>>
    %dma_wait3A_1139 = arith.constant 0 : i32
    %dma_wait3A_1140 = arith.constant 0 : i32
    %dma_wait3A_1141 = tpu.memref_slice %arg4[%add3A_1052, %dma_wait3A_1139, %dma_wait3A_1140] : memref<512x832x32xf32, #tpu.memory_space<hbm>> -> memref<1x832x32xf32, #tpu.memory_space<hbm>>
    %dma_wait3A_1142 = tpu.memref_squeeze %dma_wait3A_1141 : memref<1x832x32xf32, #tpu.memory_space<hbm>> -> memref<832x32xf32, #tpu.memory_space<hbm>>
    %dma_wait3A_1143 = tpu.memref_slice %arg8[%dma_wait3A_1134] : memref<4x!tpu.dma_semaphore, #tpu.memory_space<semaphore_mem>> -> memref<1x!tpu.dma_semaphore, #tpu.memory_space<semaphore_mem>>
    %dma_wait3A_1144 = tpu.memref_squeeze %dma_wait3A_1143 : memref<1x!tpu.dma_semaphore, #tpu.memory_space<semaphore_mem>> -> memref<!tpu.dma_semaphore, #tpu.memory_space<semaphore_mem>>
    %dma_wait3A_1145 = arith.constant 0 : i32
    %dma_wait3A_1146 = arith.constant 0 : i32
    %dma_wait3A_1147 = tpu.memref_slice %arg4[%add3A_1052, %dma_wait3A_1145, %dma_wait3A_1146] : memref<512x832x32xf32, #tpu.memory_space<hbm>> -> memref<1x832x32xf32, #tpu.memory_space<hbm>>
    %dma_wait3A_1148 = tpu.memref_squeeze %dma_wait3A_1147 : memref<1x832x32xf32, #tpu.memory_space<hbm>> -> memref<832x32xf32, #tpu.memory_space<hbm>>
    %dma_wait3A_1149 = arith.constant 0 : i32
    %dma_wait3A_1150 = arith.constant 0 : i32
    %dma_wait3A_1151 = tpu.memref_slice %arg6[%dma_wait3A_1133, %dma_wait3A_1149, %dma_wait3A_1150] : memref<4x832x32xf32, #tpu.memory_space<vmem>> -> memref<1x832x32xf32, #tpu.memory_space<vmem>>
    %dma_wait3A_1152 = tpu.memref_squeeze %dma_wait3A_1151 : memref<1x832x32xf32, #tpu.memory_space<vmem>> -> memref<832x32xf32, #tpu.memory_space<vmem>>
    tpu.wait_dma2 semaphore(%dma_wait3A_1144 : memref<!tpu.dma_semaphore, #tpu.memory_space<semaphore_mem>>) src(%dma_wait3A_1152 : memref<832x32xf32, #tpu.memory_space<vmem>>) dst(%dma_wait3A_1148 : memref<832x32xf32, #tpu.memory_space<hbm>>)
    return
  }
}

</mosaic_0001>

<sc_bundles>
// kernel: kernel.3.cloned.1.call-start
scs
__scs_entry_jumppad:
0x0: {  	(pc) =	sbr.rel $0x88, $3  }
0x1: {  	(tag) =	ssettag $0x0;
	lr =	simm.s32 $0x1  }
0x2: {  	[smem:$0x3F9F] =	sst lr;
	_ =	strace $0xD0000000  }
0x3: {  	_ = 	snop  }
0x4: {  	_ = 	snop  }
0x5: {  	_ = 	snop  }
0x6: {  	_ = 	snop  }
0x7: {  	_ = 	snop  }
__scs_overlays_trampoline_lowered:
0x8: {  	[smem:$0x3FAE] =	sst s0  }
0x9: {  	[smem:$0x3FAF] =	sst s1  }
0xa: {  	[smem:$0x3FB0] =	sst s2  }
0xb: {  	[smem:$0x3FB1] =	sst s3  }
0xc: {  	[smem:$0x3FB2] =	sst s4  }
0xd: {  	[smem:$0x3FB3] =	sst s5  }
0xe: {  	[smem:$0x3FB4] =	sst s6  }
0xf: {  	[smem:$0x3FB5] =	sst s7  }
0x10: {  	[smem:$0x3FB6] =	sst s8  }
0x11: {  	[smem:$0x3FB7] =	sst s9;
	s0 =	simm.s32 @!p0 $0x0  }
0x12: {  	s1 =	sld [smem:$0x3F9D];
	s0 =	simm.s32 @p0 $0x1  }
0x13: {  	[smem:$0x3FB8] =	sst s0;
	s0 =	simm.s32 @!p1 $0x0  }
0x14: {  	s2 =	sld [smem:$0x3F9C];
	s0 =	simm.s32 @p1 $0x1  }
0x15: {  	[smem:$0x3FB9] =	sst s0;
	s0 =	simm.s32 @!p2 $0x0  }
0x16: {  	s3 =	sld [smem:$0x3FDB];
	s0 =	simm.s32 @p2 $0x1  }
0x17: {  	s4 =	simm.s32 $0x1BF5;
	[smem:$0x3FBB] =	sst s0  }
0x18: {  	s0 =	sld [smem:$0x3F9E];
	_ =	swait.ge [sflag:s4], $0x0  }
0x19: {  	s7 =	sld [smem:$0x3F9F]  }
0x1a: {  	s8 =	sadd.s32 $0xFFFFE003, lr  }
0x1b: {  	s9 =	sadd.s32 $0xFFFFFEF7, lr;
	s5 =	simm.s32 $0xFFFFFFFF;
	p2 =	slt.u32 s8, $0xFFFFF086  }
0x1c: {  	p1 =	slt.u32 s9, $0xF7A;
	s5 =	simm.s32 @!p2 $0x0  }
0x1d: {  	s5 =	simm.s32 @p1 $0x1;
	p0 =	seq.s32 s7, s2  }
0x1e: {  	s7 =	smul.u32 @!p0 $0xF7A, s2;
	p2 =	seq.s32 @!p0 s5, $0x0  }
0x1f: {  	s9 =	smul.u32 $0xF7A, s1;
	s8 =	simm.s32 @!p0 $0x1BF5;
	p2 =	por !p2, p0  }
0x20: {  	[sflag:s8] =	ssyncset.s32 @!p0 $0xFFFFF086;
	s6 =	sadd.s32 @!p0 s3, s7;
	s7 =	simm.s32 @!p0 $0x108  }
0x21: {  	s3 =	sadd.s32 s3, s9;
	s6 =	sadd.s32 @!p0 $0x88, s6;
	s7 =	simm.s32 @p2 $0x1082  }
0x22: {  	[simem:s7], [sflag:s8] =	dma.local @!p0 [hbm:s6], $0xF7A  }
0x23: {  	s9 =	sor.u32 $0xD0000000, s2;
	s6 =	simm.s32 $0x108;
	_ =	swait.ge @!p0 [sflag:s8], $0x0  }
0x24: {  	s3 =	sadd.s32 $0x88, s3;
	s6 =	simm.s32 @!p1 $0x1082;
	[sflag:s4] =	ssyncset.s32 $0xFFFFF086  }
0x25: {  	[simem:s6], [sflag:s4] =	dma.local [hbm:s3], $0xF7A  }
0x26: {  	[smem:$0x3F9F] =	sst s1;
	(tag) =	ssettag s2;
	_ =	strace s9  }
0x27: {  	s1 =	sld [smem:$0x3FAF]  }
0x28: {  	s2 =	sld [smem:$0x3FB0]  }
0x29: {  	s4 =	sld [smem:$0x3FB2]  }
0x2a: {  	p0 =	seq.s32 s5, $0x0;
	s5 =	sld [smem:$0x3FB3]  }
0x2b: {  	s6 =	sld [smem:$0x3FB4]  }
0x2c: {  	s7 =	sld [smem:$0x3FB5]  }
0x2d: {  	s3 =	simm.s32 $0x108;
	s8 =	sld [smem:$0x3FB6]  }
0x2e: {  	s3 =	simm.s32 @!p0 $0x1082;
	s9 =	sld [smem:$0x3FB7]  }
0x2f: {  	lr =	sadd.s32 s0, s3;
	s0 =	sld [smem:$0x3FAE]  }
0x30: {  	s3 =	sld [smem:$0x3FB1]  }
0x31: {  	[smem:$0x3FBA] =	sst s10  }
0x32: {  	s10 =	sld [smem:$0x3FB8];
	_ =	sdelay $0x3  }
0x33: {  	p0 =	seq.s32 s10, $0x1;
	s10 =	sld [smem:$0x3FBA];
	_ =	sdelay $0x3  }
0x34: {  	[smem:$0x3FBA] =	sst s10  }
0x35: {  	s10 =	sld [smem:$0x3FB9];
	_ =	sdelay $0x3  }
0x36: {  	p1 =	seq.s32 s10, $0x1;
	s10 =	sld [smem:$0x3FBA];
	_ =	sdelay $0x3  }
0x37: {  	[smem:$0x3FBA] =	sst s10  }
0x38: {  	s10 =	sld [smem:$0x3FBB]  }
0x39: {  	_ = 	snop;
	(pc) =	sbr.ind lr, $3  }
0x3a: {  	_ = 	snop  }
0x3b: {  	_ = 	snop  }
0x3c: {  	p2 =	seq.s32 s10, $0x1;
	s10 =	sld [smem:$0x3FBA]  }
0x3d: {  	_ =	shalt  }
0x3e: {  	_ =	shalt  }
0x3f: {  	_ =	shalt  }
0x40: {  	_ =	shalt  }
0x41: {  	_ =	shalt  }
0x42: {  	_ =	shalt  }
0x43: {  	_ =	shalt  }
0x44: {  	_ =	shalt  }
0x45: {  	_ =	shalt  }
0x46: {  	_ =	shalt  }
0x47: {  	_ =	shalt  }
0x48: {  	_ =	shalt  }
0x49: {  	_ =	shalt  }
0x4a: {  	_ =	shalt  }
0x4b: {  	_ =	shalt  }
0x4c: {  	_ =	shalt  }
0x4d: {  	_ =	shalt  }
0x4e: {  	_ =	shalt  }
0x4f: {  	_ =	shalt  }
0x50: {  	_ =	shalt  }
0x51: {  	_ =	shalt  }
0x52: {  	_ =	shalt  }
0x53: {  	_ =	shalt  }
0x54: {  	_ =	shalt  }
0x55: {  	_ =	shalt  }
0x56: {  	_ =	shalt  }
0x57: {  	_ =	shalt  }
0x58: {  	_ =	shalt  }
0x59: {  	_ =	shalt  }
0x5a: {  	_ =	shalt  }
0x5b: {  	_ =	shalt  }
0x5c: {  	_ =	shalt  }
0x5d: {  	_ =	shalt  }
0x5e: {  	_ =	shalt  }
0x5f: {  	_ =	shalt  }
0x60: {  	_ =	shalt  }
0x61: {  	_ =	shalt  }
0x62: {  	_ =	shalt  }
0x63: {  	_ =	shalt  }
0x64: {  	_ =	shalt  }
0x65: {  	_ =	shalt  }
0x66: {  	_ =	shalt  }
0x67: {  	_ =	shalt  }
0x68: {  	_ =	shalt  }
0x69: {  	_ =	shalt  }
0x6a: {  	_ =	shalt  }
0x6b: {  	_ =	shalt  }
0x6c: {  	_ =	shalt  }
0x6d: {  	_ =	shalt  }
0x6e: {  	_ =	shalt  }
0x6f: {  	_ =	shalt  }
0x70: {  	_ =	shalt  }
0x71: {  	_ =	shalt  }
0x72: {  	_ =	shalt  }
0x73: {  	_ =	shalt  }
0x74: {  	_ =	shalt  }
0x75: {  	_ =	shalt  }
0x76: {  	_ =	shalt  }
0x77: {  	_ =	shalt  }
0x78: {  	_ =	shalt  }
0x79: {  	_ =	shalt  }
0x7a: {  	_ =	shalt  }
0x7b: {  	_ =	shalt  }
0x7c: {  	_ =	shalt  }
0x7d: {  	_ =	shalt  }
0x7e: {  	_ =	shalt  }
0x7f: {  	_ =	shalt  }
0x80: {  	_ =	shalt  }
0x81: {  	_ =	shalt  }
0x82: {  	_ =	shalt  }
0x83: {  	_ =	shalt  }
0x84: {  	_ =	shalt  }
0x85: {  	_ =	shalt  }
0x86: {  	_ =	shalt  }
0x87: {  	_ =	shalt  }
.Lfunc_end0:
.L_simem_size_0:
called_computation.1_lowered:
.L_overlay_start_0:
0x88: {  	s2 =	sld [smem:$0x3FD9]  }
0x89: {  	s3 =	sld [smem:$0x3FFE];
	_ =	sdelay $0x1  }
0x8a: {  	s1 =	srdreg.scid  }
0x8b: {  	s0 =	sand.u32 $0x1, s1  }
0x8c: {  	s17 =	sshll.u32 s0, $0xA;
	s2 =	sadd.s32 s3, s2  }
0x8d: {  	s2 =	sadd.s32 s2, s17  }
0x8e: {  	[smem:$0x3FC6] =	sst s2  }
0x8f: {  	_ = 	snop  }
0x90: {  	s2 =	sld [smem:$0x3FD0];
	(tm) =	ssettm $0x1  }
0x91: {  	s18 =	sld [smem:$0x3FFB];
	_ =	sdelay $0x3  }
0x92: {  	_ =	strace s18  }
0x93: {  	s3 =	sld [smem:$0x3FFC];
	_ =	sdelay $0x3  }
0x94: {  	_ =	strace s3  }
0x95: {  	s3 =	sld [smem:$0x3FFD];
	_ =	sdelay $0x3  }
0x96: {  	_ =	strace s3  }
0x97: {  	_ =	strace $0x8FFFFFFF  }
0x98: {  	s19 =	sld [smem:$0x3FDB];
	_ =	sdelay $0x1  }
0x99: {  	s4 =	simm.s32 $_scs_section_size  }
0x9a: {  	s5 =	simm.s32 $_size__tile_overlayer_lowered;
	s6 =	simm.s32 $_tile_overlayer_lowered  }
0x9b: {  	s22 =	simm.s32 $0x1BFF;
	s21 =	sshll.u32 s6, $0x1;
	s3 =	sadd.s32 s4, s19  }
0x9c: {  	s7 =	simm.s32 $0x0;
	s20 =	sshll.u32 s5, $0x1;
	s5 =	sadd.s32 s21, s3  }
0x9d: {  	[timem:s7], [sflag:s22] =	dma.local [hbm:s5], s20  }
0x9e: {  	_ =	swait.ge [sflag:s22], s20  }
0x9f: {  	s4 =	ssub.s32 $0x0, s20;
	[sflag:s22] =	ssyncset.done $0x0  }
0xa0: {  	[sflag:s22] =	ssyncadd.s32 s4;
	_ =	sdelay $0x1  }
0xa1: {  	s23 =	simm.s32 $0x1B8B  }
0xa2: {  	_ =	swait.ge [sflag:s23], $0x1  }
0xa3: {  	[sflag:s23] =	ssyncset.done $0x0  }
0xa4: {  	s25 =	simm.s32 $0x1B8E;
	s24 =	sld [smem:$0x3FFE];
	[sflag:s23] =	ssyncadd.s32 $0xFFFFFFFF  }
0xa5: {  	s26 =	simm.s32 $execute0_lowered;
	[smem:$0x3FD2] =	sst s25  }
0xa6: {  	s5 =	sshll.u32 s26, $0x1;
	_ =	strace $0x80000046;
	[dreg:$0x1] =	wrdreg $0xFFFFFFFF  }
0xa7: {  	s28 =	simm.s32 $_size_execute0_lowered;
	s3 =	sadd.s32 s3, s5;
	[dreg:$0x0] =	wrdreg $0x0  }
0xa8: {  	s5 =	sshll.u32 s28, $0x1;
	[dreg:$0x2] =	wrdreg s3  }
0xa9: {  	[dreg:$0x3] =	wrdreg s5  }
0xaa: {  	[dreg:$0x4] =	wrdreg $0xC0  }
0xab: {  	_ =	task [dreg:s7], $0x5FFFF  }
0xac: {  	[dreg:$0x1] =	wrdreg $0xFFFFFFFF  }
0xad: {  	[dreg:$0x0] =	wrdreg $0x60  }
0xae: {  	[dreg:$0x2] =	wrdreg s24  }
0xaf: {  	[dreg:$0x3] =	wrdreg s2  }
0xb0: {  	[dreg:$0x4] =	wrdreg $0x9  }
0xb1: {  	_ =	task.clear_ibuf [dreg:s7], $0x5FFFF;
	_ =	strace $0x90000046  }
0xb2: {  	s29 =	simm.s32 $0x9;
	_ =	strace $0x80000048  }
0xb3: {  	_ =	swait.ge [sflag:s29], $0x1  }
0xb4: {  	[sflag:s29] =	ssyncadd.s32 $0xFFFFFFFF  }
0xb5: {  	_ =	strace $0x90000048  }
0xb6: {  	_ =	sfence  }
0xb7: {  	s30 =	sld [smem:$0x0];
	_ =	sdelay $0x2  }
0xb8: {  	s31 =	sshll.u32 s1, $0xD;
	s1 =	sshrl.u32 s1, $0x2  }
0xb9: {  	s3 =	sand.u32 $0x4000, s31;
	s1 =	sadd.s32 s1, s30  }
0xba: {  	s0 =	sor.u32 s3, s0;
	s1 =	sshll.u32 s1, $0x11  }
0xbb: {  	s0 =	sor.u32 s1, s0  }
0xbc: {  	s0 =	sadd.s32 $0x8F2B, s0  }
0xbd: {  	[sflag:s0] =	ssyncadd.remote.s32 $0x1  }
0xbe: {  	_ =	sfence.sel $0xFFFF  }
0xbf: {  	[dreg:$0x0] =	wrdreg $0xFFFFFFFF;
	(pc) =	sbr.abs _section_cstart, $3  }
0xc0: {  	[dreg:$0x1] =	wrdreg $0xFFFFFFFF  }
0xc1: {  	_ =	task.clear_ibuf [dreg:s7], $0x2FFFF;
	_ =	strace $0x9FFFFFFF  }
0xc2: {  	(tm) =	ssettm $0x7FFFFFFF  }
0xc3: {  	_ =	shalt  }
tec
execute0_lowered:
.L_overlay_start_1:
0x0: {  	(tag) =	ssettag $0x1  }
0x1: {  	s0 =	srdreg.scid;
	s3 =	rddreg [dreg:$0x0]  }
0x2: {  	s17 =	stileid.u32;
	s4 =	rddreg [dreg:$0x1];
	s0 =	sand.u32 $0x1, s0  }
0x3: {  	s31 =	simm.s32 $0x9;
	s1 =	sshll.u32 s17, $0x5;
	s2 =	sshll.u32 s0, $0x4  }
0x4: {  	s25 =	simm.s32 $0x680;
	s26 =	simm.s32 $0x9C0;
	s1 =	sor.u32 s2, s1  }
0x5: {  	s8 =	simm.s32 $0x16C00;
	s2 =	simm.s32 $0x0;
	s5 =	smul.u32 $0x68, s1  }
0x6: {  	s30 =	simm.s32 $0x1040;
	s6 =	smul.u32 $0xD00, s1;
	[smem:$0x7FF] =	sst s2  }
0x7: {  	s1 =	smul.u32 $0x6800, s1;
	_ =	strace $0x80000047;
	[dreg:$0x13] =	wrdreg s25  }
0x8: {  	s29 =	simm.s32 $0x1380;
	[dreg:$0x14] =	wrdreg s26;
	s5 =	sadd.s32 s5, s3  }
0x9: {  	s21 =	sadd.s32 s4, s6;
	s1 =	sshrl.u32 s1, $0x3;
	s5 =	sadd.s32 $0xA00, s5  }
0xa: {  	s9 =	sadd.s32 $0xD00, s21;
	s1 =	sadd.s32 s4, s1;
	[dreg:$0x3] =	wrdreg s5  }
0xb: {  	s7 =	simm.s32 $0x8;
	[dreg:$0x4] =	wrdreg s9;
	s4 =	sadd.s32 $0x1A00, s1  }
0xc: {  	s28 =	simm.s32 $0x16C0;
	s10 =	sadd.s32 $0x2700, s1;
	[dreg:$0x5] =	wrdreg s4  }
0xd: {  	p0 =	por $0x0, $0x0;
	s11 =	sadd.s32 $0x3400, s1;
	[dreg:$0x6] =	wrdreg s10  }
0xe: {  	s0 =	ssub.s32 $0x2, s0;
	s12 =	sadd.s32 $0x4100, s1;
	[dreg:$0x7] =	wrdreg s11  }
0xf: {  	s23 =	sshrl.u32 s0, $0x1;
	s13 =	sadd.s32 $0x4E00, s1;
	[dreg:$0x8] =	wrdreg s12  }
0x10: {  	s0 =	ssub.s32 s0, s23;
	s14 =	sadd.s32 $0x5B00, s1;
	[dreg:$0x9] =	wrdreg s13  }
0x11: {  	s23 =	simm.s32 $0x23C0;
	s15 =	sadd.s32 $0x6800, s1;
	[dreg:$0xa] =	wrdreg s14  }
0x12: {  	s0 =	smax.u32 s0, $0x1;
	s16 =	sadd.s32 $0x7500, s1;
	[dreg:$0xb] =	wrdreg s15  }
0x13: {  	s26 =	simm.s32 $0x1A00;
	s18 =	sadd.s32 $0x8200, s1;
	[dreg:$0xc] =	wrdreg s16  }
0x14: {  	s25 =	simm.s32 $0x1D40;
	s19 =	sadd.s32 $0x8F00, s1;
	[dreg:$0xd] =	wrdreg s18  }
0x15: {  	s3 =	sadd.s32 $0xF42E00, s3;
	s20 =	sadd.s32 $0x9C00, s1;
	[dreg:$0xe] =	wrdreg s19  }
0x16: {  	s6 =	simm.s32 $0x7;
	s22 =	sadd.s32 $0xA900, s1;
	[dreg:$0xf] =	wrdreg s20  }
0x17: {  	p1 =	sne.s32 s0, $0x1;
	s24 =	sadd.s32 $0xB600, s1;
	[dreg:$0x10] =	wrdreg s22  }
0x18: {  	s1 =	sadd.s32 $0xC300, s1;
	s9 =	simm.s32 $0x10400;
	[dreg:$0x11] =	wrdreg s24  }
0x19: {  	s5 =	simm.s32 $0x6;
	[dreg:$0x12] =	wrdreg s1;
	s13 =	simm.s32 $0x340  }
.Ltmp0:
0x1a: {  	s11 =	simm.s32 $0x3400;
	s10 =	simm.s32 $0x9C00;
	(pc) =	sbr.rel @!p1 .LBB2_1-.Ltmp0, $4  }
0x1b: {  	s16 =	simm.s32 $0x1;
	s4 =	simm.s32 $0x5;
	s15 =	simm.s32 $0x2  }
0x1c: {  	s14 =	simm.s32 $0x3;
	s12 =	simm.s32 $0x4;
	s1 =	sadd.s32 $0xFFFFFFFF, s0  }
0x1d: {  	s24 =	simm.s32 $0x2080;
	s22 =	simm.s32 $0x2700;
	s20 =	simm.s32 $0x2A40  }
0x1e: {  	s19 =	simm.s32 $0x2D80;
	s18 =	simm.s32 $0x30C0;
	s0 =	rddreg [dreg:$0x3]  }
0x1f: {  	[tilespmem:s2], [sflag:$0x9] =	stream.linear.gather [hbm4b:s0+s2], $0x3400, $0x38;
	[tilespmem:$0x1D400] =	vst v63  }
0x20: {  	_ =	swait.ge [sflag:s31], $0x3400  }
0x21: {  	[sflag:s31] =	ssyncset.done $0x0  }
0x22: {  	[sflag:s31] =	ssyncadd.s32 $0xFFFFCC00  }
0x23: {  	[tilespmem:s11], [sflag:$0x1] =	stream.indirect.gather [hbm4b:s3+s13], $0x20, s2, s13, $0xb8;
	[tilespmem:$0x1D400] =	vst v63  }
0x24: {  	_ = 	snop  }
0x25: {  	[tilespmem:s10], [sflag:$0x2] =	stream.indirect.gather [hbm4b:s3+s13], $0x20, s13, s13, $0xb8;
	[tilespmem:$0x1D400] =	vst v63  }
0x26: {  	s0 =	rddreg [dreg:$0x13]  }
0x27: {  	[tilespmem:s9], [sflag:$0x3] =	stream.indirect.gather [hbm4b:s3+s13], $0x20, s0, s13, $0xb8;
	[tilespmem:$0x1D400] =	vst v63  }
0x28: {  	s17 =	smov.u32 s1;
	s1 =	rddreg [dreg:$0x14]  }
0x29: {  	[tilespmem:s8], [sflag:$0x4] =	stream.indirect.gather [hbm4b:s3+s13], $0x20, s1, s13, $0xb8;
	[tilespmem:$0x1D400] =	vst v63  }
0x2a: {  	_ =	swait.ge [sflag:s16], $0x6800  }
0x2b: {  	[sflag:s16] =	ssyncset.done $0x0  }
0x2c: {  	[sflag:s16] =	ssyncadd.s32 $0xFFFF9800  }
0x2d: {  	[hbm4b:s21+s2] =	stream.linear.scatter [tilespmem:s11], [sflag:$0x5], $0x6800, $0x38;
	[tilespmem:$0x1D400] =	vst v63  }
0x2e: {  	_ =	swait.ge [sflag:s4], $0x6800  }
0x2f: {  	[sflag:s4] =	ssyncset.done $0x0  }
0x30: {  	s1 =	simm.s32 $0xD00;
	[sflag:s4] =	ssyncadd.s32 $0xFFFF9800  }
0x31: {  	[tilespmem:s11], [sflag:$0x1] =	stream.indirect.gather [hbm4b:s3+s13], $0x20, s1, s13, $0xb8;
	[tilespmem:$0x1D400] =	vst v63  }
0x32: {  	_ =	swait.ge [sflag:s15], $0x6800  }
0x33: {  	[sflag:s15] =	ssyncset.done $0x0  }
0x34: {  	s1 =	rddreg [dreg:$0x4];
	[sflag:s15] =	ssyncadd.s32 $0xFFFF9800  }
0x35: {  	[hbm4b:s1+s2] =	stream.linear.scatter [tilespmem:s10], [sflag:$0x6], $0x6800, $0x38;
	[tilespmem:$0x1D400] =	vst v63  }
0x36: {  	_ =	swait.ge [sflag:s5], $0x6800  }
0x37: {  	[sflag:s5] =	ssyncset.done $0x0  }
0x38: {  	[sflag:s5] =	ssyncadd.s32 $0xFFFF9800  }
0x39: {  	[tilespmem:s10], [sflag:$0x2] =	stream.indirect.gather [hbm4b:s3+s13], $0x20, s30, s13, $0xb8;
	[tilespmem:$0x1D400] =	vst v63  }
0x3a: {  	_ =	swait.ge [sflag:s14], $0x6800  }
0x3b: {  	[sflag:s14] =	ssyncset.done $0x0  }
0x3c: {  	s1 =	rddreg [dreg:$0x5];
	[sflag:s14] =	ssyncadd.s32 $0xFFFF9800  }
0x3d: {  	[hbm4b:s1+s2] =	stream.linear.scatter [tilespmem:s9], [sflag:$0x7], $0x6800, $0x38;
	[tilespmem:$0x1D400] =	vst v63  }
0x3e: {  	_ =	swait.ge [sflag:s6], $0x6800  }
0x3f: {  	[sflag:s6] =	ssyncset.done $0x0  }
0x40: {  	[sflag:s6] =	ssyncadd.s32 $0xFFFF9800  }
0x41: {  	[tilespmem:s9], [sflag:$0x3] =	stream.indirect.gather [hbm4b:s3+s13], $0x20, s29, s13, $0xb8;
	[tilespmem:$0x1D400] =	vst v63  }
0x42: {  	_ =	swait.ge [sflag:s12], $0x6800  }
0x43: {  	[sflag:s12] =	ssyncset.done $0x0  }
0x44: {  	s1 =	rddreg [dreg:$0x6];
	[sflag:s12] =	ssyncadd.s32 $0xFFFF9800  }
0x45: {  	[hbm4b:s1+s2] =	stream.linear.scatter [tilespmem:s8], [sflag:$0x8], $0x6800, $0x38;
	[tilespmem:$0x1D400] =	vst v63  }
0x46: {  	_ =	swait.ge [sflag:s7], $0x6800  }
0x47: {  	[sflag:s7] =	ssyncset.done $0x0  }
0x48: {  	[sflag:s7] =	ssyncadd.s32 $0xFFFF9800  }
0x49: {  	[tilespmem:s8], [sflag:$0x4] =	stream.indirect.gather [hbm4b:s3+s13], $0x20, s28, s13, $0xb8;
	[tilespmem:$0x1D400] =	vst v63  }
0x4a: {  	_ =	swait.ge [sflag:s16], $0x6800  }
0x4b: {  	[sflag:s16] =	ssyncset.done $0x0  }
0x4c: {  	s1 =	rddreg [dreg:$0x7];
	[sflag:s16] =	ssyncadd.s32 $0xFFFF9800  }
0x4d: {  	[hbm4b:s1+s2] =	stream.linear.scatter [tilespmem:s11], [sflag:$0x5], $0x6800, $0x38;
	[tilespmem:$0x1D400] =	vst v63  }
0x4e: {  	_ =	swait.ge [sflag:s4], $0x6800  }
0x4f: {  	[sflag:s4] =	ssyncset.done $0x0  }
0x50: {  	[sflag:s4] =	ssyncadd.s32 $0xFFFF9800  }
0x51: {  	[tilespmem:s11], [sflag:$0x1] =	stream.indirect.gather [hbm4b:s3+s13], $0x20, s26, s13, $0xb8;
	[tilespmem:$0x1D400] =	vst v63  }
0x52: {  	_ =	swait.ge [sflag:s15], $0x6800  }
0x53: {  	[sflag:s15] =	ssyncset.done $0x0  }
0x54: {  	s1 =	rddreg [dreg:$0x8];
	[sflag:s15] =	ssyncadd.s32 $0xFFFF9800  }
0x55: {  	[hbm4b:s1+s2] =	stream.linear.scatter [tilespmem:s10], [sflag:$0x6], $0x6800, $0x38;
	[tilespmem:$0x1D400] =	vst v63  }
0x56: {  	_ =	swait.ge [sflag:s5], $0x6800  }
0x57: {  	[sflag:s5] =	ssyncset.done $0x0  }
0x58: {  	[sflag:s5] =	ssyncadd.s32 $0xFFFF9800  }
0x59: {  	[tilespmem:s10], [sflag:$0x2] =	stream.indirect.gather [hbm4b:s3+s13], $0x20, s25, s13, $0xb8;
	[tilespmem:$0x1D400] =	vst v63  }
0x5a: {  	_ =	swait.ge [sflag:s14], $0x6800  }
0x5b: {  	[sflag:s14] =	ssyncset.done $0x0  }
0x5c: {  	s1 =	rddreg [dreg:$0x9];
	[sflag:s14] =	ssyncadd.s32 $0xFFFF9800  }
0x5d: {  	[hbm4b:s1+s2] =	stream.linear.scatter [tilespmem:s9], [sflag:$0x7], $0x6800, $0x38;
	[tilespmem:$0x1D400] =	vst v63  }
0x5e: {  	_ =	swait.ge [sflag:s6], $0x6800  }
0x5f: {  	[sflag:s6] =	ssyncset.done $0x0  }
0x60: {  	[sflag:s6] =	ssyncadd.s32 $0xFFFF9800  }
0x61: {  	[tilespmem:s9], [sflag:$0x3] =	stream.indirect.gather [hbm4b:s3+s13], $0x20, s24, s13, $0xb8;
	[tilespmem:$0x1D400] =	vst v63  }
0x62: {  	_ =	swait.ge [sflag:s12], $0x6800  }
0x63: {  	[sflag:s12] =	ssyncset.done $0x0  }
0x64: {  	s1 =	rddreg [dreg:$0xa];
	[sflag:s12] =	ssyncadd.s32 $0xFFFF9800  }
0x65: {  	[hbm4b:s1+s2] =	stream.linear.scatter [tilespmem:s8], [sflag:$0x8], $0x6800, $0x38;
	[tilespmem:$0x1D400] =	vst v63  }
0x66: {  	_ =	swait.ge [sflag:s7], $0x6800  }
0x67: {  	[sflag:s7] =	ssyncset.done $0x0  }
0x68: {  	[sflag:s7] =	ssyncadd.s32 $0xFFFF9800  }
0x69: {  	[tilespmem:s8], [sflag:$0x4] =	stream.indirect.gather [hbm4b:s3+s13], $0x20, s23, s13, $0xb8;
	[tilespmem:$0x1D400] =	vst v63  }
0x6a: {  	_ =	swait.ge [sflag:s16], $0x6800  }
0x6b: {  	[sflag:s16] =	ssyncset.done $0x0  }
0x6c: {  	s1 =	rddreg [dreg:$0xb];
	[sflag:s16] =	ssyncadd.s32 $0xFFFF9800  }
0x6d: {  	[hbm4b:s1+s2] =	stream.linear.scatter [tilespmem:s11], [sflag:$0x5], $0x6800, $0x38;
	[tilespmem:$0x1D400] =	vst v63  }
0x6e: {  	_ =	swait.ge [sflag:s4], $0x6800  }
0x6f: {  	[sflag:s4] =	ssyncset.done $0x0  }
0x70: {  	[sflag:s4] =	ssyncadd.s32 $0xFFFF9800  }
0x71: {  	[tilespmem:s11], [sflag:$0x1] =	stream.indirect.gather [hbm4b:s3+s13], $0x20, s22, s13, $0xb8;
	[tilespmem:$0x1D400] =	vst v63  }
0x72: {  	_ =	swait.ge [sflag:s15], $0x6800  }
0x73: {  	[sflag:s15] =	ssyncset.done $0x0  }
0x74: {  	s1 =	rddreg [dreg:$0xc];
	[sflag:s15] =	ssyncadd.s32 $0xFFFF9800  }
0x75: {  	[hbm4b:s1+s2] =	stream.linear.scatter [tilespmem:s10], [sflag:$0x6], $0x6800, $0x38;
	[tilespmem:$0x1D400] =	vst v63  }
0x76: {  	_ =	swait.ge [sflag:s5], $0x6800  }
0x77: {  	[sflag:s5] =	ssyncset.done $0x0  }
0x78: {  	[sflag:s5] =	ssyncadd.s32 $0xFFFF9800  }
0x79: {  	[tilespmem:s10], [sflag:$0x2] =	stream.indirect.gather [hbm4b:s3+s13], $0x20, s20, s13, $0xb8;
	[tilespmem:$0x1D400] =	vst v63  }
0x7a: {  	_ =	swait.ge [sflag:s14], $0x6800  }
0x7b: {  	[sflag:s14] =	ssyncset.done $0x0  }
0x7c: {  	s1 =	rddreg [dreg:$0xd];
	[sflag:s14] =	ssyncadd.s32 $0xFFFF9800  }
0x7d: {  	[hbm4b:s1+s2] =	stream.linear.scatter [tilespmem:s9], [sflag:$0x7], $0x6800, $0x38;
	[tilespmem:$0x1D400] =	vst v63  }
0x7e: {  	_ =	swait.ge [sflag:s6], $0x6800  }
0x7f: {  	[sflag:s6] =	ssyncset.done $0x0  }
0x80: {  	[sflag:s6] =	ssyncadd.s32 $0xFFFF9800  }
0x81: {  	[tilespmem:s9], [sflag:$0x3] =	stream.indirect.gather [hbm4b:s3+s13], $0x20, s19, s13, $0xb8;
	[tilespmem:$0x1D400] =	vst v63  }
0x82: {  	_ =	swait.ge [sflag:s12], $0x6800  }
0x83: {  	[sflag:s12] =	ssyncset.done $0x0  }
0x84: {  	s1 =	rddreg [dreg:$0xe];
	[sflag:s12] =	ssyncadd.s32 $0xFFFF9800  }
0x85: {  	[hbm4b:s1+s2] =	stream.linear.scatter [tilespmem:s8], [sflag:$0x8], $0x6800, $0x38;
	[tilespmem:$0x1D400] =	vst v63  }
0x86: {  	_ =	swait.ge [sflag:s7], $0x6800  }
0x87: {  	[sflag:s7] =	ssyncset.done $0x0  }
0x88: {  	[sflag:s7] =	ssyncadd.s32 $0xFFFF9800  }
0x89: {  	[tilespmem:s8], [sflag:$0x4] =	stream.indirect.gather [hbm4b:s3+s13], $0x20, s18, s13, $0xb8;
	[tilespmem:$0x1D400] =	vst v63  }
0x8a: {  	_ =	swait.ge [sflag:s16], $0x6800  }
0x8b: {  	[sflag:s16] =	ssyncset.done $0x0  }
0x8c: {  	s1 =	rddreg [dreg:$0xf];
	[sflag:s16] =	ssyncadd.s32 $0xFFFF9800  }
0x8d: {  	[hbm4b:s1+s2] =	stream.linear.scatter [tilespmem:s11], [sflag:$0x5], $0x6800, $0x38;
	[tilespmem:$0x1D400] =	vst v63  }
0x8e: {  	_ =	swait.ge [sflag:s15], $0x6800  }
0x8f: {  	[sflag:s15] =	ssyncset.done $0x0  }
0x90: {  	s1 =	rddreg [dreg:$0x10];
	[sflag:s15] =	ssyncadd.s32 $0xFFFF9800  }
0x91: {  	[hbm4b:s1+s2] =	stream.linear.scatter [tilespmem:s10], [sflag:$0x6], $0x6800, $0x38;
	[tilespmem:$0x1D400] =	vst v63  }
0x92: {  	_ =	swait.ge [sflag:s14], $0x6800  }
0x93: {  	[sflag:s14] =	ssyncset.done $0x0  }
0x94: {  	s1 =	rddreg [dreg:$0x11];
	[sflag:s14] =	ssyncadd.s32 $0xFFFF9800  }
0x95: {  	[hbm4b:s1+s2] =	stream.linear.scatter [tilespmem:s9], [sflag:$0x7], $0x6800, $0x38;
	[tilespmem:$0x1D400] =	vst v63  }
0x96: {  	_ =	swait.ge [sflag:s12], $0x6800  }
0x97: {  	[sflag:s12] =	ssyncset.done $0x0  }
0x98: {  	s1 =	rddreg [dreg:$0x12];
	[sflag:s12] =	ssyncadd.s32 $0xFFFF9800  }
0x99: {  	[hbm4b:s1+s2] =	stream.linear.scatter [tilespmem:s8], [sflag:$0x8], $0x6800, $0x38;
	[tilespmem:$0x1D400] =	vst v63  }
0x9a: {  	_ =	swait.ge [sflag:s4], $0x6800  }
0x9b: {  	[sflag:s4] =	ssyncset.done $0x0  }
0x9c: {  	[sflag:s4] =	ssyncadd.s32 $0xFFFF9800  }
0x9d: {  	_ =	swait.ge [sflag:s5], $0x6800  }
0x9e: {  	[sflag:s5] =	ssyncset.done $0x0  }
0x9f: {  	p1 =	sne.s32 s17, $0x1;
	[sflag:s5] =	ssyncadd.s32 $0xFFFF9800  }
.Ltmp1:
0xa0: {  	_ =	swait.ge [sflag:s6], $0x6800;
	(pc) =	sbr.rel @!p1 .LBB2_3-.Ltmp1, $4  }
0xa1: {  	[sflag:s6] =	ssyncset.done $0x0  }
0xa2: {  	[sflag:s6] =	ssyncadd.s32 $0xFFFF9800  }
0xa3: {  	p0 =	por $0x1, $0x1;
	_ =	swait.ge [sflag:s7], $0x6800  }
0xa4: {  	s1 =	sadd.s32 $0xFFFFFFFF, s17;
	s0 =	rddreg [dreg:$0x3];
	[sflag:s7] =	ssyncset.done $0x0  }
.LBB2_4:
0xa5: {  	[sflag:s7] =	ssyncadd.s32 $0xFFFF9800  }
0xa6: {  	[tilespmem:s2], [sflag:$0x9] =	stream.linear.gather [hbm4b:s0+s2], $0x3400, $0x38;
	[tilespmem:$0x1D400] =	vst v63  }
0xa7: {  	_ =	swait.ge [sflag:s31], $0x3400  }
0xa8: {  	[sflag:s31] =	ssyncset.done $0x0  }
0xa9: {  	[sflag:s31] =	ssyncadd.s32 $0xFFFFCC00  }
0xaa: {  	[tilespmem:s11], [sflag:$0x1] =	stream.indirect.gather [hbm4b:s3+s13], $0x20, s2, s13, $0xb8;
	[tilespmem:$0x1D400] =	vst v63  }
0xab: {  	_ = 	snop  }
0xac: {  	[tilespmem:s10], [sflag:$0x2] =	stream.indirect.gather [hbm4b:s3+s13], $0x20, s13, s13, $0xb8;
	[tilespmem:$0x1D400] =	vst v63  }
0xad: {  	s0 =	rddreg [dreg:$0x13]  }
0xae: {  	[tilespmem:s9], [sflag:$0x3] =	stream.indirect.gather [hbm4b:s3+s13], $0x20, s0, s13, $0xb8;
	[tilespmem:$0x1D400] =	vst v63  }
0xaf: {  	s17 =	rddreg [dreg:$0x14]  }
0xb0: {  	[tilespmem:s8], [sflag:$0x4] =	stream.indirect.gather [hbm4b:s3+s13], $0x20, s17, s13, $0xb8;
	[tilespmem:$0x1D400] =	vst v63  }
0xb1: {  	_ =	swait.ge [sflag:s16], $0x6800  }
0xb2: {  	[sflag:s16] =	ssyncset.done $0x0  }
0xb3: {  	[sflag:s16] =	ssyncadd.s32 $0xFFFF9800  }
0xb4: {  	[hbm4b:s21+s2] =	stream.linear.scatter [tilespmem:s11], [sflag:$0x5], $0x6800, $0x38;
	[tilespmem:$0x1D400] =	vst v63  }
0xb5: {  	_ =	swait.ge [sflag:s4], $0x6800  }
0xb6: {  	[sflag:s4] =	ssyncset.done $0x0  }
0xb7: {  	s17 =	simm.s32 $0xD00;
	[sflag:s4] =	ssyncadd.s32 $0xFFFF9800  }
0xb8: {  	[tilespmem:s11], [sflag:$0x1] =	stream.indirect.gather [hbm4b:s3+s13], $0x20, s17, s13, $0xb8;
	[tilespmem:$0x1D400] =	vst v63  }
0xb9: {  	_ =	swait.ge [sflag:s15], $0x6800  }
0xba: {  	[sflag:s15] =	ssyncset.done $0x0  }
0xbb: {  	s17 =	rddreg [dreg:$0x4];
	[sflag:s15] =	ssyncadd.s32 $0xFFFF9800  }
0xbc: {  	[hbm4b:s17+s2] =	stream.linear.scatter [tilespmem:s10], [sflag:$0x6], $0x6800, $0x38;
	[tilespmem:$0x1D400] =	vst v63  }
0xbd: {  	_ =	swait.ge [sflag:s5], $0x6800  }
0xbe: {  	[sflag:s5] =	ssyncset.done $0x0  }
0xbf: {  	[sflag:s5] =	ssyncadd.s32 $0xFFFF9800  }
0xc0: {  	[tilespmem:s10], [sflag:$0x2] =	stream.indirect.gather [hbm4b:s3+s13], $0x20, s30, s13, $0xb8;
	[tilespmem:$0x1D400] =	vst v63  }
0xc1: {  	_ =	swait.ge [sflag:s14], $0x6800  }
0xc2: {  	[sflag:s14] =	ssyncset.done $0x0  }
0xc3: {  	s17 =	rddreg [dreg:$0x5];
	[sflag:s14] =	ssyncadd.s32 $0xFFFF9800  }
0xc4: {  	[hbm4b:s17+s2] =	stream.linear.scatter [tilespmem:s9], [sflag:$0x7], $0x6800, $0x38;
	[tilespmem:$0x1D400] =	vst v63  }
0xc5: {  	_ =	swait.ge [sflag:s6], $0x6800  }
0xc6: {  	[sflag:s6] =	ssyncset.done $0x0  }
0xc7: {  	[sflag:s6] =	ssyncadd.s32 $0xFFFF9800  }
0xc8: {  	[tilespmem:s9], [sflag:$0x3] =	stream.indirect.gather [hbm4b:s3+s13], $0x20, s29, s13, $0xb8;
	[tilespmem:$0x1D400] =	vst v63  }
0xc9: {  	_ =	swait.ge [sflag:s12], $0x6800  }
0xca: {  	[sflag:s12] =	ssyncset.done $0x0  }
0xcb: {  	s17 =	rddreg [dreg:$0x6];
	[sflag:s12] =	ssyncadd.s32 $0xFFFF9800  }
0xcc: {  	[hbm4b:s17+s2] =	stream.linear.scatter [tilespmem:s8], [sflag:$0x8], $0x6800, $0x38;
	[tilespmem:$0x1D400] =	vst v63  }
0xcd: {  	_ =	swait.ge [sflag:s7], $0x6800  }
0xce: {  	[sflag:s7] =	ssyncset.done $0x0  }
0xcf: {  	[sflag:s7] =	ssyncadd.s32 $0xFFFF9800  }
0xd0: {  	[tilespmem:s8], [sflag:$0x4] =	stream.indirect.gather [hbm4b:s3+s13], $0x20, s28, s13, $0xb8;
	[tilespmem:$0x1D400] =	vst v63  }
0xd1: {  	_ =	swait.ge [sflag:s16], $0x6800  }
0xd2: {  	[sflag:s16] =	ssyncset.done $0x0  }
0xd3: {  	s17 =	rddreg [dreg:$0x7];
	[sflag:s16] =	ssyncadd.s32 $0xFFFF9800  }
0xd4: {  	[hbm4b:s17+s2] =	stream.linear.scatter [tilespmem:s11], [sflag:$0x5], $0x6800, $0x38;
	[tilespmem:$0x1D400] =	vst v63  }
0xd5: {  	_ =	swait.ge [sflag:s4], $0x6800  }
0xd6: {  	[sflag:s4] =	ssyncset.done $0x0  }
0xd7: {  	[sflag:s4] =	ssyncadd.s32 $0xFFFF9800  }
0xd8: {  	[tilespmem:s11], [sflag:$0x1] =	stream.indirect.gather [hbm4b:s3+s13], $0x20, s26, s13, $0xb8;
	[tilespmem:$0x1D400] =	vst v63  }
0xd9: {  	_ =	swait.ge [sflag:s15], $0x6800  }
0xda: {  	[sflag:s15] =	ssyncset.done $0x0  }
0xdb: {  	s17 =	rddreg [dreg:$0x8];
	[sflag:s15] =	ssyncadd.s32 $0xFFFF9800  }
0xdc: {  	[hbm4b:s17+s2] =	stream.linear.scatter [tilespmem:s10], [sflag:$0x6], $0x6800, $0x38;
	[tilespmem:$0x1D400] =	vst v63  }
0xdd: {  	_ =	swait.ge [sflag:s5], $0x6800  }
0xde: {  	[sflag:s5] =	ssyncset.done $0x0  }
0xdf: {  	[sflag:s5] =	ssyncadd.s32 $0xFFFF9800  }
0xe0: {  	[tilespmem:s10], [sflag:$0x2] =	stream.indirect.gather [hbm4b:s3+s13], $0x20, s25, s13, $0xb8;
	[tilespmem:$0x1D400] =	vst v63  }
0xe1: {  	_ =	swait.ge [sflag:s14], $0x6800  }
0xe2: {  	[sflag:s14] =	ssyncset.done $0x0  }
0xe3: {  	s17 =	rddreg [dreg:$0x9];
	[sflag:s14] =	ssyncadd.s32 $0xFFFF9800  }
0xe4: {  	[hbm4b:s17+s2] =	stream.linear.scatter [tilespmem:s9], [sflag:$0x7], $0x6800, $0x38;
	[tilespmem:$0x1D400] =	vst v63  }
0xe5: {  	_ =	swait.ge [sflag:s6], $0x6800  }
0xe6: {  	[sflag:s6] =	ssyncset.done $0x0  }
0xe7: {  	[sflag:s6] =	ssyncadd.s32 $0xFFFF9800  }
0xe8: {  	[tilespmem:s9], [sflag:$0x3] =	stream.indirect.gather [hbm4b:s3+s13], $0x20, s24, s13, $0xb8;
	[tilespmem:$0x1D400] =	vst v63  }
0xe9: {  	_ =	swait.ge [sflag:s12], $0x6800  }
0xea: {  	[sflag:s12] =	ssyncset.done $0x0  }
0xeb: {  	s17 =	rddreg [dreg:$0xa];
	[sflag:s12] =	ssyncadd.s32 $0xFFFF9800  }
0xec: {  	[hbm4b:s17+s2] =	stream.linear.scatter [tilespmem:s8], [sflag:$0x8], $0x6800, $0x38;
	[tilespmem:$0x1D400] =	vst v63  }
0xed: {  	_ =	swait.ge [sflag:s7], $0x6800  }
0xee: {  	[sflag:s7] =	ssyncset.done $0x0  }
0xef: {  	[sflag:s7] =	ssyncadd.s32 $0xFFFF9800  }
0xf0: {  	[tilespmem:s8], [sflag:$0x4] =	stream.indirect.gather [hbm4b:s3+s13], $0x20, s23, s13, $0xb8;
	[tilespmem:$0x1D400] =	vst v63  }
0xf1: {  	_ =	swait.ge [sflag:s16], $0x6800  }
0xf2: {  	[sflag:s16] =	ssyncset.done $0x0  }
0xf3: {  	s17 =	rddreg [dreg:$0xb];
	[sflag:s16] =	ssyncadd.s32 $0xFFFF9800  }
0xf4: {  	[hbm4b:s17+s2] =	stream.linear.scatter [tilespmem:s11], [sflag:$0x5], $0x6800, $0x38;
	[tilespmem:$0x1D400] =	vst v63  }
0xf5: {  	_ =	swait.ge [sflag:s4], $0x6800  }
0xf6: {  	[sflag:s4] =	ssyncset.done $0x0  }
0xf7: {  	[sflag:s4] =	ssyncadd.s32 $0xFFFF9800  }
0xf8: {  	[tilespmem:s11], [sflag:$0x1] =	stream.indirect.gather [hbm4b:s3+s13], $0x20, s22, s13, $0xb8;
	[tilespmem:$0x1D400] =	vst v63  }
0xf9: {  	_ =	swait.ge [sflag:s15], $0x6800  }
0xfa: {  	[sflag:s15] =	ssyncset.done $0x0  }
0xfb: {  	s17 =	rddreg [dreg:$0xc];
	[sflag:s15] =	ssyncadd.s32 $0xFFFF9800  }
0xfc: {  	[hbm4b:s17+s2] =	stream.linear.scatter [tilespmem:s10], [sflag:$0x6], $0x6800, $0x38;
	[tilespmem:$0x1D400] =	vst v63  }
0xfd: {  	_ =	swait.ge [sflag:s5], $0x6800  }
0xfe: {  	[sflag:s5] =	ssyncset.done $0x0  }
0xff: {  	[sflag:s5] =	ssyncadd.s32 $0xFFFF9800  }
0x100: {  	[tilespmem:s10], [sflag:$0x2] =	stream.indirect.gather [hbm4b:s3+s13], $0x20, s20, s13, $0xb8;
	[tilespmem:$0x1D400] =	vst v63  }
0x101: {  	_ =	swait.ge [sflag:s14], $0x6800  }
0x102: {  	[sflag:s14] =	ssyncset.done $0x0  }
0x103: {  	s17 =	rddreg [dreg:$0xd];
	[sflag:s14] =	ssyncadd.s32 $0xFFFF9800  }
0x104: {  	[hbm4b:s17+s2] =	stream.linear.scatter [tilespmem:s9], [sflag:$0x7], $0x6800, $0x38;
	[tilespmem:$0x1D400] =	vst v63  }
0x105: {  	_ =	swait.ge [sflag:s6], $0x6800  }
0x106: {  	[sflag:s6] =	ssyncset.done $0x0  }
0x107: {  	[sflag:s6] =	ssyncadd.s32 $0xFFFF9800  }
0x108: {  	[tilespmem:s9], [sflag:$0x3] =	stream.indirect.gather [hbm4b:s3+s13], $0x20, s19, s13, $0xb8;
	[tilespmem:$0x1D400] =	vst v63  }
0x109: {  	_ =	swait.ge [sflag:s12], $0x6800  }
0x10a: {  	[sflag:s12] =	ssyncset.done $0x0  }
0x10b: {  	s17 =	rddreg [dreg:$0xe];
	[sflag:s12] =	ssyncadd.s32 $0xFFFF9800  }
0x10c: {  	[hbm4b:s17+s2] =	stream.linear.scatter [tilespmem:s8], [sflag:$0x8], $0x6800, $0x38;
	[tilespmem:$0x1D400] =	vst v63  }
0x10d: {  	_ =	swait.ge [sflag:s7], $0x6800  }
0x10e: {  	[sflag:s7] =	ssyncset.done $0x0  }
0x10f: {  	[sflag:s7] =	ssyncadd.s32 $0xFFFF9800  }
0x110: {  	[tilespmem:s8], [sflag:$0x4] =	stream.indirect.gather [hbm4b:s3+s13], $0x20, s18, s13, $0xb8;
	[tilespmem:$0x1D400] =	vst v63  }
0x111: {  	_ =	swait.ge [sflag:s16], $0x6800  }
0x112: {  	[sflag:s16] =	ssyncset.done $0x0  }
0x113: {  	s17 =	rddreg [dreg:$0xf];
	[sflag:s16] =	ssyncadd.s32 $0xFFFF9800  }
0x114: {  	[hbm4b:s17+s2] =	stream.linear.scatter [tilespmem:s11], [sflag:$0x5], $0x6800, $0x38;
	[tilespmem:$0x1D400] =	vst v63  }
0x115: {  	_ =	swait.ge [sflag:s15], $0x6800  }
0x116: {  	[sflag:s15] =	ssyncset.done $0x0  }
0x117: {  	s17 =	rddreg [dreg:$0x10];
	[sflag:s15] =	ssyncadd.s32 $0xFFFF9800  }
0x118: {  	[hbm4b:s17+s2] =	stream.linear.scatter [tilespmem:s10], [sflag:$0x6], $0x6800, $0x38;
	[tilespmem:$0x1D400] =	vst v63  }
0x119: {  	_ =	swait.ge [sflag:s14], $0x6800  }
0x11a: {  	[sflag:s14] =	ssyncset.done $0x0  }
0x11b: {  	s17 =	rddreg [dreg:$0x11];
	[sflag:s14] =	ssyncadd.s32 $0xFFFF9800  }
0x11c: {  	[hbm4b:s17+s2] =	stream.linear.scatter [tilespmem:s9], [sflag:$0x7], $0x6800, $0x38;
	[tilespmem:$0x1D400] =	vst v63  }
0x11d: {  	_ =	swait.ge [sflag:s12], $0x6800  }
0x11e: {  	[sflag:s12] =	ssyncset.done $0x0  }
0x11f: {  	s17 =	rddreg [dreg:$0x12];
	[sflag:s12] =	ssyncadd.s32 $0xFFFF9800  }
0x120: {  	[hbm4b:s17+s2] =	stream.linear.scatter [tilespmem:s8], [sflag:$0x8], $0x6800, $0x38;
	[tilespmem:$0x1D400] =	vst v63  }
0x121: {  	_ =	swait.ge [sflag:s4], $0x6800  }
0x122: {  	[sflag:s4] =	ssyncset.done $0x0  }
0x123: {  	[sflag:s4] =	ssyncadd.s32 $0xFFFF9800  }
0x124: {  	_ =	swait.ge [sflag:s5], $0x6800  }
0x125: {  	[sflag:s5] =	ssyncset.done $0x0  }
0x126: {  	p1 =	sne.s32 s1, $0x1;
	[sflag:s5] =	ssyncadd.s32 $0xFFFF9800  }
.Ltmp2:
0x127: {  	_ =	swait.ge [sflag:s6], $0x6800;
	(pc) =	sbr.rel @p1 .LBB2_4-.Ltmp2, $4  }
0x128: {  	[sflag:s6] =	ssyncset.done $0x0  }
0x129: {  	[sflag:s6] =	ssyncadd.s32 $0xFFFF9800  }
0x12a: {  	_ =	swait.ge [sflag:s7], $0x6800  }
0x12b: {  	s1 =	sadd.s32 $0xFFFFFFFF, s1;
	s0 =	rddreg [dreg:$0x3];
	[sflag:s7] =	ssyncset.done $0x0  }
0x12c: {  	s18 =	simm.s32 $0xD00;
	s30 =	simm.s32 $0x1040;
	s29 =	simm.s32 $0x1380  }
0x12d: {  	s28 =	simm.s32 $0x16C0;
	s26 =	simm.s32 $0x1A00;
	s25 =	simm.s32 $0x1D40  }
0x12e: {  	s24 =	simm.s32 $0x2080;
	s23 =	simm.s32 $0x23C0;
	s22 =	simm.s32 $0x2700  }
0x12f: {  	s20 =	simm.s32 $0x2A40;
	s19 =	simm.s32 $0x2D80;
	s17 =	stileid.u32  }
.LBB2_6:
0x130: {  	[sflag:s7] =	ssyncadd.s32 @p0 $0xFFFF9800  }
0x131: {  	[tilespmem:s2], [sflag:$0x9] =	stream.linear.gather [hbm4b:s0+s2], $0x3400, $0x38;
	[tilespmem:$0x1D400] =	vst v63  }
0x132: {  	_ =	swait.ge [sflag:s31], $0x3400  }
0x133: {  	[sflag:s31] =	ssyncset.done $0x0  }
0x134: {  	[sflag:s31] =	ssyncadd.s32 $0xFFFFCC00  }
0x135: {  	[tilespmem:s11], [sflag:$0x1] =	stream.indirect.gather [hbm4b:s3+s13], $0x20, s2, s13, $0xb8;
	[tilespmem:$0x1D400] =	vst v63  }
0x136: {  	_ = 	snop  }
0x137: {  	[tilespmem:s10], [sflag:$0x2] =	stream.indirect.gather [hbm4b:s3+s13], $0x20, s13, s13, $0xb8;
	[tilespmem:$0x1D400] =	vst v63  }
0x138: {  	s31 =	rddreg [dreg:$0x13]  }
0x139: {  	[tilespmem:s9], [sflag:$0x3] =	stream.indirect.gather [hbm4b:s3+s13], $0x20, s31, s13, $0xb8;
	[tilespmem:$0x1D400] =	vst v63  }
0x13a: {  	s1 =	rddreg [dreg:$0x14]  }
0x13b: {  	[tilespmem:s8], [sflag:$0x4] =	stream.indirect.gather [hbm4b:s3+s13], $0x20, s1, s13, $0xb8;
	[tilespmem:$0x1D400] =	vst v63  }
0x13c: {  	_ =	swait.ge [sflag:s16], $0x6800  }
0x13d: {  	[sflag:s16] =	ssyncset.done $0x0  }
0x13e: {  	[sflag:s16] =	ssyncadd.s32 $0xFFFF9800  }
0x13f: {  	[hbm4b:s21+s2] =	stream.linear.scatter [tilespmem:s11], [sflag:$0x5], $0x6800, $0x38;
	[tilespmem:$0x1D400] =	vst v63  }
0x140: {  	_ =	swait.ge [sflag:s4], $0x6800  }
0x141: {  	[sflag:s4] =	ssyncset.done $0x0  }
0x142: {  	[sflag:s4] =	ssyncadd.s32 $0xFFFF9800  }
0x143: {  	[tilespmem:s11], [sflag:$0x1] =	stream.indirect.gather [hbm4b:s3+s13], $0x20, s18, s13, $0xb8;
	[tilespmem:$0x1D400] =	vst v63  }
0x144: {  	_ =	swait.ge [sflag:s15], $0x6800  }
0x145: {  	[sflag:s15] =	ssyncset.done $0x0  }
0x146: {  	s18 =	rddreg [dreg:$0x4];
	[sflag:s15] =	ssyncadd.s32 $0xFFFF9800  }
0x147: {  	[hbm4b:s18+s2] =	stream.linear.scatter [tilespmem:s10], [sflag:$0x6], $0x6800, $0x38;
	[tilespmem:$0x1D400] =	vst v63  }
0x148: {  	_ =	swait.ge [sflag:s5], $0x6800  }
0x149: {  	[sflag:s5] =	ssyncset.done $0x0  }
0x14a: {  	[sflag:s5] =	ssyncadd.s32 $0xFFFF9800  }
0x14b: {  	[tilespmem:s10], [sflag:$0x2] =	stream.indirect.gather [hbm4b:s3+s13], $0x20, s30, s13, $0xb8;
	[tilespmem:$0x1D400] =	vst v63  }
0x14c: {  	_ =	swait.ge [sflag:s14], $0x6800  }
0x14d: {  	[sflag:s14] =	ssyncset.done $0x0  }
0x14e: {  	s21 =	rddreg [dreg:$0x5];
	[sflag:s14] =	ssyncadd.s32 $0xFFFF9800  }
0x14f: {  	[hbm4b:s21+s2] =	stream.linear.scatter [tilespmem:s9], [sflag:$0x7], $0x6800, $0x38;
	[tilespmem:$0x1D400] =	vst v63  }
0x150: {  	_ =	swait.ge [sflag:s6], $0x6800  }
0x151: {  	[sflag:s6] =	ssyncset.done $0x0  }
0x152: {  	[sflag:s6] =	ssyncadd.s32 $0xFFFF9800  }
0x153: {  	[tilespmem:s9], [sflag:$0x3] =	stream.indirect.gather [hbm4b:s3+s13], $0x20, s29, s13, $0xb8;
	[tilespmem:$0x1D400] =	vst v63  }
0x154: {  	_ =	swait.ge [sflag:s12], $0x6800  }
0x155: {  	[sflag:s12] =	ssyncset.done $0x0  }
0x156: {  	s29 =	rddreg [dreg:$0x6];
	[sflag:s12] =	ssyncadd.s32 $0xFFFF9800  }
0x157: {  	[hbm4b:s29+s2] =	stream.linear.scatter [tilespmem:s8], [sflag:$0x8], $0x6800, $0x38;
	[tilespmem:$0x1D400] =	vst v63  }
0x158: {  	_ =	swait.ge [sflag:s7], $0x6800  }
0x159: {  	[sflag:s7] =	ssyncset.done $0x0  }
0x15a: {  	[sflag:s7] =	ssyncadd.s32 $0xFFFF9800  }
0x15b: {  	[tilespmem:s8], [sflag:$0x4] =	stream.indirect.gather [hbm4b:s3+s13], $0x20, s28, s13, $0xb8;
	[tilespmem:$0x1D400] =	vst v63  }
0x15c: {  	_ =	swait.ge [sflag:s16], $0x6800  }
0x15d: {  	[sflag:s16] =	ssyncset.done $0x0  }
0x15e: {  	s30 =	rddreg [dreg:$0x7];
	[sflag:s16] =	ssyncadd.s32 $0xFFFF9800  }
0x15f: {  	[hbm4b:s30+s2] =	stream.linear.scatter [tilespmem:s11], [sflag:$0x5], $0x6800, $0x38;
	[tilespmem:$0x1D400] =	vst v63  }
0x160: {  	_ =	swait.ge [sflag:s4], $0x6800  }
0x161: {  	[sflag:s4] =	ssyncset.done $0x0  }
0x162: {  	[sflag:s4] =	ssyncadd.s32 $0xFFFF9800  }
0x163: {  	[tilespmem:s11], [sflag:$0x1] =	stream.indirect.gather [hbm4b:s3+s13], $0x20, s26, s13, $0xb8;
	[tilespmem:$0x1D400] =	vst v63  }
0x164: {  	_ =	swait.ge [sflag:s15], $0x6800  }
0x165: {  	[sflag:s15] =	ssyncset.done $0x0  }
0x166: {  	s31 =	rddreg [dreg:$0x8];
	[sflag:s15] =	ssyncadd.s32 $0xFFFF9800  }
0x167: {  	[hbm4b:s31+s2] =	stream.linear.scatter [tilespmem:s10], [sflag:$0x6], $0x6800, $0x38;
	[tilespmem:$0x1D400] =	vst v63  }
0x168: {  	_ =	swait.ge [sflag:s5], $0x6800  }
0x169: {  	[sflag:s5] =	ssyncset.done $0x0  }
0x16a: {  	[sflag:s5] =	ssyncadd.s32 $0xFFFF9800  }
0x16b: {  	[tilespmem:s10], [sflag:$0x2] =	stream.indirect.gather [hbm4b:s3+s13], $0x20, s25, s13, $0xb8;
	[tilespmem:$0x1D400] =	vst v63  }
0x16c: {  	_ =	swait.ge [sflag:s14], $0x6800  }
0x16d: {  	[sflag:s14] =	ssyncset.done $0x0  }
0x16e: {  	s1 =	rddreg [dreg:$0x9];
	[sflag:s14] =	ssyncadd.s32 $0xFFFF9800  }
0x16f: {  	[hbm4b:s1+s2] =	stream.linear.scatter [tilespmem:s9], [sflag:$0x7], $0x6800, $0x38;
	[tilespmem:$0x1D400] =	vst v63  }
0x170: {  	_ =	swait.ge [sflag:s6], $0x6800  }
0x171: {  	[sflag:s6] =	ssyncset.done $0x0  }
0x172: {  	[sflag:s6] =	ssyncadd.s32 $0xFFFF9800  }
0x173: {  	[tilespmem:s9], [sflag:$0x3] =	stream.indirect.gather [hbm4b:s3+s13], $0x20, s24, s13, $0xb8;
	[tilespmem:$0x1D400] =	vst v63  }
0x174: {  	_ =	swait.ge [sflag:s12], $0x6800  }
0x175: {  	[sflag:s12] =	ssyncset.done $0x0  }
0x176: {  	s18 =	rddreg [dreg:$0xa];
	[sflag:s12] =	ssyncadd.s32 $0xFFFF9800  }
0x177: {  	[hbm4b:s18+s2] =	stream.linear.scatter [tilespmem:s8], [sflag:$0x8], $0x6800, $0x38;
	[tilespmem:$0x1D400] =	vst v63  }
0x178: {  	_ =	swait.ge [sflag:s7], $0x6800  }
0x179: {  	[sflag:s7] =	ssyncset.done $0x0  }
0x17a: {  	[sflag:s7] =	ssyncadd.s32 $0xFFFF9800  }
0x17b: {  	[tilespmem:s8], [sflag:$0x4] =	stream.indirect.gather [hbm4b:s3+s13], $0x20, s23, s13, $0xb8;
	[tilespmem:$0x1D400] =	vst v63  }
0x17c: {  	_ =	swait.ge [sflag:s16], $0x6800  }
0x17d: {  	[sflag:s16] =	ssyncset.done $0x0  }
0x17e: {  	s21 =	rddreg [dreg:$0xb];
	[sflag:s16] =	ssyncadd.s32 $0xFFFF9800  }
0x17f: {  	[hbm4b:s21+s2] =	stream.linear.scatter [tilespmem:s11], [sflag:$0x5], $0x6800, $0x38;
	[tilespmem:$0x1D400] =	vst v63  }
0x180: {  	_ =	swait.ge [sflag:s4], $0x6800  }
0x181: {  	[sflag:s4] =	ssyncset.done $0x0  }
0x182: {  	[sflag:s4] =	ssyncadd.s32 $0xFFFF9800  }
0x183: {  	[tilespmem:s11], [sflag:$0x1] =	stream.indirect.gather [hbm4b:s3+s13], $0x20, s22, s13, $0xb8;
	[tilespmem:$0x1D400] =	vst v63  }
0x184: {  	_ =	swait.ge [sflag:s15], $0x6800  }
0x185: {  	[sflag:s15] =	ssyncset.done $0x0  }
0x186: {  	s23 =	rddreg [dreg:$0xc];
	[sflag:s15] =	ssyncadd.s32 $0xFFFF9800  }
0x187: {  	[hbm4b:s23+s2] =	stream.linear.scatter [tilespmem:s10], [sflag:$0x6], $0x6800, $0x38;
	[tilespmem:$0x1D400] =	vst v63  }
0x188: {  	_ =	swait.ge [sflag:s5], $0x6800  }
0x189: {  	[sflag:s5] =	ssyncset.done $0x0  }
0x18a: {  	[sflag:s5] =	ssyncadd.s32 $0xFFFF9800  }
0x18b: {  	[tilespmem:s10], [sflag:$0x2] =	stream.indirect.gather [hbm4b:s3+s13], $0x20, s20, s13, $0xb8;
	[tilespmem:$0x1D400] =	vst v63  }
0x18c: {  	_ =	swait.ge [sflag:s14], $0x6800  }
0x18d: {  	[sflag:s14] =	ssyncset.done $0x0  }
0x18e: {  	s24 =	rddreg [dreg:$0xd];
	[sflag:s14] =	ssyncadd.s32 $0xFFFF9800  }
0x18f: {  	[hbm4b:s24+s2] =	stream.linear.scatter [tilespmem:s9], [sflag:$0x7], $0x6800, $0x38;
	[tilespmem:$0x1D400] =	vst v63  }
0x190: {  	_ =	swait.ge [sflag:s6], $0x6800  }
0x191: {  	[sflag:s6] =	ssyncset.done $0x0  }
0x192: {  	[sflag:s6] =	ssyncadd.s32 $0xFFFF9800  }
0x193: {  	[tilespmem:s9], [sflag:$0x3] =	stream.indirect.gather [hbm4b:s3+s13], $0x20, s19, s13, $0xb8;
	[tilespmem:$0x1D400] =	vst v63  }
0x194: {  	_ =	swait.ge [sflag:s12], $0x6800  }
0x195: {  	[sflag:s12] =	ssyncset.done $0x0  }
0x196: {  	s25 =	rddreg [dreg:$0xe];
	[sflag:s12] =	ssyncadd.s32 $0xFFFF9800  }
0x197: {  	[hbm4b:s25+s2] =	stream.linear.scatter [tilespmem:s8], [sflag:$0x8], $0x6800, $0x38;
	[tilespmem:$0x1D400] =	vst v63  }
0x198: {  	_ =	swait.ge [sflag:s7], $0x6800  }
0x199: {  	[sflag:s7] =	ssyncset.done $0x0  }
0x19a: {  	s26 =	simm.s32 $0x30C0;
	[sflag:s7] =	ssyncadd.s32 $0xFFFF9800  }
0x19b: {  	[tilespmem:s8], [sflag:$0x4] =	stream.indirect.gather [hbm4b:s3+s13], $0x20, s26, s13, $0xb8;
	[tilespmem:$0x1D400] =	vst v63  }
0x19c: {  	_ =	swait.ge [sflag:s16], $0x6800  }
0x19d: {  	[sflag:s16] =	ssyncset.done $0x0  }
0x19e: {  	s28 =	rddreg [dreg:$0xf];
	[sflag:s16] =	ssyncadd.s32 $0xFFFF9800  }
0x19f: {  	[hbm4b:s28+s2] =	stream.linear.scatter [tilespmem:s11], [sflag:$0x5], $0x6800, $0x38;
	[tilespmem:$0x1D400] =	vst v63  }
0x1a0: {  	_ =	swait.ge [sflag:s15], $0x6800  }
0x1a1: {  	[sflag:s15] =	ssyncset.done $0x0  }
0x1a2: {  	s29 =	rddreg [dreg:$0x10];
	[sflag:s15] =	ssyncadd.s32 $0xFFFF9800  }
0x1a3: {  	[hbm4b:s29+s2] =	stream.linear.scatter [tilespmem:s10], [sflag:$0x6], $0x6800, $0x38;
	[tilespmem:$0x1D400] =	vst v63  }
0x1a4: {  	_ =	swait.ge [sflag:s14], $0x6800  }
0x1a5: {  	[sflag:s14] =	ssyncset.done $0x0  }
0x1a6: {  	s30 =	rddreg [dreg:$0x11];
	[sflag:s14] =	ssyncadd.s32 $0xFFFF9800  }
0x1a7: {  	[hbm4b:s30+s2] =	stream.linear.scatter [tilespmem:s9], [sflag:$0x7], $0x6800, $0x38;
	[tilespmem:$0x1D400] =	vst v63  }
0x1a8: {  	_ =	swait.ge [sflag:s12], $0x6800  }
0x1a9: {  	[sflag:s12] =	ssyncset.done $0x0  }
0x1aa: {  	s31 =	rddreg [dreg:$0x12];
	[sflag:s12] =	ssyncadd.s32 $0xFFFF9800  }
0x1ab: {  	[hbm4b:s31+s2] =	stream.linear.scatter [tilespmem:s8], [sflag:$0x8], $0x6800, $0x38;
	[tilespmem:$0x1D400] =	vst v63  }
0x1ac: {  	_ =	swait.ge [sflag:s4], $0x6800  }
0x1ad: {  	[sflag:s4] =	ssyncset.done $0x0  }
0x1ae: {  	[sflag:s4] =	ssyncadd.s32 $0xFFFF9800  }
0x1af: {  	_ =	swait.ge [sflag:s5], $0x6800  }
0x1b0: {  	[sflag:s5] =	ssyncset.done $0x0  }
0x1b1: {  	[sflag:s5] =	ssyncadd.s32 $0xFFFF9800  }
0x1b2: {  	_ =	swait.ge [sflag:s6], $0x6800  }
0x1b3: {  	[sflag:s6] =	ssyncset.done $0x0  }
0x1b4: {  	[sflag:s6] =	ssyncadd.s32 $0xFFFF9800  }
0x1b5: {  	_ =	swait.ge [sflag:s7], $0x6800  }
0x1b6: {  	[sflag:s7] =	ssyncset.done $0x0  }
0x1b7: {  	[sflag:s7] =	ssyncadd.s32 $0xFFFF9800  }
0x1b8: {  	_ =	sfence.sel $0x180000  }
0x1b9: {  	[bflag:$0x0] =	sbarrier.arrive $0xFFFF  }
0x1ba: {  	_ =	strace $0x90000047  }
0x1bb: {  	[bflag:$0x2] =	sbarrier.arrive $0xFFFF  }
0x1bc: {  	p0 =	sne.s32 s17, $0x0;
	s0 =	rddreg [dreg:$0x2]  }
0x1bd: {  	s0 =	sadd.s32 @!p0 $0x100000, s0  }
0x1be: {  	[sflag:s0] =	ssyncadd.tile.s32 @!p0 $0x1;
	_ =	shalt  }
.LBB2_1:
.Ltmp3:
0x1bf: {  	(pc) =	sbr.rel .LBB2_6-.Ltmp3, $4  }
0x1c0: {  	s18 =	simm.s32 $0xD00;
	s30 =	simm.s32 $0x1040  }
0x1c1: {  	s29 =	simm.s32 $0x1380;
	s28 =	simm.s32 $0x16C0;
	s26 =	simm.s32 $0x1A00  }
0x1c2: {  	s25 =	simm.s32 $0x1D40;
	s24 =	simm.s32 $0x2080;
	s23 =	simm.s32 $0x23C0  }
0x1c3: {  	s22 =	simm.s32 $0x2700;
	s20 =	simm.s32 $0x2A40;
	s19 =	simm.s32 $0x2D80  }
.LBB2_3:
.Ltmp4:
0x1c4: {  	(pc) =	sbr.rel .LBB2_6-.Ltmp4, $4  }
0x1c5: {  	s18 =	simm.s32 $0xD00;
	s30 =	simm.s32 $0x1040;
	s29 =	simm.s32 $0x1380  }
0x1c6: {  	s28 =	simm.s32 $0x16C0;
	s26 =	simm.s32 $0x1A00;
	s25 =	simm.s32 $0x1D40  }
0x1c7: {  	s24 =	simm.s32 $0x2080;
	s23 =	simm.s32 $0x23C0;
	s22 =	simm.s32 $0x2700  }
0x1c8: {  	s20 =	simm.s32 $0x2A40;
	s19 =	simm.s32 $0x2D80;
	s17 =	stileid.u32  }
.Lfunc_end2:
_tile_overlayer_lowered:
.L_overlay_start_2:
0x1c9: {  	(tag) =	ssettag $0x2  }
0x1ca: {  	s0 =	rddreg [dreg:$0x0];
	s2 =	stileid.u32  }
0x1cb: {  	s1 =	rddreg [dreg:$0x1];
	p0 =	sne.s32 s2, $0x0  }
0x1cc: {  	s3 =	rddreg [dreg:$0x2];
	[bflag:$0x3] =	sbarrier.arrive $0xFFFF;
	s2 =	simm.s32 @!p0 $0x1C09  }
0x1cd: {  	[timem:s3], [sflag:s2] =	dma.local @!p0 [hbm:s0], s1  }
0x1ce: {  	s0 =	simm.s32 @!p0 $0x9  }
0x1cf: {  	_ =	swait.ge @!p0 [sflag:s0], s1  }
0x1d0: {  	s1 =	ssub.s32 @!p0 $0x0, s1;
	[sflag:s0] =	ssyncset.done @!p0 $0x0  }
0x1d1: {  	[sflag:s0] =	ssyncadd.s32 @!p0 s1  }
0x1d2: {  	[bflag:$0x3] =	sbarrier.arrive $0xFFFF  }
0x1d3: {  	_ =	shalt  }

// kernel: sparse-core-data-format-call.cloned.1.call-start
scs
called_computation_lowered:
.L_overlay_start_0:
0x0: {  	s2 =	sld [smem:$0x3FD9]  }
0x1: {  	s3 =	sld [smem:$0x3FFE];
	_ =	sdelay $0x1  }
0x2: {  	s1 =	srdreg.scid  }
0x3: {  	s0 =	sand.u32 $0x1, s1  }
0x4: {  	s18 =	sshll.u32 s0, $0xA;
	s2 =	sadd.s32 s3, s2  }
0x5: {  	s2 =	sadd.s32 s2, s18  }
0x6: {  	[smem:$0x3FC6] =	sst s2  }
0x7: {  	_ = 	snop  }
0x8: {  	s2 =	sld [smem:$0x3FD0];
	(tm) =	ssettm $0x1  }
0x9: {  	s19 =	sld [smem:$0x3FFB];
	_ =	sdelay $0x3  }
0xa: {  	_ =	strace s19  }
0xb: {  	s3 =	sld [smem:$0x3FFC];
	_ =	sdelay $0x3  }
0xc: {  	_ =	strace s3  }
0xd: {  	s3 =	sld [smem:$0x3FFD];
	_ =	sdelay $0x3  }
0xe: {  	_ =	strace s3  }
0xf: {  	_ =	strace $0x8FFFFFFF  }
0x10: {  	s20 =	sld [smem:$0x3FDB];
	_ =	sdelay $0x1  }
0x11: {  	s4 =	simm.s32 $_scs_section_size  }
0x12: {  	s5 =	simm.s32 $_size__tile_overlayer_lowered;
	s6 =	simm.s32 $_tile_overlayer_lowered  }
0x13: {  	s23 =	simm.s32 $0x1BFF;
	s22 =	sshll.u32 s6, $0x1;
	s3 =	sadd.s32 s4, s20  }
0x14: {  	s7 =	simm.s32 $0x0;
	s21 =	sshll.u32 s5, $0x1;
	s5 =	sadd.s32 s22, s3  }
0x15: {  	[timem:s7], [sflag:s23] =	dma.local [hbm:s5], s21  }
0x16: {  	_ =	swait.ge [sflag:s23], s21  }
0x17: {  	s4 =	ssub.s32 $0x0, s21;
	[sflag:s23] =	ssyncset.done $0x0  }
0x18: {  	[sflag:s23] =	ssyncadd.s32 s4;
	_ =	sdelay $0x1  }
0x19: {  	s24 =	simm.s32 $0x1B8B  }
0x1a: {  	_ =	swait.ge [sflag:s24], $0x1  }
0x1b: {  	[sflag:s24] =	ssyncset.done $0x0  }
0x1c: {  	s26 =	simm.s32 $0x1B8E;
	s25 =	sld [smem:$0x3FFE];
	[sflag:s24] =	ssyncadd.s32 $0xFFFFFFFF  }
0x1d: {  	s27 =	simm.s32 $execute0_lowered;
	[smem:$0x3FD2] =	sst s26  }
0x1e: {  	s5 =	sshll.u32 s27, $0x1;
	_ =	strace $0x80000049;
	[dreg:$0x1] =	wrdreg $0xFFFFFFFF  }
0x1f: {  	s28 =	simm.s32 $_size_execute0_lowered;
	s3 =	sadd.s32 s3, s5;
	[dreg:$0x0] =	wrdreg $0x0  }
0x20: {  	s5 =	sshll.u32 s28, $0x1;
	[dreg:$0x2] =	wrdreg s3  }
0x21: {  	[dreg:$0x3] =	wrdreg s5  }
0x22: {  	[dreg:$0x4] =	wrdreg $0xC0  }
0x23: {  	_ =	task [dreg:s7], $0x5FFFF  }
0x24: {  	[dreg:$0x1] =	wrdreg $0xFFFFFFFF  }
0x25: {  	[dreg:$0x0] =	wrdreg $0x60  }
0x26: {  	[dreg:$0x2] =	wrdreg s25  }
0x27: {  	[dreg:$0x3] =	wrdreg s2  }
0x28: {  	[dreg:$0x4] =	wrdreg $0x9  }
0x29: {  	_ =	task.clear_ibuf [dreg:s7], $0x5FFFF;
	_ =	strace $0x90000049  }
0x2a: {  	s29 =	simm.s32 $0x9;
	_ =	strace $0x8000004B  }
0x2b: {  	_ =	swait.ge [sflag:s29], $0x1  }
0x2c: {  	[sflag:s29] =	ssyncadd.s32 $0xFFFFFFFF  }
0x2d: {  	_ =	strace $0x9000004B  }
0x2e: {  	_ =	sfence  }
0x2f: {  	s30 =	sld [smem:$0x0];
	_ =	sdelay $0x2  }
0x30: {  	s31 =	sshll.u32 s1, $0xD;
	s1 =	sshrl.u32 s1, $0x2  }
0x31: {  	s3 =	sand.u32 $0x4000, s31;
	s1 =	sadd.s32 s1, s30  }
0x32: {  	s0 =	sor.u32 s3, s0;
	s1 =	sshll.u32 s1, $0x11  }
0x33: {  	s0 =	sor.u32 s1, s0  }
0x34: {  	s0 =	sadd.s32 $0x8F2B, s0  }
0x35: {  	[sflag:s0] =	ssyncadd.remote.s32 $0x1  }
0x36: {  	_ =	sfence.sel $0xFFFF  }
0x37: {  	[dreg:$0x0] =	wrdreg $0xFFFFFFFF;
	(pc) =	sbr.abs _section_cstart, $3  }
0x38: {  	[dreg:$0x1] =	wrdreg $0xFFFFFFFF  }
0x39: {  	_ =	task.clear_ibuf [dreg:s7], $0x2FFFF;
	_ =	strace $0x9FFFFFFF  }
0x3a: {  	(tm) =	ssettm $0x7FFFFFFF  }
0x3b: {  	_ =	shalt  }
tec
execute0_lowered:
.L_overlay_start_1:
0x0: {  	(tag) =	ssettag $0x1  }
0x1: {  	s0 =	srdreg.scid  }
0x2: {  	s1 =	sshll.u32 s0, $0x4  }
0x3: {  	s0 =	stileid.u32;
	s1 =	sand.u32 $0x10, s1  }
0x4: {  	s1 =	sor.u32 s0, s1  }
0x5: {  	s6 =	rddreg [dreg:$0x0];
	s4 =	simm.s32 $0x1;
	s2 =	sshll.u32 s1, $0x7  }
0x6: {  	s7 =	simm.s32 $0x2;
	s12 =	simm.s32 $0x0;
	s1 =	ssub.s32 $0x4000, s2  }
0x7: {  	s8 =	simm.s32 $0x20000;
	s13 =	simm.s32 $0x0;
	s3 =	sand.u32 $0xF80, s1  }
0x8: {  	s9 =	simm.s32 $0x0;
	s5 =	sshrl.u32 s1, $0xC;
	p0 =	sne.s32 s3, $0x0  }
.Ltmp0:
0x9: {  	s1 =	rddreg [dreg:$0x2];
	s4 =	simm.s32 @!p0 $0x0;
	(pc) =	sbr.rel .LBB1_1-.Ltmp0, $4  }
0xa: {  	s11 =	simm.s32 $0x0;
	s3 =	rddreg [dreg:$0x1];
	s5 =	sadd.s32 s4, s5  }
0xb: {  	_ =	strace $0x8000004A;
	s4 =	simm.s32 $0x1;
	s5 =	smul.u32 $0x1A, s5  }
0xc: {  	s6 =	sadd.s32 $0xA00, s6;
	s10 =	smov.u32 s2;
	[sflag:s4] =	ssyncpa.u1 $0x0  }
0xd: {  	p0 =	por $0x0, $0x0;
	[sflag:s7] =	ssyncpa.u1 $0x0;
	s7 =	sor.u32 $0x1, s5  }
.LBB1_4:
0xe: {  	s16 =	sshll.u32 s13, $0x3;
	s17 =	sand.u32 $0x78, s13  }
0xf: {  	s30 =	sand.u32 $0xF800, s13;
	s12 =	sshll.u32 s12, $0x10;
	s16 =	sand.u32 $0x3C00, s16  }
0x10: {  	s31 =	sand.u32 $0x7, s13;
	s16 =	sor.u32 s17, s16;
	s17 =	sadd.s32 s3, s30  }
0x11: {  	s13 =	sshll.u32 s31, $0x12;
	s16 =	sshrl.u32 s16, $0x3;
	s12 =	sadd.s32 s12, s17  }
0x12: {  	[tilespmem:s15+$0x0 ss:$0x81] =	vst.msk $0xffff, v0;
	s13 =	sor.u32 $0x400, s13;
	s12 =	sadd.s32 s16, s12  }
0x13: {  	[hbm4b:s12+s13] =	stream.strided.scatter [tilespmem:s14], [sflag:$0x2], $0x1000, s8, s13, $0x20;
	[tilespmem:$0x4040] =	vst v63  }
.LBB1_5:
0x14: {  	s14 =	sadd.s32 $0x1, s9  }
0x15: {  	s12 =	sadd.s32 $0x1000, s10;
	s16 =	smov.u32 s10;
	p2 =	sgt.s32 s14, $0x19  }
0x16: {  	s16 =	smov.u32 @p2 s12  }
0x17: {  	s14 =	simm.s32 @p2 $0x0;
	p2 =	sgt.s32 s16, $0x3FFF  }
0x18: {  	s16 =	smov.u32 @p2 s2;
	p2 =	sne.s32 s11, s7  }
.Ltmp1:
0x19: {  	p1 =	slt.u32 s11, $0x2;
	(pc) =	sbr.rel @!p2 .LBB1_6-.Ltmp1, $4  }
0x1a: {  	s15 =	simm.s32 @!p1 $0x2  }
0x1b: {  	s13 =	smov.u32 s10;
	p0 =	por !p0, !p0;
	_ =	swait.ge @!p1 [sflag:s15], $0x1000  }
0x1c: {  	s12 =	smov.u32 s9;
	[sflag:s15] =	ssyncset.done @!p1 $0x0;
	s9 =	smov.u32 s14  }
0x1d: {  	s11 =	sadd.s32 $0x1, s11;
	[sflag:s15] =	ssyncadd.s32 @!p1 $0xFFFFF000;
	s10 =	smov.u32 s16  }
.LBB1_1:
0x1e: {  	p1 =	sge.u32 s11, s5  }
0x1f: {  	s31 =	sadd.s32 $0xFFFFFFFF, s11;
	s14 =	sxor.u32 @!p1 $0xFFFFFFFF, s11  }
0x20: {  	s15 =	sshll.u32 @!p1 s10, $0x9;
	s16 =	sshll.u32 @!p1 s9, $0x4;
	s17 =	simm.s32 @!p1 $0x1000  }
0x21: {  	s14 =	sshll.u32 @!p1 s14, $0xC;
	s16 =	sand.u32 @!p1 $0x1F0, s16;
	s15 =	sadd.s32 @!p1 s6, s15  }
0x22: {  	s14 =	sand.u32 @!p1 $0x1000, s14;
	s15 =	sadd.s32 @!p1 s16, s15;
	s16 =	simm.s32 @!p1 $0x20  }
0x23: {  	[tilespmem:s14], [sflag:$0x1] =	stream.strided.gather @!p1 [hbm4b:s15+s16], $0x1000, s17, s16, $0x38;
	[tilespmem:$0x4040] =	vst v63  }
0x24: {  	p1 =	sge.u32 s31, s5  }
.Ltmp2:
0x25: {  	_ = 	snop;
	(pc) =	sbr.rel @p1 .LBB1_5-.Ltmp2, $1  }
0x26: {  	_ =	sdelay $0x3  }
0x27: {  	s14 =	simm.s32 $0x1  }
0x28: {  	_ =	swait.ge [sflag:s4], $0x1000;
	s14 =	simm.s32 @!p0 $0x0  }
0x29: {  	[sflag:s4] =	ssyncset.done $0x0;
	s15 =	sshll.u32 s14, $0xC  }
0x2a: {  	[sflag:s4] =	ssyncadd.s32 $0xFFFFF000;
	s18 =	sor.u32 $0x10, s15  }
0x2b: {  	s14 =	smul.u32 $0x4080, s14;
	v1 =	vld [tilespmem:s18+$0x0]  }
0x2c: {  	s30 =	sand.u32 $0x1, s11;
	v0 =	vld [tilespmem:s18+$0xFFFFFFF0]  }
0x2d: {  	s15 =	smul.u32 $0x4080, s30;
	s14 =	sshrl.u32 s14, $0x2  }
0x2e: {  	s16 =	sor.u32 $0x2000, s14  }
0x2f: {  	s31 =	sshrl.u32 s15, $0x2;
	s15 =	sadd.s32 $0x0, s16  }
0x30: {  	s17 =	simm.s32 $0x4;
	s18 =	sadd.s32 $0x20, s18;
	s14 =	sor.u32 $0x2000, s31;
	[tilespmem:s15+$0x810 ss:$0x81] =	vst.msk $0xffff, v1  }
.LBB1_3:
0x31: {  	v1 =	vld [tilespmem:s18+$0x0];
	p1 =	sne.s32 s17, $0x1FC;
	[tilespmem:s15+$0x0 ss:$0x81] =	vst.msk $0xffff, v0;
	s15 =	smov.u32 s17;
	s17 =	sadd.s32 $0x4, s17  }
.Ltmp3:
0x32: {  	v0 =	vld [tilespmem:s18+$0xFFFFFFF0];
	(pc) =	sbr.rel @p1 .LBB1_3-.Ltmp3, $4  }
0x33: {  	_ = 	snop  }
0x34: {  	s15 =	sshra.s32 s15, $0x2  }
0x35: {  	s15 =	sadd.s32 s15, s16  }
0x36: {  	s18 =	sadd.s32 $0x20, s18;
	[tilespmem:s15+$0x810 ss:$0x81] =	vst.msk $0xffff, v1  }
.Ltmp4:
0x37: {  	_ = 	snop;
	(pc) =	sbr.rel .LBB1_4-.Ltmp4, $1  }
0x38: {  	_ =	sdelay $0x3  }
.LBB1_6:
0x39: {  	_ =	sfence.sel $0x180000  }
0x3a: {  	s2 =	simm.s32 $0x1;
	[bflag:$0x0] =	sbarrier.arrive $0xFFFF  }
0x3b: {  	s31 =	simm.s32 $0x2;
	[sflag:s2] =	ssyncpa.u1 $0x1  }
0x3c: {  	[sflag:s31] =	ssyncpa.u1 $0x1  }
0x3d: {  	p0 =	sne.s32 s0, $0x0;
	_ =	strace $0x9000004A  }
0x3e: {  	s0 =	sadd.s32 @!p0 $0x100000, s1;
	[bflag:$0x2] =	sbarrier.arrive $0xFFFF  }
0x3f: {  	[sflag:s0] =	ssyncadd.tile.s32 @!p0 $0x1;
	_ =	shalt  }
.Lfunc_end1:
_tile_overlayer_lowered:
.L_overlay_start_2:
0x40: {  	(tag) =	ssettag $0x2  }
0x41: {  	s0 =	rddreg [dreg:$0x0];
	s2 =	stileid.u32  }
0x42: {  	s1 =	rddreg [dreg:$0x1];
	p0 =	sne.s32 s2, $0x0  }
0x43: {  	s3 =	rddreg [dreg:$0x2];
	[bflag:$0x3] =	sbarrier.arrive $0xFFFF;
	s2 =	simm.s32 @!p0 $0x1C01  }
0x44: {  	[timem:s3], [sflag:s2] =	dma.local @!p0 [hbm:s0], s1  }
0x45: {  	s0 =	simm.s32 @!p0 $0x1  }
0x46: {  	_ =	swait.ge @!p0 [sflag:s0], s1  }
0x47: {  	s1 =	ssub.s32 @!p0 $0x0, s1;
	[sflag:s0] =	ssyncset.done @!p0 $0x0  }
0x48: {  	[sflag:s0] =	ssyncadd.s32 @!p0 s1  }
0x49: {  	[bflag:$0x3] =	sbarrier.arrive $0xFFFF  }
0x4a: {  	_ =	shalt  }

</sc_bundles>
